<compile_context>
chip_gen: v7x
topology: tpu7x:2x2x1
jax: 0.10.2.dev20260603
libtpu: 0.0.44.dev20260713+nightly
codegen_flags: <defaults>
</compile_context>

<pallas_src>
import functools

import jax
import jax.numpy as jnp
from jax import lax
from jax.experimental import pallas as pl
from jax.experimental.pallas import tpu as pltpu
import jax.experimental.pallas.tpu_sc as plsc

N = 50000
E = 800000
T = 4
IN = 8
OUT = 8
B = 4
D = B * OUT
NC = 2
NS = 16
NW = NC * NS
KB = 128
NBLKG = E // KB
CBLK = 25
NCH = NBLKG // CBLK
CHF = NCH // NW
CHX = NCH - NW * CHF
NBUF = 5
RPT = N // NS
ZR = 25
OCT = (N // 8) // NW
OCTX = (N // 8) - NW * OCT
MC = 784
NP = 50048
NB_TC = 2176
GRID = NP // NB_TC


def _xw_body(x_ref, w_ref, b_ref, o_ref):
    o_ref[...] = lax.dot_general(
        x_ref[...], w_ref[...], (((0,), (0,)), ((), ())),
        preferred_element_type=jnp.float32) + b_ref[...]


def _xw_call(x2, wmat, brow):
    return pl.pallas_call(
        _xw_body,
        grid=(GRID,),
        in_specs=[pl.BlockSpec((B * IN, NB_TC), lambda i: (0, i)),
                  pl.BlockSpec((B * IN, T * D), lambda i: (0, 0)),
                  pl.BlockSpec((1, T * D), lambda i: (0, 0))],
        out_specs=pl.BlockSpec((NB_TC, T * D), lambda i: (i, 0)),
        out_shape=jax.ShapeDtypeStruct((NP, T * D), jnp.float32),
    )(x2, wmat, brow)


_mesh = plsc.VectorSubcoreMesh(core_axis_name="c", subcore_axis_name="s")


@functools.partial(
    pl.kernel,
    out_type=jax.ShapeDtypeStruct((NC, N, D), jnp.float32),
    mesh=_mesh,
    scratch_types=[
        pltpu.VMEM((CBLK, 2, KB), jnp.int32),
        pltpu.VMEM((CBLK, KB), jnp.int32),
        [pltpu.VMEM((KB, D), jnp.float32) for _ in range(NBUF)],
        pltpu.VMEM((ZR, D), jnp.float32),
        pltpu.VMEM_SHARED((N, D), jnp.float32),
        [pltpu.SemaphoreType.DMA for _ in range(NBUF)],
    ],
    compiler_params=pltpu.CompilerParams(use_tc_tiling_on_sc=False),
)
def _sc_accum(xw_hbm, ei_hbm, t_hbm, y_hbm,
              ei_v, t_v, rows_v, zb_v, acc_sh, sems):
    c = lax.axis_index("c")
    s = lax.axis_index("s")
    wid = c * NS + s
    z16 = jnp.zeros((16,), jnp.float32)

    def _zrow(i, carry):
        zb_v[i, pl.ds(0, 16)] = z16
        zb_v[i, pl.ds(16, 16)] = z16
        return carry

    lax.fori_loop(0, ZR, _zrow, 0)

    base = s * RPT

    def _zcp(j, carry):
        pltpu.sync_copy(zb_v, acc_sh.at[pl.ds(base + j * ZR, ZR)])
        return carry

    lax.fori_loop(0, RPT // ZR, _zcp, 0)
    plsc.subcore_barrier()

    ch0 = wid * CHF + jnp.minimum(wid, CHX)
    nch = jnp.where(wid < CHX, CHF + 1, CHF)

    def _chunk(q, carry):
        blk0 = (ch0 + q) * CBLK
        pltpu.sync_copy(ei_hbm.at[pl.ds(blk0, CBLK)], ei_v)
        pltpu.sync_copy(t_hbm.at[pl.ds(blk0, CBLK)], t_v)

        def _g(j, inner):
            for h in range(KB // 16):
                sl = pl.ds(16 * h, 16)
                ei_v[j, 1, sl] = ei_v[j, 1, sl] * T + t_v[j, sl]
            return inner

        lax.fori_loop(0, CBLK, _g, 0)

        for i in range(NBUF):
            pltpu.async_copy(xw_hbm.at[ei_v.at[i, 1]], rows_v[i], sems[i])

        def _group(p, inner):
            for i in range(NBUF):
                j = NBUF * p + i
                pltpu.make_async_copy(
                    xw_hbm.at[ei_v.at[j, 1]], rows_v[i], sems[i]).wait()
                pltpu.sync_copy(rows_v[i], acc_sh.at[ei_v.at[j, 0]], add=True)

                @pl.when(j + NBUF < CBLK)
                def _():
                    pltpu.async_copy(
                        xw_hbm.at[ei_v.at[j + NBUF, 1]], rows_v[i], sems[i])
            return inner

        lax.fori_loop(0, CBLK // NBUF, _group, 0)
        return carry

    lax.fori_loop(0, nch, _chunk, 0)
    plsc.subcore_barrier()
    pltpu.sync_copy(acc_sh.at[pl.ds(base, RPT)],
                    y_hbm.at[c, pl.ds(base, RPT)])


def _merge_chunk(yp_hbm, y_hbm, p0_v, p1_v, pt_v, nb, rows):
    pltpu.sync_copy(yp_hbm.at[0, pl.ds(nb, rows)], p0_v.at[pl.ds(0, rows)])
    pltpu.sync_copy(yp_hbm.at[1, pl.ds(nb, rows)], p1_v.at[pl.ds(0, rows)])
    lo = lax.iota(jnp.int32, 16)
    hi = lo + 16

    def _row(r, carry):
        v0 = p0_v[r, pl.ds(0, 16)] + p1_v[r, pl.ds(0, 16)]
        v1 = p0_v[r, pl.ds(16, 16)] + p1_v[r, pl.ds(16, 16)]
        rr = jnp.full((16,), 0, jnp.int32) + r
        plsc.store_scatter(pt_v, [lo, rr], v0)
        plsc.store_scatter(pt_v, [hi, rr], v1)
        return carry

    lax.fori_loop(0, rows, _row, 0)
    for b in range(B):
        pltpu.sync_copy(pt_v.at[pl.ds(b * OUT, OUT), pl.ds(0, rows)],
                        y_hbm.at[b, pl.ds(0, OUT), pl.ds(nb, rows)])


@functools.partial(
    pl.kernel,
    out_type=jax.ShapeDtypeStruct((B, OUT, N), jnp.float32),
    mesh=_mesh,
    scratch_types=[
        pltpu.VMEM((MC, D), jnp.float32),
        pltpu.VMEM((MC, D), jnp.float32),
        pltpu.VMEM((D, MC), jnp.float32),
    ],
    compiler_params=pltpu.CompilerParams(use_tc_tiling_on_sc=False,
                                         needs_layout_passes=False),
)
def _sc_merge(yp_hbm, y_hbm, p0_v, p1_v, pt_v):
    c = lax.axis_index("c")
    s = lax.axis_index("s")
    wid = c * NS + s

    @pl.when(wid < OCTX)
    def _():
        nb = wid * (OCT + 1) * 8
        _merge_chunk(yp_hbm, y_hbm, p0_v, p1_v, pt_v, nb, MC)
        _merge_chunk(yp_hbm, y_hbm, p0_v, p1_v, pt_v, nb + MC, MC)

    @pl.when(wid >= OCTX)
    def _():
        nb = (wid * OCT + OCTX) * 8
        _merge_chunk(yp_hbm, y_hbm, p0_v, p1_v, pt_v, nb, MC)
        _merge_chunk(yp_hbm, y_hbm, p0_v, p1_v, pt_v, nb + MC, MC - 8)


def kernel(input, edge_index, edge_types, weight_vector, bias_vector):
    x = input.astype(jnp.float32)
    W = weight_vector.reshape(T, OUT, IN)
    bias = bias_vector.reshape(T, OUT)

    Wt = jnp.transpose(W, (2, 0, 1))
    eye = jnp.eye(B, dtype=jnp.float32)
    wfull = eye[:, None, None, :, None] * Wt[None, :, :, None, :]
    wmat = wfull.reshape(B * IN, T * B * OUT)
    brow = jnp.broadcast_to(bias[:, None, :], (T, B, OUT)).reshape(1, T * B * OUT)

    x2 = jnp.pad(jnp.transpose(x, (0, 2, 1)).reshape(B * IN, N),
                 ((0, 0), (0, NP - N)))
    xw = _xw_call(x2, wmat, brow).reshape(NP * T, D)

    ei3 = jnp.transpose(edge_index.astype(jnp.int32).reshape(2, NBLKG, KB),
                        (1, 0, 2))
    tp = edge_types.astype(jnp.int32).reshape(NBLKG, KB)

    ypart = _sc_accum(xw, ei3, tp)
    return jnp.transpose(_sc_merge(ypart), (0, 2, 1))

# --- scband reference (transcript-rebuilt; emitter-appended) ---
"""Pipeline reference for scband-pixel-gnn-8091718385775 (READ-ONLY COPY).

The authoritative reference and input builder live on the scoring server;
editing this copy changes nothing except your own understanding.
"""

import jax, jax.numpy as jnp
import numpy as np

N = 50000      # nodes
E = 800000     # edges
T = 4          # number of original edge types
IN = 8         # in_features per node
OUT = 8        # out_features per node
B = 4          # batch


def setup_inputs(seed: int = 0) -> dict:
    key = jax.random.key(seed)
    k1, k2, k3, k4, k5 = jax.random.split(key, 5)
    x = jax.random.normal(k1, (B, N, IN), dtype=jnp.float32)
    edge_index = jax.random.randint(k2, (2, E), 0, N)          # row 0 = target, row 1 = source
    edge_types = jax.random.randint(k3, (E,), 0, T)            # zero-based edge types (torch uses 1-based)
    bound = 1.0 / np.sqrt(IN)
    # weight_vector of the expanded weight_graph: max_edge_type = T*OUT*IN
    weight_vector = jax.random.uniform(k4, (T * OUT * IN,), dtype=jnp.float32, minval=-bound, maxval=bound)
    # bias_vector of the expanded bias_graph: max_edge_type = T*OUT
    bias_vector = jax.random.uniform(k5, (T * OUT,), dtype=jnp.float32, minval=-bound, maxval=bound)
    return {"input": x, "edge_index": edge_index, "edge_types": edge_types,
            "weight_vector": weight_vector, "bias_vector": bias_vector}


def reference(input, edge_index, edge_types, weight_vector, bias_vector):
    # Faithful translation of GraphConvNet with features=[IN, OUT]:
    # a single GraphConvLayer (self_loop=False, bias=True).
    # The torch layer builds a sparse [N*OUT, N*IN] matrix whose (t*OUT+i, s*IN+j)
    # entry for an edge (t, s) of type e is weight_vector[((e)*OUT + i)*IN + j]
    # (types here zero-based), i.e. a dense OUT x IN block per edge type, then
    # does torch.sparse.mm(weight_matrix, x) with duplicate-index accumulation
    # (scatter-add over target nodes). Bias adds, per edge into t, the length-OUT
    # vector bias_vector[e*OUT : (e+1)*OUT].
    Bq, Nq, INq = input.shape
    W = weight_vector.reshape(T, OUT, IN)          # per-edge-type dense block
    bvec = bias_vector.reshape(T, OUT)             # per-edge-type bias block
    dst = edge_index[0]
    src = edge_index[1]
    xs = input[:, src, :]                          # gather  [B, E, IN]
    We = W[edge_types]                             # gather  [E, OUT, IN]
    msgs = jnp.einsum('eoi,bei->beo', We, xs)      # per-edge block matvec [B, E, OUT]
    y = jnp.zeros((Bq, Nq, OUT), dtype=input.dtype).at[:, dst, :].add(msgs)  # scatter-add
    b = jnp.zeros((Nq, OUT), dtype=input.dtype).at[dst].add(bvec[edge_types])
    y = y + b[None, :, :]
    # torch returns x of shape [N*OUT, batch]; this is the same tensor laid out
    # as [batch, N, OUT].
    return y

if __name__ == "__main__":
    import jax
    _d = setup_inputs()
    print(jax.jit(kernel)(*tuple(_d.values())))

</pallas_src>

<mosaic_0001>
#map = affine_map<(d0, d1) -> (0, 0, 0)>
module attributes {stable_mosaic.version = 14 : i64} {
  func.func @_sc_merge(%arg0: i32, %arg1: i32, %arg2: memref<2x50000x32xf32, #tpu.memory_space<hbm>>, %arg3: memref<4x8x50000xf32, #tpu.memory_space<hbm>>, %arg4: memref<784x32xf32, #tpu.memory_space<vmem>>, %arg5: memref<784x32xf32, #tpu.memory_space<vmem>>, %arg6: memref<32x784xf32, #tpu.memory_space<vmem>>) attributes {dimension_semantics = [#tpu.dimension_semantics<core_parallel>, #tpu.dimension_semantics<subcore_parallel>], iteration_bounds = array<i64: 2, 16>, scalar_prefetch = 0 : i64, scratch_operands = 3 : i64, tpu.core_type = #tpu.core_type<sc_vector_subcore>, window_params = [{transform_indices = #map}, {transform_indices = #map}]} {
    %mul3A = arith.constant 16 : i32
    %mul3A_0 = arith.muli %arg0, %mul3A : i32
    %add3A = arith.addi %mul3A_0, %arg1 : i32
    %lt3A = arith.constant 10 : i32
    %lt3A_1 = arith.cmpi slt, %add3A, %lt3A : i32
    %convert_element_type3A = arith.extui %lt3A_1 : i1 to i32
    %cond3A = arith.constant 0 : i32
    %cond3A_2 = arith.cmpi ne, %convert_element_type3A, %cond3A : i32
    scf.if %cond3A_2 {
      %mul3A_7 = arith.constant 196 : i32
      %mul3A_8 = arith.muli %add3A, %mul3A_7 : i32
      %mul3A_9 = arith.constant 8 : i32
      %mul3A_10 = arith.muli %mul3A_8, %mul3A_9 : i32
      %run_scoped3A = arith.constant 0 : i32
      "tpu.region"() ({
        %run_scoped3A_42 = tpu.sem_alloc : memref<!tpu.dma_semaphore, #tpu.memory_space<semaphore_mem>>
        %dma_start3A = arith.constant 0 : i32
        %dma_start3A_43 = arith.constant 0 : i32
        %dma_start3A_44 = tpu.memref_slice %arg4[%dma_start3A, %dma_start3A_43] : memref<784x32xf32, #tpu.memory_space<vmem>> -> memref<784x32xf32, #tpu.memory_space<vmem>>
        %dma_start3A_45 = arith.constant 0 : i32
        %dma_start3A_46 = tpu.memref_slice %arg2[%run_scoped3A, %mul3A_10, %dma_start3A_45] : memref<2x50000x32xf32, #tpu.memory_space<hbm>> -> memref<1x784x32xf32, #tpu.memory_space<hbm>>
        %dma_start3A_47 = tpu.memref_squeeze %dma_start3A_46 : memref<1x784x32xf32, #tpu.memory_space<hbm>> -> memref<784x32xf32, #tpu.memory_space<hbm>>
        %dma_start3A_48 = arith.constant 0 : i32
        %dma_start3A_49 = arith.constant 0 : i32
        %dma_start3A_50 = tpu.memref_slice %arg4[%dma_start3A_48, %dma_start3A_49] : memref<784x32xf32, #tpu.memory_space<vmem>> -> memref<784x32xf32, #tpu.memory_space<vmem>>
        %dma_start3A_51 = arith.constant 0 : i32
        %dma_start3A_52 = tpu.memref_slice %arg2[%run_scoped3A, %mul3A_10, %dma_start3A_51] : memref<2x50000x32xf32, #tpu.memory_space<hbm>> -> memref<1x784x32xf32, #tpu.memory_space<hbm>>
        %dma_start3A_53 = tpu.memref_squeeze %dma_start3A_52 : memref<1x784x32xf32, #tpu.memory_space<hbm>> -> memref<784x32xf32, #tpu.memory_space<hbm>>
        tpu.enqueue_dma source(%dma_start3A_53 : memref<784x32xf32, #tpu.memory_space<hbm>>) target(%dma_start3A_50 : memref<784x32xf32, #tpu.memory_space<vmem>>) target_semaphore(%run_scoped3A_42 : memref<!tpu.dma_semaphore, #tpu.memory_space<semaphore_mem>>)
        %dma_wait3A = arith.constant 0 : i32
        %dma_wait3A_54 = arith.constant 0 : i32
        %dma_wait3A_55 = tpu.memref_slice %arg4[%dma_wait3A, %dma_wait3A_54] : memref<784x32xf32, #tpu.memory_space<vmem>> -> memref<784x32xf32, #tpu.memory_space<vmem>>
        %dma_wait3A_56 = arith.constant 0 : i32
        %dma_wait3A_57 = tpu.memref_slice %arg2[%run_scoped3A, %mul3A_10, %dma_wait3A_56] : memref<2x50000x32xf32, #tpu.memory_space<hbm>> -> memref<1x784x32xf32, #tpu.memory_space<hbm>>
        %dma_wait3A_58 = tpu.memref_squeeze %dma_wait3A_57 : memref<1x784x32xf32, #tpu.memory_space<hbm>> -> memref<784x32xf32, #tpu.memory_space<hbm>>
        %dma_wait3A_59 = arith.constant 0 : i32
        %dma_wait3A_60 = arith.constant 0 : i32
        %dma_wait3A_61 = tpu.memref_slice %arg4[%dma_wait3A_59, %dma_wait3A_60] : memref<784x32xf32, #tpu.memory_space<vmem>> -> memref<784x32xf32, #tpu.memory_space<vmem>>
        %dma_wait3A_62 = arith.constant 0 : i32
        %dma_wait3A_63 = tpu.memref_slice %arg2[%run_scoped3A, %mul3A_10, %dma_wait3A_62] : memref<2x50000x32xf32, #tpu.memory_space<hbm>> -> memref<1x784x32xf32, #tpu.memory_space<hbm>>
        %dma_wait3A_64 = tpu.memref_squeeze %dma_wait3A_63 : memref<1x784x32xf32, #tpu.memory_space<hbm>> -> memref<784x32xf32, #tpu.memory_space<hbm>>
        tpu.wait_dma2 semaphore(%run_scoped3A_42 : memref<!tpu.dma_semaphore, #tpu.memory_space<semaphore_mem>>) src(%dma_wait3A_64 : memref<784x32xf32, #tpu.memory_space<hbm>>) dst(%dma_wait3A_61 : memref<784x32xf32, #tpu.memory_space<vmem>>)
        tpu.yield
      }) : () -> ()
      %run_scoped3A_11 = arith.constant 1 : i32
      "tpu.region"() ({
        %run_scoped3A_42 = tpu.sem_alloc : memref<!tpu.dma_semaphore, #tpu.memory_space<semaphore_mem>>
        %dma_start3A = arith.constant 0 : i32
        %dma_start3A_43 = arith.constant 0 : i32
        %dma_start3A_44 = tpu.memref_slice %arg5[%dma_start3A, %dma_start3A_43] : memref<784x32xf32, #tpu.memory_space<vmem>> -> memref<784x32xf32, #tpu.memory_space<vmem>>
        %dma_start3A_45 = arith.constant 0 : i32
        %dma_start3A_46 = tpu.memref_slice %arg2[%run_scoped3A_11, %mul3A_10, %dma_start3A_45] : memref<2x50000x32xf32, #tpu.memory_space<hbm>> -> memref<1x784x32xf32, #tpu.memory_space<hbm>>
        %dma_start3A_47 = tpu.memref_squeeze %dma_start3A_46 : memref<1x784x32xf32, #tpu.memory_space<hbm>> -> memref<784x32xf32, #tpu.memory_space<hbm>>
        %dma_start3A_48 = arith.constant 0 : i32
        %dma_start3A_49 = arith.constant 0 : i32
        %dma_start3A_50 = tpu.memref_slice %arg5[%dma_start3A_48, %dma_start3A_49] : memref<784x32xf32, #tpu.memory_space<vmem>> -> memref<784x32xf32, #tpu.memory_space<vmem>>
        %dma_start3A_51 = arith.constant 0 : i32
        %dma_start3A_52 = tpu.memref_slice %arg2[%run_scoped3A_11, %mul3A_10, %dma_start3A_51] : memref<2x50000x32xf32, #tpu.memory_space<hbm>> -> memref<1x784x32xf32, #tpu.memory_space<hbm>>
        %dma_start3A_53 = tpu.memref_squeeze %dma_start3A_52 : memref<1x784x32xf32, #tpu.memory_space<hbm>> -> memref<784x32xf32, #tpu.memory_space<hbm>>
        tpu.enqueue_dma source(%dma_start3A_53 : memref<784x32xf32, #tpu.memory_space<hbm>>) target(%dma_start3A_50 : memref<784x32xf32, #tpu.memory_space<vmem>>) target_semaphore(%run_scoped3A_42 : memref<!tpu.dma_semaphore, #tpu.memory_space<semaphore_mem>>)
        %dma_wait3A = arith.constant 0 : i32
        %dma_wait3A_54 = arith.constant 0 : i32
        %dma_wait3A_55 = tpu.memref_slice %arg5[%dma_wait3A, %dma_wait3A_54] : memref<784x32xf32, #tpu.memory_space<vmem>> -> memref<784x32xf32, #tpu.memory_space<vmem>>
        %dma_wait3A_56 = arith.constant 0 : i32
        %dma_wait3A_57 = tpu.memref_slice %arg2[%run_scoped3A_11, %mul3A_10, %dma_wait3A_56] : memref<2x50000x32xf32, #tpu.memory_space<hbm>> -> memref<1x784x32xf32, #tpu.memory_space<hbm>>
        %dma_wait3A_58 = tpu.memref_squeeze %dma_wait3A_57 : memref<1x784x32xf32, #tpu.memory_space<hbm>> -> memref<784x32xf32, #tpu.memory_space<hbm>>
        %dma_wait3A_59 = arith.constant 0 : i32
        %dma_wait3A_60 = arith.constant 0 : i32
        %dma_wait3A_61 = tpu.memref_slice %arg5[%dma_wait3A_59, %dma_wait3A_60] : memref<784x32xf32, #tpu.memory_space<vmem>> -> memref<784x32xf32, #tpu.memory_space<vmem>>
        %dma_wait3A_62 = arith.constant 0 : i32
        %dma_wait3A_63 = tpu.memref_slice %arg2[%run_scoped3A_11, %mul3A_10, %dma_wait3A_62] : memref<2x50000x32xf32, #tpu.memory_space<hbm>> -> memref<1x784x32xf32, #tpu.memory_space<hbm>>
        %dma_wait3A_64 = tpu.memref_squeeze %dma_wait3A_63 : memref<1x784x32xf32, #tpu.memory_space<hbm>> -> memref<784x32xf32, #tpu.memory_space<hbm>>
        tpu.wait_dma2 semaphore(%run_scoped3A_42 : memref<!tpu.dma_semaphore, #tpu.memory_space<semaphore_mem>>) src(%dma_wait3A_64 : memref<784x32xf32, #tpu.memory_space<hbm>>) dst(%dma_wait3A_61 : memref<784x32xf32, #tpu.memory_space<vmem>>)
        tpu.yield
      }) : () -> ()
      %iota3A = tpu.iota {dimensions = array<i32: 0>} : vector<16xi32>
      %add3A_12 = arith.constant 16 : i32
      %add3A_13 = vector.broadcast %add3A_12 : i32 to vector<16xi32>
      %add3A_14 = arith.addi %iota3A, %add3A_13 : vector<16xi32>
      %scan3A = arith.constant 0 : i32
      %scan3A_15 = arith.constant 0 : i32
      %scan3A_16 = arith.constant 784 : i32
      %scan3A_17 = arith.addi %scan3A_15, %scan3A_16 : i32
      %scan3A_18 = arith.constant 1 : i32
      scf.for %scan3A_42 = %scan3A_15 to %scan3A_17 step %scan3A_18  : i32 {
        %get3A = arith.index_cast %scan3A_42 : i32 to index
        %get3A_43 = arith.constant 0 : index
        %get3A_44 = tpu.vector_load %arg4[%get3A, %get3A_43] {strides = array<i32>} : memref<784x32xf32, #tpu.memory_space<vmem>>, vector<16xf32>,
        %get3A_45 = arith.index_cast %scan3A_42 : i32 to index
        %get3A_46 = arith.constant 0 : index
        %get3A_47 = tpu.vector_load %arg5[%get3A_45, %get3A_46] {strides = array<i32>} : memref<784x32xf32, #tpu.memory_space<vmem>>, vector<16xf32>,
        %add3A_48 = arith.addf %get3A_44, %get3A_47 : vector<16xf32>
        %get3A_49 = arith.index_cast %scan3A_42 : i32 to index
        %get3A_50 = arith.constant 16 : index
        %get3A_51 = tpu.vector_load %arg4[%get3A_49, %get3A_50] {strides = array<i32>} : memref<784x32xf32, #tpu.memory_space<vmem>>, vector<16xf32>,
        %get3A_52 = arith.index_cast %scan3A_42 : i32 to index
        %get3A_53 = arith.constant 16 : index
        %get3A_54 = tpu.vector_load %arg5[%get3A_52, %get3A_53] {strides = array<i32>} : memref<784x32xf32, #tpu.memory_space<vmem>>, vector<16xf32>,
        %add3A_55 = arith.addf %get3A_51, %get3A_54 : vector<16xf32>
        %broadcast_in_dim3A = arith.constant 0 : i32
        %broadcast_in_dim3A_56 = vector.broadcast %broadcast_in_dim3A : i32 to vector<16xi32>
        %add3A_57 = vector.broadcast %scan3A_42 : i32 to vector<16xi32>
        %add3A_58 = arith.addi %broadcast_in_dim3A_56, %add3A_57 : vector<16xi32>
        tpu.vector_store_idx %arg6[%iota3A, %add3A_58], %add3A_48 : memref<32x784xf32, #tpu.memory_space<vmem>>[vector<16xi32>, vector<16xi32>], vector<16xf32>,
        tpu.vector_store_idx %arg6[%add3A_14, %add3A_58], %add3A_55 : memref<32x784xf32, #tpu.memory_space<vmem>>[vector<16xi32>, vector<16xi32>], vector<16xf32>,
      }
      %scan3A_19 = arith.constant 784 : i32
      %run_scoped3A_20 = arith.constant 0 : i32
      "tpu.region"() ({
        %run_scoped3A_42 = tpu.sem_alloc : memref<!tpu.dma_semaphore, #tpu.memory_space<semaphore_mem>>
        %dma_start3A = arith.constant 0 : i32
        %dma_start3A_43 = arith.constant 0 : i32
        %dma_start3A_44 = tpu.memref_slice %arg6[%dma_start3A, %dma_start3A_43] : memref<32x784xf32, #tpu.memory_space<vmem>> -> memref<8x784xf32, #tpu.memory_space<vmem>>
        %dma_start3A_45 = arith.constant 0 : i32
        %dma_start3A_46 = tpu.memref_slice %arg3[%run_scoped3A_20, %dma_start3A_45, %mul3A_10] : memref<4x8x50000xf32, #tpu.memory_space<hbm>> -> memref<1x8x784xf32, #tpu.memory_space<hbm>>
        %dma_start3A_47 = tpu.memref_squeeze %dma_start3A_46 : memref<1x8x784xf32, #tpu.memory_space<hbm>> -> memref<8x784xf32, #tpu.memory_space<hbm>>
        %dma_start3A_48 = arith.constant 0 : i32
        %dma_start3A_49 = tpu.memref_slice %arg3[%run_scoped3A_20, %dma_start3A_48, %mul3A_10] : memref<4x8x50000xf32, #tpu.memory_space<hbm>> -> memref<1x8x784xf32, #tpu.memory_space<hbm>>
        %dma_start3A_50 = tpu.memref_squeeze %dma_start3A_49 : memref<1x8x784xf32, #tpu.memory_space<hbm>> -> memref<8x784xf32, #tpu.memory_space<hbm>>
        %dma_start3A_51 = arith.constant 0 : i32
        %dma_start3A_52 = arith.constant 0 : i32
        %dma_start3A_53 = tpu.memref_slice %arg6[%dma_start3A_51, %dma_start3A_52] : memref<32x784xf32, #tpu.memory_space<vmem>> -> memref<8x784xf32, #tpu.memory_space<vmem>>
        tpu.enqueue_dma source(%dma_start3A_53 : memref<8x784xf32, #tpu.memory_space<vmem>>) target(%dma_start3A_50 : memref<8x784xf32, #tpu.memory_space<hbm>>) target_semaphore(%run_scoped3A_42 : memref<!tpu.dma_semaphore, #tpu.memory_space<semaphore_mem>>)
        %dma_wait3A = arith.constant 0 : i32
        %dma_wait3A_54 = arith.constant 0 : i32
        %dma_wait3A_55 = tpu.memref_slice %arg6[%dma_wait3A, %dma_wait3A_54] : memref<32x784xf32, #tpu.memory_space<vmem>> -> memref<8x784xf32, #tpu.memory_space<vmem>>
        %dma_wait3A_56 = arith.constant 0 : i32
        %dma_wait3A_57 = tpu.memref_slice %arg3[%run_scoped3A_20, %dma_wait3A_56, %mul3A_10] : memref<4x8x50000xf32, #tpu.memory_space<hbm>> -> memref<1x8x784xf32, #tpu.memory_space<hbm>>
        %dma_wait3A_58 = tpu.memref_squeeze %dma_wait3A_57 : memref<1x8x784xf32, #tpu.memory_space<hbm>> -> memref<8x784xf32, #tpu.memory_space<hbm>>
        %dma_wait3A_59 = arith.constant 0 : i32
        %dma_wait3A_60 = tpu.memref_slice %arg3[%run_scoped3A_20, %dma_wait3A_59, %mul3A_10] : memref<4x8x50000xf32, #tpu.memory_space<hbm>> -> memref<1x8x784xf32, #tpu.memory_space<hbm>>
        %dma_wait3A_61 = tpu.memref_squeeze %dma_wait3A_60 : memref<1x8x784xf32, #tpu.memory_space<hbm>> -> memref<8x784xf32, #tpu.memory_space<hbm>>
        %dma_wait3A_62 = arith.constant 0 : i32
        %dma_wait3A_63 = arith.constant 0 : i32
        %dma_wait3A_64 = tpu.memref_slice %arg6[%dma_wait3A_62, %dma_wait3A_63] : memref<32x784xf32, #tpu.memory_space<vmem>> -> memref<8x784xf32, #tpu.memory_space<vmem>>
        tpu.wait_dma2 semaphore(%run_scoped3A_42 : memref<!tpu.dma_semaphore, #tpu.memory_space<semaphore_mem>>) src(%dma_wait3A_64 : memref<8x784xf32, #tpu.memory_space<vmem>>) dst(%dma_wait3A_61 : memref<8x784xf32, #tpu.memory_space<hbm>>)
        tpu.yield
      }) : () -> ()
      %run_scoped3A_21 = arith.constant 1 : i32
      "tpu.region"() ({
        %run_scoped3A_42 = tpu.sem_alloc : memref<!tpu.dma_semaphore, #tpu.memory_space<semaphore_mem>>
        %dma_start3A = arith.constant 8 : i32
        %dma_start3A_43 = arith.constant 0 : i32
        %dma_start3A_44 = tpu.memref_slice %arg6[%dma_start3A, %dma_start3A_43] : memref<32x784xf32, #tpu.memory_space<vmem>> -> memref<8x784xf32, #tpu.memory_space<vmem>>
        %dma_start3A_45 = arith.constant 0 : i32
        %dma_start3A_46 = tpu.memref_slice %arg3[%run_scoped3A_21, %dma_start3A_45, %mul3A_10] : memref<4x8x50000xf32, #tpu.memory_space<hbm>> -> memref<1x8x784xf32, #tpu.memory_space<hbm>>
        %dma_start3A_47 = tpu.memref_squeeze %dma_start3A_46 : memref<1x8x784xf32, #tpu.memory_space<hbm>> -> memref<8x784xf32, #tpu.memory_space<hbm>>
        %dma_start3A_48 = arith.constant 0 : i32
        %dma_start3A_49 = tpu.memref_slice %arg3[%run_scoped3A_21, %dma_start3A_48, %mul3A_10] : memref<4x8x50000xf32, #tpu.memory_space<hbm>> -> memref<1x8x784xf32, #tpu.memory_space<hbm>>
        %dma_start3A_50 = tpu.memref_squeeze %dma_start3A_49 : memref<1x8x784xf32, #tpu.memory_space<hbm>> -> memref<8x784xf32, #tpu.memory_space<hbm>>
        %dma_start3A_51 = arith.constant 8 : i32
        %dma_start3A_52 = arith.constant 0 : i32
        %dma_start3A_53 = tpu.memref_slice %arg6[%dma_start3A_51, %dma_start3A_52] : memref<32x784xf32, #tpu.memory_space<vmem>> -> memref<8x784xf32, #tpu.memory_space<vmem>>
        tpu.enqueue_dma source(%dma_start3A_53 : memref<8x784xf32, #tpu.memory_space<vmem>>) target(%dma_start3A_50 : memref<8x784xf32, #tpu.memory_space<hbm>>) target_semaphore(%run_scoped3A_42 : memref<!tpu.dma_semaphore, #tpu.memory_space<semaphore_mem>>)
        %dma_wait3A = arith.constant 8 : i32
        %dma_wait3A_54 = arith.constant 0 : i32
        %dma_wait3A_55 = tpu.memref_slice %arg6[%dma_wait3A, %dma_wait3A_54] : memref<32x784xf32, #tpu.memory_space<vmem>> -> memref<8x784xf32, #tpu.memory_space<vmem>>
        %dma_wait3A_56 = arith.constant 0 : i32
        %dma_wait3A_57 = tpu.memref_slice %arg3[%run_scoped3A_21, %dma_wait3A_56, %mul3A_10] : memref<4x8x50000xf32, #tpu.memory_space<hbm>> -> memref<1x8x784xf32, #tpu.memory_space<hbm>>
        %dma_wait3A_58 = tpu.memref_squeeze %dma_wait3A_57 : memref<1x8x784xf32, #tpu.memory_space<hbm>> -> memref<8x784xf32, #tpu.memory_space<hbm>>
        %dma_wait3A_59 = arith.constant 0 : i32
        %dma_wait3A_60 = tpu.memref_slice %arg3[%run_scoped3A_21, %dma_wait3A_59, %mul3A_10] : memref<4x8x50000xf32, #tpu.memory_space<hbm>> -> memref<1x8x784xf32, #tpu.memory_space<hbm>>
        %dma_wait3A_61 = tpu.memref_squeeze %dma_wait3A_60 : memref<1x8x784xf32, #tpu.memory_space<hbm>> -> memref<8x784xf32, #tpu.memory_space<hbm>>
        %dma_wait3A_62 = arith.constant 8 : i32
        %dma_wait3A_63 = arith.constant 0 : i32
        %dma_wait3A_64 = tpu.memref_slice %arg6[%dma_wait3A_62, %dma_wait3A_63] : memref<32x784xf32, #tpu.memory_space<vmem>> -> memref<8x784xf32, #tpu.memory_space<vmem>>
        tpu.wait_dma2 semaphore(%run_scoped3A_42 : memref<!tpu.dma_semaphore, #tpu.memory_space<semaphore_mem>>) src(%dma_wait3A_64 : memref<8x784xf32, #tpu.memory_space<vmem>>) dst(%dma_wait3A_61 : memref<8x784xf32, #tpu.memory_space<hbm>>)
        tpu.yield
      }) : () -> ()
      %run_scoped3A_22 = arith.constant 2 : i32
      "tpu.region"() ({
        %run_scoped3A_42 = tpu.sem_alloc : memref<!tpu.dma_semaphore, #tpu.memory_space<semaphore_mem>>
        %dma_start3A = arith.constant 16 : i32
        %dma_start3A_43 = arith.constant 0 : i32
        %dma_start3A_44 = tpu.memref_slice %arg6[%dma_start3A, %dma_start3A_43] : memref<32x784xf32, #tpu.memory_space<vmem>> -> memref<8x784xf32, #tpu.memory_space<vmem>>
        %dma_start3A_45 = arith.constant 0 : i32
        %dma_start3A_46 = tpu.memref_slice %arg3[%run_scoped3A_22, %dma_start3A_45, %mul3A_10] : memref<4x8x50000xf32, #tpu.memory_space<hbm>> -> memref<1x8x784xf32, #tpu.memory_space<hbm>>
        %dma_start3A_47 = tpu.memref_squeeze %dma_start3A_46 : memref<1x8x784xf32, #tpu.memory_space<hbm>> -> memref<8x784xf32, #tpu.memory_space<hbm>>
        %dma_start3A_48 = arith.constant 0 : i32
        %dma_start3A_49 = tpu.memref_slice %arg3[%run_scoped3A_22, %dma_start3A_48, %mul3A_10] : memref<4x8x50000xf32, #tpu.memory_space<hbm>> -> memref<1x8x784xf32, #tpu.memory_space<hbm>>
        %dma_start3A_50 = tpu.memref_squeeze %dma_start3A_49 : memref<1x8x784xf32, #tpu.memory_space<hbm>> -> memref<8x784xf32, #tpu.memory_space<hbm>>
        %dma_start3A_51 = arith.constant 16 : i32
        %dma_start3A_52 = arith.constant 0 : i32
        %dma_start3A_53 = tpu.memref_slice %arg6[%dma_start3A_51, %dma_start3A_52] : memref<32x784xf32, #tpu.memory_space<vmem>> -> memref<8x784xf32, #tpu.memory_space<vmem>>
        tpu.enqueue_dma source(%dma_start3A_53 : memref<8x784xf32, #tpu.memory_space<vmem>>) target(%dma_start3A_50 : memref<8x784xf32, #tpu.memory_space<hbm>>) target_semaphore(%run_scoped3A_42 : memref<!tpu.dma_semaphore, #tpu.memory_space<semaphore_mem>>)
        %dma_wait3A = arith.constant 16 : i32
        %dma_wait3A_54 = arith.constant 0 : i32
        %dma_wait3A_55 = tpu.memref_slice %arg6[%dma_wait3A, %dma_wait3A_54] : memref<32x784xf32, #tpu.memory_space<vmem>> -> memref<8x784xf32, #tpu.memory_space<vmem>>
        %dma_wait3A_56 = arith.constant 0 : i32
        %dma_wait3A_57 = tpu.memref_slice %arg3[%run_scoped3A_22, %dma_wait3A_56, %mul3A_10] : memref<4x8x50000xf32, #tpu.memory_space<hbm>> -> memref<1x8x784xf32, #tpu.memory_space<hbm>>
        %dma_wait3A_58 = tpu.memref_squeeze %dma_wait3A_57 : memref<1x8x784xf32, #tpu.memory_space<hbm>> -> memref<8x784xf32, #tpu.memory_space<hbm>>
        %dma_wait3A_59 = arith.constant 0 : i32
        %dma_wait3A_60 = tpu.memref_slice %arg3[%run_scoped3A_22, %dma_wait3A_59, %mul3A_10] : memref<4x8x50000xf32, #tpu.memory_space<hbm>> -> memref<1x8x784xf32, #tpu.memory_space<hbm>>
        %dma_wait3A_61 = tpu.memref_squeeze %dma_wait3A_60 : memref<1x8x784xf32, #tpu.memory_space<hbm>> -> memref<8x784xf32, #tpu.memory_space<hbm>>
        %dma_wait3A_62 = arith.constant 16 : i32
        %dma_wait3A_63 = arith.constant 0 : i32
        %dma_wait3A_64 = tpu.memref_slice %arg6[%dma_wait3A_62, %dma_wait3A_63] : memref<32x784xf32, #tpu.memory_space<vmem>> -> memref<8x784xf32, #tpu.memory_space<vmem>>
        tpu.wait_dma2 semaphore(%run_scoped3A_42 : memref<!tpu.dma_semaphore, #tpu.memory_space<semaphore_mem>>) src(%dma_wait3A_64 : memref<8x784xf32, #tpu.memory_space<vmem>>) dst(%dma_wait3A_61 : memref<8x784xf32, #tpu.memory_space<hbm>>)
        tpu.yield
      }) : () -> ()
      %run_scoped3A_23 = arith.constant 3 : i32
      "tpu.region"() ({
        %run_scoped3A_42 = tpu.sem_alloc : memref<!tpu.dma_semaphore, #tpu.memory_space<semaphore_mem>>
        %dma_start3A = arith.constant 24 : i32
        %dma_start3A_43 = arith.constant 0 : i32
        %dma_start3A_44 = tpu.memref_slice %arg6[%dma_start3A, %dma_start3A_43] : memref<32x784xf32, #tpu.memory_space<vmem>> -> memref<8x784xf32, #tpu.memory_space<vmem>>
        %dma_start3A_45 = arith.constant 0 : i32
        %dma_start3A_46 = tpu.memref_slice %arg3[%run_scoped3A_23, %dma_start3A_45, %mul3A_10] : memref<4x8x50000xf32, #tpu.memory_space<hbm>> -> memref<1x8x784xf32, #tpu.memory_space<hbm>>
        %dma_start3A_47 = tpu.memref_squeeze %dma_start3A_46 : memref<1x8x784xf32, #tpu.memory_space<hbm>> -> memref<8x784xf32, #tpu.memory_space<hbm>>
        %dma_start3A_48 = arith.constant 0 : i32
        %dma_start3A_49 = tpu.memref_slice %arg3[%run_scoped3A_23, %dma_start3A_48, %mul3A_10] : memref<4x8x50000xf32, #tpu.memory_space<hbm>> -> memref<1x8x784xf32, #tpu.memory_space<hbm>>
        %dma_start3A_50 = tpu.memref_squeeze %dma_start3A_49 : memref<1x8x784xf32, #tpu.memory_space<hbm>> -> memref<8x784xf32, #tpu.memory_space<hbm>>
        %dma_start3A_51 = arith.constant 24 : i32
        %dma_start3A_52 = arith.constant 0 : i32
        %dma_start3A_53 = tpu.memref_slice %arg6[%dma_start3A_51, %dma_start3A_52] : memref<32x784xf32, #tpu.memory_space<vmem>> -> memref<8x784xf32, #tpu.memory_space<vmem>>
        tpu.enqueue_dma source(%dma_start3A_53 : memref<8x784xf32, #tpu.memory_space<vmem>>) target(%dma_start3A_50 : memref<8x784xf32, #tpu.memory_space<hbm>>) target_semaphore(%run_scoped3A_42 : memref<!tpu.dma_semaphore, #tpu.memory_space<semaphore_mem>>)
        %dma_wait3A = arith.constant 24 : i32
        %dma_wait3A_54 = arith.constant 0 : i32
        %dma_wait3A_55 = tpu.memref_slice %arg6[%dma_wait3A, %dma_wait3A_54] : memref<32x784xf32, #tpu.memory_space<vmem>> -> memref<8x784xf32, #tpu.memory_space<vmem>>
        %dma_wait3A_56 = arith.constant 0 : i32
        %dma_wait3A_57 = tpu.memref_slice %arg3[%run_scoped3A_23, %dma_wait3A_56, %mul3A_10] : memref<4x8x50000xf32, #tpu.memory_space<hbm>> -> memref<1x8x784xf32, #tpu.memory_space<hbm>>
        %dma_wait3A_58 = tpu.memref_squeeze %dma_wait3A_57 : memref<1x8x784xf32, #tpu.memory_space<hbm>> -> memref<8x784xf32, #tpu.memory_space<hbm>>
        %dma_wait3A_59 = arith.constant 0 : i32
        %dma_wait3A_60 = tpu.memref_slice %arg3[%run_scoped3A_23, %dma_wait3A_59, %mul3A_10] : memref<4x8x50000xf32, #tpu.memory_space<hbm>> -> memref<1x8x784xf32, #tpu.memory_space<hbm>>
        %dma_wait3A_61 = tpu.memref_squeeze %dma_wait3A_60 : memref<1x8x784xf32, #tpu.memory_space<hbm>> -> memref<8x784xf32, #tpu.memory_space<hbm>>
        %dma_wait3A_62 = arith.constant 24 : i32
        %dma_wait3A_63 = arith.constant 0 : i32
        %dma_wait3A_64 = tpu.memref_slice %arg6[%dma_wait3A_62, %dma_wait3A_63] : memref<32x784xf32, #tpu.memory_space<vmem>> -> memref<8x784xf32, #tpu.memory_space<vmem>>
        tpu.wait_dma2 semaphore(%run_scoped3A_42 : memref<!tpu.dma_semaphore, #tpu.memory_space<semaphore_mem>>) src(%dma_wait3A_64 : memref<8x784xf32, #tpu.memory_space<vmem>>) dst(%dma_wait3A_61 : memref<8x784xf32, #tpu.memory_space<hbm>>)
        tpu.yield
      }) : () -> ()
      %add3A_24 = arith.constant 784 : i32
      %add3A_25 = arith.addi %mul3A_10, %add3A_24 : i32
      %run_scoped3A_26 = arith.constant 0 : i32
      "tpu.region"() ({
        %run_scoped3A_42 = tpu.sem_alloc : memref<!tpu.dma_semaphore, #tpu.memory_space<semaphore_mem>>
        %dma_start3A = arith.constant 0 : i32
        %dma_start3A_43 = arith.constant 0 : i32
        %dma_start3A_44 = tpu.memref_slice %arg4[%dma_start3A, %dma_start3A_43] : memref<784x32xf32, #tpu.memory_space<vmem>> -> memref<784x32xf32, #tpu.memory_space<vmem>>
        %dma_start3A_45 = arith.constant 0 : i32
        %dma_start3A_46 = tpu.memref_slice %arg2[%run_scoped3A_26, %add3A_25, %dma_start3A_45] : memref<2x50000x32xf32, #tpu.memory_space<hbm>> -> memref<1x784x32xf32, #tpu.memory_space<hbm>>
        %dma_start3A_47 = tpu.memref_squeeze %dma_start3A_46 : memref<1x784x32xf32, #tpu.memory_space<hbm>> -> memref<784x32xf32, #tpu.memory_space<hbm>>
        %dma_start3A_48 = arith.constant 0 : i32
        %dma_start3A_49 = arith.constant 0 : i32
        %dma_start3A_50 = tpu.memref_slice %arg4[%dma_start3A_48, %dma_start3A_49] : memref<784x32xf32, #tpu.memory_space<vmem>> -> memref<784x32xf32, #tpu.memory_space<vmem>>
        %dma_start3A_51 = arith.constant 0 : i32
        %dma_start3A_52 = tpu.memref_slice %arg2[%run_scoped3A_26, %add3A_25, %dma_start3A_51] : memref<2x50000x32xf32, #tpu.memory_space<hbm>> -> memref<1x784x32xf32, #tpu.memory_space<hbm>>
        %dma_start3A_53 = tpu.memref_squeeze %dma_start3A_52 : memref<1x784x32xf32, #tpu.memory_space<hbm>> -> memref<784x32xf32, #tpu.memory_space<hbm>>
        tpu.enqueue_dma source(%dma_start3A_53 : memref<784x32xf32, #tpu.memory_space<hbm>>) target(%dma_start3A_50 : memref<784x32xf32, #tpu.memory_space<vmem>>) target_semaphore(%run_scoped3A_42 : memref<!tpu.dma_semaphore, #tpu.memory_space<semaphore_mem>>)
        %dma_wait3A = arith.constant 0 : i32
        %dma_wait3A_54 = arith.constant 0 : i32
        %dma_wait3A_55 = tpu.memref_slice %arg4[%dma_wait3A, %dma_wait3A_54] : memref<784x32xf32, #tpu.memory_space<vmem>> -> memref<784x32xf32, #tpu.memory_space<vmem>>
        %dma_wait3A_56 = arith.constant 0 : i32
        %dma_wait3A_57 = tpu.memref_slice %arg2[%run_scoped3A_26, %add3A_25, %dma_wait3A_56] : memref<2x50000x32xf32, #tpu.memory_space<hbm>> -> memref<1x784x32xf32, #tpu.memory_space<hbm>>
        %dma_wait3A_58 = tpu.memref_squeeze %dma_wait3A_57 : memref<1x784x32xf32, #tpu.memory_space<hbm>> -> memref<784x32xf32, #tpu.memory_space<hbm>>
        %dma_wait3A_59 = arith.constant 0 : i32
        %dma_wait3A_60 = arith.constant 0 : i32
        %dma_wait3A_61 = tpu.memref_slice %arg4[%dma_wait3A_59, %dma_wait3A_60] : memref<784x32xf32, #tpu.memory_space<vmem>> -> memref<784x32xf32, #tpu.memory_space<vmem>>
        %dma_wait3A_62 = arith.constant 0 : i32
        %dma_wait3A_63 = tpu.memref_slice %arg2[%run_scoped3A_26, %add3A_25, %dma_wait3A_62] : memref<2x50000x32xf32, #tpu.memory_space<hbm>> -> memref<1x784x32xf32, #tpu.memory_space<hbm>>
        %dma_wait3A_64 = tpu.memref_squeeze %dma_wait3A_63 : memref<1x784x32xf32, #tpu.memory_space<hbm>> -> memref<784x32xf32, #tpu.memory_space<hbm>>
        tpu.wait_dma2 semaphore(%run_scoped3A_42 : memref<!tpu.dma_semaphore, #tpu.memory_space<semaphore_mem>>) src(%dma_wait3A_64 : memref<784x32xf32, #tpu.memory_space<hbm>>) dst(%dma_wait3A_61 : memref<784x32xf32, #tpu.memory_space<vmem>>)
        tpu.yield
      }) : () -> ()
      %run_scoped3A_27 = arith.constant 1 : i32
      "tpu.region"() ({
        %run_scoped3A_42 = tpu.sem_alloc : memref<!tpu.dma_semaphore, #tpu.memory_space<semaphore_mem>>
        %dma_start3A = arith.constant 0 : i32
        %dma_start3A_43 = arith.constant 0 : i32
        %dma_start3A_44 = tpu.memref_slice %arg5[%dma_start3A, %dma_start3A_43] : memref<784x32xf32, #tpu.memory_space<vmem>> -> memref<784x32xf32, #tpu.memory_space<vmem>>
        %dma_start3A_45 = arith.constant 0 : i32
        %dma_start3A_46 = tpu.memref_slice %arg2[%run_scoped3A_27, %add3A_25, %dma_start3A_45] : memref<2x50000x32xf32, #tpu.memory_space<hbm>> -> memref<1x784x32xf32, #tpu.memory_space<hbm>>
        %dma_start3A_47 = tpu.memref_squeeze %dma_start3A_46 : memref<1x784x32xf32, #tpu.memory_space<hbm>> -> memref<784x32xf32, #tpu.memory_space<hbm>>
        %dma_start3A_48 = arith.constant 0 : i32
        %dma_start3A_49 = arith.constant 0 : i32
        %dma_start3A_50 = tpu.memref_slice %arg5[%dma_start3A_48, %dma_start3A_49] : memref<784x32xf32, #tpu.memory_space<vmem>> -> memref<784x32xf32, #tpu.memory_space<vmem>>
        %dma_start3A_51 = arith.constant 0 : i32
        %dma_start3A_52 = tpu.memref_slice %arg2[%run_scoped3A_27, %add3A_25, %dma_start3A_51] : memref<2x50000x32xf32, #tpu.memory_space<hbm>> -> memref<1x784x32xf32, #tpu.memory_space<hbm>>
        %dma_start3A_53 = tpu.memref_squeeze %dma_start3A_52 : memref<1x784x32xf32, #tpu.memory_space<hbm>> -> memref<784x32xf32, #tpu.memory_space<hbm>>
        tpu.enqueue_dma source(%dma_start3A_53 : memref<784x32xf32, #tpu.memory_space<hbm>>) target(%dma_start3A_50 : memref<784x32xf32, #tpu.memory_space<vmem>>) target_semaphore(%run_scoped3A_42 : memref<!tpu.dma_semaphore, #tpu.memory_space<semaphore_mem>>)
        %dma_wait3A = arith.constant 0 : i32
        %dma_wait3A_54 = arith.constant 0 : i32
        %dma_wait3A_55 = tpu.memref_slice %arg5[%dma_wait3A, %dma_wait3A_54] : memref<784x32xf32, #tpu.memory_space<vmem>> -> memref<784x32xf32, #tpu.memory_space<vmem>>
        %dma_wait3A_56 = arith.constant 0 : i32
        %dma_wait3A_57 = tpu.memref_slice %arg2[%run_scoped3A_27, %add3A_25, %dma_wait3A_56] : memref<2x50000x32xf32, #tpu.memory_space<hbm>> -> memref<1x784x32xf32, #tpu.memory_space<hbm>>
        %dma_wait3A_58 = tpu.memref_squeeze %dma_wait3A_57 : memref<1x784x32xf32, #tpu.memory_space<hbm>> -> memref<784x32xf32, #tpu.memory_space<hbm>>
        %dma_wait3A_59 = arith.constant 0 : i32
        %dma_wait3A_60 = arith.constant 0 : i32
        %dma_wait3A_61 = tpu.memref_slice %arg5[%dma_wait3A_59, %dma_wait3A_60] : memref<784x32xf32, #tpu.memory_space<vmem>> -> memref<784x32xf32, #tpu.memory_space<vmem>>
        %dma_wait3A_62 = arith.constant 0 : i32
        %dma_wait3A_63 = tpu.memref_slice %arg2[%run_scoped3A_27, %add3A_25, %dma_wait3A_62] : memref<2x50000x32xf32, #tpu.memory_space<hbm>> -> memref<1x784x32xf32, #tpu.memory_space<hbm>>
        %dma_wait3A_64 = tpu.memref_squeeze %dma_wait3A_63 : memref<1x784x32xf32, #tpu.memory_space<hbm>> -> memref<784x32xf32, #tpu.memory_space<hbm>>
        tpu.wait_dma2 semaphore(%run_scoped3A_42 : memref<!tpu.dma_semaphore, #tpu.memory_space<semaphore_mem>>) src(%dma_wait3A_64 : memref<784x32xf32, #tpu.memory_space<hbm>>) dst(%dma_wait3A_61 : memref<784x32xf32, #tpu.memory_space<vmem>>)
        tpu.yield
      }) : () -> ()
      %iota3A_28 = tpu.iota {dimensions = array<i32: 0>} : vector<16xi32>
      %add3A_29 = arith.constant 16 : i32
      %add3A_30 = vector.broadcast %add3A_29 : i32 to vector<16xi32>
      %add3A_31 = arith.addi %iota3A_28, %add3A_30 : vector<16xi32>
      %scan3A_32 = arith.constant 0 : i32
      %scan3A_33 = arith.constant 0 : i32
      %scan3A_34 = arith.constant 784 : i32
      %scan3A_35 = arith.addi %scan3A_33, %scan3A_34 : i32
      %scan3A_36 = arith.constant 1 : i32
      scf.for %scan3A_42 = %scan3A_33 to %scan3A_35 step %scan3A_36  : i32 {
        %get3A = arith.index_cast %scan3A_42 : i32 to index
        %get3A_43 = arith.constant 0 : index
        %get3A_44 = tpu.vector_load %arg4[%get3A, %get3A_43] {strides = array<i32>} : memref<784x32xf32, #tpu.memory_space<vmem>>, vector<16xf32>,
        %get3A_45 = arith.index_cast %scan3A_42 : i32 to index
        %get3A_46 = arith.constant 0 : index
        %get3A_47 = tpu.vector_load %arg5[%get3A_45, %get3A_46] {strides = array<i32>} : memref<784x32xf32, #tpu.memory_space<vmem>>, vector<16xf32>,
        %add3A_48 = arith.addf %get3A_44, %get3A_47 : vector<16xf32>
        %get3A_49 = arith.index_cast %scan3A_42 : i32 to index
        %get3A_50 = arith.constant 16 : index
        %get3A_51 = tpu.vector_load %arg4[%get3A_49, %get3A_50] {strides = array<i32>} : memref<784x32xf32, #tpu.memory_space<vmem>>, vector<16xf32>,
        %get3A_52 = arith.index_cast %scan3A_42 : i32 to index
        %get3A_53 = arith.constant 16 : index
        %get3A_54 = tpu.vector_load %arg5[%get3A_52, %get3A_53] {strides = array<i32>} : memref<784x32xf32, #tpu.memory_space<vmem>>, vector<16xf32>,
        %add3A_55 = arith.addf %get3A_51, %get3A_54 : vector<16xf32>
        %broadcast_in_dim3A = arith.constant 0 : i32
        %broadcast_in_dim3A_56 = vector.broadcast %broadcast_in_dim3A : i32 to vector<16xi32>
        %add3A_57 = vector.broadcast %scan3A_42 : i32 to vector<16xi32>
        %add3A_58 = arith.addi %broadcast_in_dim3A_56, %add3A_57 : vector<16xi32>
        tpu.vector_store_idx %arg6[%iota3A_28, %add3A_58], %add3A_48 : memref<32x784xf32, #tpu.memory_space<vmem>>[vector<16xi32>, vector<16xi32>], vector<16xf32>,
        tpu.vector_store_idx %arg6[%add3A_31, %add3A_58], %add3A_55 : memref<32x784xf32, #tpu.memory_space<vmem>>[vector<16xi32>, vector<16xi32>], vector<16xf32>,
      }
      %scan3A_37 = arith.constant 784 : i32
      %run_scoped3A_38 = arith.constant 0 : i32
      "tpu.region"() ({
        %run_scoped3A_42 = tpu.sem_alloc : memref<!tpu.dma_semaphore, #tpu.memory_space<semaphore_mem>>
        %dma_start3A = arith.constant 0 : i32
        %dma_start3A_43 = arith.constant 0 : i32
        %dma_start3A_44 = tpu.memref_slice %arg6[%dma_start3A, %dma_start3A_43] : memref<32x784xf32, #tpu.memory_space<vmem>> -> memref<8x784xf32, #tpu.memory_space<vmem>>
        %dma_start3A_45 = arith.constant 0 : i32
        %dma_start3A_46 = tpu.memref_slice %arg3[%run_scoped3A_38, %dma_start3A_45, %add3A_25] : memref<4x8x50000xf32, #tpu.memory_space<hbm>> -> memref<1x8x784xf32, #tpu.memory_space<hbm>>
        %dma_start3A_47 = tpu.memref_squeeze %dma_start3A_46 : memref<1x8x784xf32, #tpu.memory_space<hbm>> -> memref<8x784xf32, #tpu.memory_space<hbm>>
        %dma_start3A_48 = arith.constant 0 : i32
        %dma_start3A_49 = tpu.memref_slice %arg3[%run_scoped3A_38, %dma_start3A_48, %add3A_25] : memref<4x8x50000xf32, #tpu.memory_space<hbm>> -> memref<1x8x784xf32, #tpu.memory_space<hbm>>
        %dma_start3A_50 = tpu.memref_squeeze %dma_start3A_49 : memref<1x8x784xf32, #tpu.memory_space<hbm>> -> memref<8x784xf32, #tpu.memory_space<hbm>>
        %dma_start3A_51 = arith.constant 0 : i32
        %dma_start3A_52 = arith.constant 0 : i32
        %dma_start3A_53 = tpu.memref_slice %arg6[%dma_start3A_51, %dma_start3A_52] : memref<32x784xf32, #tpu.memory_space<vmem>> -> memref<8x784xf32, #tpu.memory_space<vmem>>
        tpu.enqueue_dma source(%dma_start3A_53 : memref<8x784xf32, #tpu.memory_space<vmem>>) target(%dma_start3A_50 : memref<8x784xf32, #tpu.memory_space<hbm>>) target_semaphore(%run_scoped3A_42 : memref<!tpu.dma_semaphore, #tpu.memory_space<semaphore_mem>>)
        %dma_wait3A = arith.constant 0 : i32
        %dma_wait3A_54 = arith.constant 0 : i32
        %dma_wait3A_55 = tpu.memref_slice %arg6[%dma_wait3A, %dma_wait3A_54] : memref<32x784xf32, #tpu.memory_space<vmem>> -> memref<8x784xf32, #tpu.memory_space<vmem>>
        %dma_wait3A_56 = arith.constant 0 : i32
        %dma_wait3A_57 = tpu.memref_slice %arg3[%run_scoped3A_38, %dma_wait3A_56, %add3A_25] : memref<4x8x50000xf32, #tpu.memory_space<hbm>> -> memref<1x8x784xf32, #tpu.memory_space<hbm>>
        %dma_wait3A_58 = tpu.memref_squeeze %dma_wait3A_57 : memref<1x8x784xf32, #tpu.memory_space<hbm>> -> memref<8x784xf32, #tpu.memory_space<hbm>>
        %dma_wait3A_59 = arith.constant 0 : i32
        %dma_wait3A_60 = tpu.memref_slice %arg3[%run_scoped3A_38, %dma_wait3A_59, %add3A_25] : memref<4x8x50000xf32, #tpu.memory_space<hbm>> -> memref<1x8x784xf32, #tpu.memory_space<hbm>>
        %dma_wait3A_61 = tpu.memref_squeeze %dma_wait3A_60 : memref<1x8x784xf32, #tpu.memory_space<hbm>> -> memref<8x784xf32, #tpu.memory_space<hbm>>
        %dma_wait3A_62 = arith.constant 0 : i32
        %dma_wait3A_63 = arith.constant 0 : i32
        %dma_wait3A_64 = tpu.memref_slice %arg6[%dma_wait3A_62, %dma_wait3A_63] : memref<32x784xf32, #tpu.memory_space<vmem>> -> memref<8x784xf32, #tpu.memory_space<vmem>>
        tpu.wait_dma2 semaphore(%run_scoped3A_42 : memref<!tpu.dma_semaphore, #tpu.memory_space<semaphore_mem>>) src(%dma_wait3A_64 : memref<8x784xf32, #tpu.memory_space<vmem>>) dst(%dma_wait3A_61 : memref<8x784xf32, #tpu.memory_space<hbm>>)
        tpu.yield
      }) : () -> ()
      %run_scoped3A_39 = arith.constant 1 : i32
      "tpu.region"() ({
        %run_scoped3A_42 = tpu.sem_alloc : memref<!tpu.dma_semaphore, #tpu.memory_space<semaphore_mem>>
        %dma_start3A = arith.constant 8 : i32
        %dma_start3A_43 = arith.constant 0 : i32
        %dma_start3A_44 = tpu.memref_slice %arg6[%dma_start3A, %dma_start3A_43] : memref<32x784xf32, #tpu.memory_space<vmem>> -> memref<8x784xf32, #tpu.memory_space<vmem>>
        %dma_start3A_45 = arith.constant 0 : i32
        %dma_start3A_46 = tpu.memref_slice %arg3[%run_scoped3A_39, %dma_start3A_45, %add3A_25] : memref<4x8x50000xf32, #tpu.memory_space<hbm>> -> memref<1x8x784xf32, #tpu.memory_space<hbm>>
        %dma_start3A_47 = tpu.memref_squeeze %dma_start3A_46 : memref<1x8x784xf32, #tpu.memory_space<hbm>> -> memref<8x784xf32, #tpu.memory_space<hbm>>
        %dma_start3A_48 = arith.constant 0 : i32
        %dma_start3A_49 = tpu.memref_slice %arg3[%run_scoped3A_39, %dma_start3A_48, %add3A_25] : memref<4x8x50000xf32, #tpu.memory_space<hbm>> -> memref<1x8x784xf32, #tpu.memory_space<hbm>>
        %dma_start3A_50 = tpu.memref_squeeze %dma_start3A_49 : memref<1x8x784xf32, #tpu.memory_space<hbm>> -> memref<8x784xf32, #tpu.memory_space<hbm>>
        %dma_start3A_51 = arith.constant 8 : i32
        %dma_start3A_52 = arith.constant 0 : i32
        %dma_start3A_53 = tpu.memref_slice %arg6[%dma_start3A_51, %dma_start3A_52] : memref<32x784xf32, #tpu.memory_space<vmem>> -> memref<8x784xf32, #tpu.memory_space<vmem>>
        tpu.enqueue_dma source(%dma_start3A_53 : memref<8x784xf32, #tpu.memory_space<vmem>>) target(%dma_start3A_50 : memref<8x784xf32, #tpu.memory_space<hbm>>) target_semaphore(%run_scoped3A_42 : memref<!tpu.dma_semaphore, #tpu.memory_space<semaphore_mem>>)
        %dma_wait3A = arith.constant 8 : i32
        %dma_wait3A_54 = arith.constant 0 : i32
        %dma_wait3A_55 = tpu.memref_slice %arg6[%dma_wait3A, %dma_wait3A_54] : memref<32x784xf32, #tpu.memory_space<vmem>> -> memref<8x784xf32, #tpu.memory_space<vmem>>
        %dma_wait3A_56 = arith.constant 0 : i32
        %dma_wait3A_57 = tpu.memref_slice %arg3[%run_scoped3A_39, %dma_wait3A_56, %add3A_25] : memref<4x8x50000xf32, #tpu.memory_space<hbm>> -> memref<1x8x784xf32, #tpu.memory_space<hbm>>
        %dma_wait3A_58 = tpu.memref_squeeze %dma_wait3A_57 : memref<1x8x784xf32, #tpu.memory_space<hbm>> -> memref<8x784xf32, #tpu.memory_space<hbm>>
        %dma_wait3A_59 = arith.constant 0 : i32
        %dma_wait3A_60 = tpu.memref_slice %arg3[%run_scoped3A_39, %dma_wait3A_59, %add3A_25] : memref<4x8x50000xf32, #tpu.memory_space<hbm>> -> memref<1x8x784xf32, #tpu.memory_space<hbm>>
        %dma_wait3A_61 = tpu.memref_squeeze %dma_wait3A_60 : memref<1x8x784xf32, #tpu.memory_space<hbm>> -> memref<8x784xf32, #tpu.memory_space<hbm>>
        %dma_wait3A_62 = arith.constant 8 : i32
        %dma_wait3A_63 = arith.constant 0 : i32
        %dma_wait3A_64 = tpu.memref_slice %arg6[%dma_wait3A_62, %dma_wait3A_63] : memref<32x784xf32, #tpu.memory_space<vmem>> -> memref<8x784xf32, #tpu.memory_space<vmem>>
        tpu.wait_dma2 semaphore(%run_scoped3A_42 : memref<!tpu.dma_semaphore, #tpu.memory_space<semaphore_mem>>) src(%dma_wait3A_64 : memref<8x784xf32, #tpu.memory_space<vmem>>) dst(%dma_wait3A_61 : memref<8x784xf32, #tpu.memory_space<hbm>>)
        tpu.yield
      }) : () -> ()
      %run_scoped3A_40 = arith.constant 2 : i32
      "tpu.region"() ({
        %run_scoped3A_42 = tpu.sem_alloc : memref<!tpu.dma_semaphore, #tpu.memory_space<semaphore_mem>>
        %dma_start3A = arith.constant 16 : i32
        %dma_start3A_43 = arith.constant 0 : i32
        %dma_start3A_44 = tpu.memref_slice %arg6[%dma_start3A, %dma_start3A_43] : memref<32x784xf32, #tpu.memory_space<vmem>> -> memref<8x784xf32, #tpu.memory_space<vmem>>
        %dma_start3A_45 = arith.constant 0 : i32
        %dma_start3A_46 = tpu.memref_slice %arg3[%run_scoped3A_40, %dma_start3A_45, %add3A_25] : memref<4x8x50000xf32, #tpu.memory_space<hbm>> -> memref<1x8x784xf32, #tpu.memory_space<hbm>>
        %dma_start3A_47 = tpu.memref_squeeze %dma_start3A_46 : memref<1x8x784xf32, #tpu.memory_space<hbm>> -> memref<8x784xf32, #tpu.memory_space<hbm>>
        %dma_start3A_48 = arith.constant 0 : i32
        %dma_start3A_49 = tpu.memref_slice %arg3[%run_scoped3A_40, %dma_start3A_48, %add3A_25] : memref<4x8x50000xf32, #tpu.memory_space<hbm>> -> memref<1x8x784xf32, #tpu.memory_space<hbm>>
        %dma_start3A_50 = tpu.memref_squeeze %dma_start3A_49 : memref<1x8x784xf32, #tpu.memory_space<hbm>> -> memref<8x784xf32, #tpu.memory_space<hbm>>
        %dma_start3A_51 = arith.constant 16 : i32
        %dma_start3A_52 = arith.constant 0 : i32
        %dma_start3A_53 = tpu.memref_slice %arg6[%dma_start3A_51, %dma_start3A_52] : memref<32x784xf32, #tpu.memory_space<vmem>> -> memref<8x784xf32, #tpu.memory_space<vmem>>
        tpu.enqueue_dma source(%dma_start3A_53 : memref<8x784xf32, #tpu.memory_space<vmem>>) target(%dma_start3A_50 : memref<8x784xf32, #tpu.memory_space<hbm>>) target_semaphore(%run_scoped3A_42 : memref<!tpu.dma_semaphore, #tpu.memory_space<semaphore_mem>>)
        %dma_wait3A = arith.constant 16 : i32
        %dma_wait3A_54 = arith.constant 0 : i32
        %dma_wait3A_55 = tpu.memref_slice %arg6[%dma_wait3A, %dma_wait3A_54] : memref<32x784xf32, #tpu.memory_space<vmem>> -> memref<8x784xf32, #tpu.memory_space<vmem>>
        %dma_wait3A_56 = arith.constant 0 : i32
        %dma_wait3A_57 = tpu.memref_slice %arg3[%run_scoped3A_40, %dma_wait3A_56, %add3A_25] : memref<4x8x50000xf32, #tpu.memory_space<hbm>> -> memref<1x8x784xf32, #tpu.memory_space<hbm>>
        %dma_wait3A_58 = tpu.memref_squeeze %dma_wait3A_57 : memref<1x8x784xf32, #tpu.memory_space<hbm>> -> memref<8x784xf32, #tpu.memory_space<hbm>>
        %dma_wait3A_59 = arith.constant 0 : i32
        %dma_wait3A_60 = tpu.memref_slice %arg3[%run_scoped3A_40, %dma_wait3A_59, %add3A_25] : memref<4x8x50000xf32, #tpu.memory_space<hbm>> -> memref<1x8x784xf32, #tpu.memory_space<hbm>>
        %dma_wait3A_61 = tpu.memref_squeeze %dma_wait3A_60 : memref<1x8x784xf32, #tpu.memory_space<hbm>> -> memref<8x784xf32, #tpu.memory_space<hbm>>
        %dma_wait3A_62 = arith.constant 16 : i32
        %dma_wait3A_63 = arith.constant 0 : i32
        %dma_wait3A_64 = tpu.memref_slice %arg6[%dma_wait3A_62, %dma_wait3A_63] : memref<32x784xf32, #tpu.memory_space<vmem>> -> memref<8x784xf32, #tpu.memory_space<vmem>>
        tpu.wait_dma2 semaphore(%run_scoped3A_42 : memref<!tpu.dma_semaphore, #tpu.memory_space<semaphore_mem>>) src(%dma_wait3A_64 : memref<8x784xf32, #tpu.memory_space<vmem>>) dst(%dma_wait3A_61 : memref<8x784xf32, #tpu.memory_space<hbm>>)
        tpu.yield
      }) : () -> ()
      %run_scoped3A_41 = arith.constant 3 : i32
      "tpu.region"() ({
        %run_scoped3A_42 = tpu.sem_alloc : memref<!tpu.dma_semaphore, #tpu.memory_space<semaphore_mem>>
        %dma_start3A = arith.constant 24 : i32
        %dma_start3A_43 = arith.constant 0 : i32
        %dma_start3A_44 = tpu.memref_slice %arg6[%dma_start3A, %dma_start3A_43] : memref<32x784xf32, #tpu.memory_space<vmem>> -> memref<8x784xf32, #tpu.memory_space<vmem>>
        %dma_start3A_45 = arith.constant 0 : i32
        %dma_start3A_46 = tpu.memref_slice %arg3[%run_scoped3A_41, %dma_start3A_45, %add3A_25] : memref<4x8x50000xf32, #tpu.memory_space<hbm>> -> memref<1x8x784xf32, #tpu.memory_space<hbm>>
        %dma_start3A_47 = tpu.memref_squeeze %dma_start3A_46 : memref<1x8x784xf32, #tpu.memory_space<hbm>> -> memref<8x784xf32, #tpu.memory_space<hbm>>
        %dma_start3A_48 = arith.constant 0 : i32
        %dma_start3A_49 = tpu.memref_slice %arg3[%run_scoped3A_41, %dma_start3A_48, %add3A_25] : memref<4x8x50000xf32, #tpu.memory_space<hbm>> -> memref<1x8x784xf32, #tpu.memory_space<hbm>>
        %dma_start3A_50 = tpu.memref_squeeze %dma_start3A_49 : memref<1x8x784xf32, #tpu.memory_space<hbm>> -> memref<8x784xf32, #tpu.memory_space<hbm>>
        %dma_start3A_51 = arith.constant 24 : i32
        %dma_start3A_52 = arith.constant 0 : i32
        %dma_start3A_53 = tpu.memref_slice %arg6[%dma_start3A_51, %dma_start3A_52] : memref<32x784xf32, #tpu.memory_space<vmem>> -> memref<8x784xf32, #tpu.memory_space<vmem>>
        tpu.enqueue_dma source(%dma_start3A_53 : memref<8x784xf32, #tpu.memory_space<vmem>>) target(%dma_start3A_50 : memref<8x784xf32, #tpu.memory_space<hbm>>) target_semaphore(%run_scoped3A_42 : memref<!tpu.dma_semaphore, #tpu.memory_space<semaphore_mem>>)
        %dma_wait3A = arith.constant 24 : i32
        %dma_wait3A_54 = arith.constant 0 : i32
        %dma_wait3A_55 = tpu.memref_slice %arg6[%dma_wait3A, %dma_wait3A_54] : memref<32x784xf32, #tpu.memory_space<vmem>> -> memref<8x784xf32, #tpu.memory_space<vmem>>
        %dma_wait3A_56 = arith.constant 0 : i32
        %dma_wait3A_57 = tpu.memref_slice %arg3[%run_scoped3A_41, %dma_wait3A_56, %add3A_25] : memref<4x8x50000xf32, #tpu.memory_space<hbm>> -> memref<1x8x784xf32, #tpu.memory_space<hbm>>
        %dma_wait3A_58 = tpu.memref_squeeze %dma_wait3A_57 : memref<1x8x784xf32, #tpu.memory_space<hbm>> -> memref<8x784xf32, #tpu.memory_space<hbm>>
        %dma_wait3A_59 = arith.constant 0 : i32
        %dma_wait3A_60 = tpu.memref_slice %arg3[%run_scoped3A_41, %dma_wait3A_59, %add3A_25] : memref<4x8x50000xf32, #tpu.memory_space<hbm>> -> memref<1x8x784xf32, #tpu.memory_space<hbm>>
        %dma_wait3A_61 = tpu.memref_squeeze %dma_wait3A_60 : memref<1x8x784xf32, #tpu.memory_space<hbm>> -> memref<8x784xf32, #tpu.memory_space<hbm>>
        %dma_wait3A_62 = arith.constant 24 : i32
        %dma_wait3A_63 = arith.constant 0 : i32
        %dma_wait3A_64 = tpu.memref_slice %arg6[%dma_wait3A_62, %dma_wait3A_63] : memref<32x784xf32, #tpu.memory_space<vmem>> -> memref<8x784xf32, #tpu.memory_space<vmem>>
        tpu.wait_dma2 semaphore(%run_scoped3A_42 : memref<!tpu.dma_semaphore, #tpu.memory_space<semaphore_mem>>) src(%dma_wait3A_64 : memref<8x784xf32, #tpu.memory_space<vmem>>) dst(%dma_wait3A_61 : memref<8x784xf32, #tpu.memory_space<hbm>>)
        tpu.yield
      }) : () -> ()
    } else {
    }
    %ge3A = arith.constant 10 : i32
    %ge3A_3 = arith.cmpi sge, %add3A, %ge3A : i32
    %convert_element_type3A_4 = arith.extui %ge3A_3 : i1 to i32
    %cond3A_5 = arith.constant 0 : i32
    %cond3A_6 = arith.cmpi ne, %convert_element_type3A_4, %cond3A_5 : i32
    scf.if %cond3A_6 {
      %mul3A_7 = arith.constant 195 : i32
      %mul3A_8 = arith.muli %add3A, %mul3A_7 : i32
      %add3A_9 = arith.constant 10 : i32
      %add3A_10 = arith.addi %mul3A_8, %add3A_9 : i32
      %mul3A_11 = arith.constant 8 : i32
      %mul3A_12 = arith.muli %add3A_10, %mul3A_11 : i32
      %run_scoped3A = arith.constant 0 : i32
      "tpu.region"() ({
        %run_scoped3A_44 = tpu.sem_alloc : memref<!tpu.dma_semaphore, #tpu.memory_space<semaphore_mem>>
        %dma_start3A = arith.constant 0 : i32
        %dma_start3A_45 = arith.constant 0 : i32
        %dma_start3A_46 = tpu.memref_slice %arg4[%dma_start3A, %dma_start3A_45] : memref<784x32xf32, #tpu.memory_space<vmem>> -> memref<784x32xf32, #tpu.memory_space<vmem>>
        %dma_start3A_47 = arith.constant 0 : i32
        %dma_start3A_48 = tpu.memref_slice %arg2[%run_scoped3A, %mul3A_12, %dma_start3A_47] : memref<2x50000x32xf32, #tpu.memory_space<hbm>> -> memref<1x784x32xf32, #tpu.memory_space<hbm>>
        %dma_start3A_49 = tpu.memref_squeeze %dma_start3A_48 : memref<1x784x32xf32, #tpu.memory_space<hbm>> -> memref<784x32xf32, #tpu.memory_space<hbm>>
        %dma_start3A_50 = arith.constant 0 : i32
        %dma_start3A_51 = arith.constant 0 : i32
        %dma_start3A_52 = tpu.memref_slice %arg4[%dma_start3A_50, %dma_start3A_51] : memref<784x32xf32, #tpu.memory_space<vmem>> -> memref<784x32xf32, #tpu.memory_space<vmem>>
        %dma_start3A_53 = arith.constant 0 : i32
        %dma_start3A_54 = tpu.memref_slice %arg2[%run_scoped3A, %mul3A_12, %dma_start3A_53] : memref<2x50000x32xf32, #tpu.memory_space<hbm>> -> memref<1x784x32xf32, #tpu.memory_space<hbm>>
        %dma_start3A_55 = tpu.memref_squeeze %dma_start3A_54 : memref<1x784x32xf32, #tpu.memory_space<hbm>> -> memref<784x32xf32, #tpu.memory_space<hbm>>
        tpu.enqueue_dma source(%dma_start3A_55 : memref<784x32xf32, #tpu.memory_space<hbm>>) target(%dma_start3A_52 : memref<784x32xf32, #tpu.memory_space<vmem>>) target_semaphore(%run_scoped3A_44 : memref<!tpu.dma_semaphore, #tpu.memory_space<semaphore_mem>>)
        %dma_wait3A = arith.constant 0 : i32
        %dma_wait3A_56 = arith.constant 0 : i32
        %dma_wait3A_57 = tpu.memref_slice %arg4[%dma_wait3A, %dma_wait3A_56] : memref<784x32xf32, #tpu.memory_space<vmem>> -> memref<784x32xf32, #tpu.memory_space<vmem>>
        %dma_wait3A_58 = arith.constant 0 : i32
        %dma_wait3A_59 = tpu.memref_slice %arg2[%run_scoped3A, %mul3A_12, %dma_wait3A_58] : memref<2x50000x32xf32, #tpu.memory_space<hbm>> -> memref<1x784x32xf32, #tpu.memory_space<hbm>>
        %dma_wait3A_60 = tpu.memref_squeeze %dma_wait3A_59 : memref<1x784x32xf32, #tpu.memory_space<hbm>> -> memref<784x32xf32, #tpu.memory_space<hbm>>
        %dma_wait3A_61 = arith.constant 0 : i32
        %dma_wait3A_62 = arith.constant 0 : i32
        %dma_wait3A_63 = tpu.memref_slice %arg4[%dma_wait3A_61, %dma_wait3A_62] : memref<784x32xf32, #tpu.memory_space<vmem>> -> memref<784x32xf32, #tpu.memory_space<vmem>>
        %dma_wait3A_64 = arith.constant 0 : i32
        %dma_wait3A_65 = tpu.memref_slice %arg2[%run_scoped3A, %mul3A_12, %dma_wait3A_64] : memref<2x50000x32xf32, #tpu.memory_space<hbm>> -> memref<1x784x32xf32, #tpu.memory_space<hbm>>
        %dma_wait3A_66 = tpu.memref_squeeze %dma_wait3A_65 : memref<1x784x32xf32, #tpu.memory_space<hbm>> -> memref<784x32xf32, #tpu.memory_space<hbm>>
        tpu.wait_dma2 semaphore(%run_scoped3A_44 : memref<!tpu.dma_semaphore, #tpu.memory_space<semaphore_mem>>) src(%dma_wait3A_66 : memref<784x32xf32, #tpu.memory_space<hbm>>) dst(%dma_wait3A_63 : memref<784x32xf32, #tpu.memory_space<vmem>>)
        tpu.yield
      }) : () -> ()
      %run_scoped3A_13 = arith.constant 1 : i32
      "tpu.region"() ({
        %run_scoped3A_44 = tpu.sem_alloc : memref<!tpu.dma_semaphore, #tpu.memory_space<semaphore_mem>>
        %dma_start3A = arith.constant 0 : i32
        %dma_start3A_45 = arith.constant 0 : i32
        %dma_start3A_46 = tpu.memref_slice %arg5[%dma_start3A, %dma_start3A_45] : memref<784x32xf32, #tpu.memory_space<vmem>> -> memref<784x32xf32, #tpu.memory_space<vmem>>
        %dma_start3A_47 = arith.constant 0 : i32
        %dma_start3A_48 = tpu.memref_slice %arg2[%run_scoped3A_13, %mul3A_12, %dma_start3A_47] : memref<2x50000x32xf32, #tpu.memory_space<hbm>> -> memref<1x784x32xf32, #tpu.memory_space<hbm>>
        %dma_start3A_49 = tpu.memref_squeeze %dma_start3A_48 : memref<1x784x32xf32, #tpu.memory_space<hbm>> -> memref<784x32xf32, #tpu.memory_space<hbm>>
        %dma_start3A_50 = arith.constant 0 : i32
        %dma_start3A_51 = arith.constant 0 : i32
        %dma_start3A_52 = tpu.memref_slice %arg5[%dma_start3A_50, %dma_start3A_51] : memref<784x32xf32, #tpu.memory_space<vmem>> -> memref<784x32xf32, #tpu.memory_space<vmem>>
        %dma_start3A_53 = arith.constant 0 : i32
        %dma_start3A_54 = tpu.memref_slice %arg2[%run_scoped3A_13, %mul3A_12, %dma_start3A_53] : memref<2x50000x32xf32, #tpu.memory_space<hbm>> -> memref<1x784x32xf32, #tpu.memory_space<hbm>>
        %dma_start3A_55 = tpu.memref_squeeze %dma_start3A_54 : memref<1x784x32xf32, #tpu.memory_space<hbm>> -> memref<784x32xf32, #tpu.memory_space<hbm>>
        tpu.enqueue_dma source(%dma_start3A_55 : memref<784x32xf32, #tpu.memory_space<hbm>>) target(%dma_start3A_52 : memref<784x32xf32, #tpu.memory_space<vmem>>) target_semaphore(%run_scoped3A_44 : memref<!tpu.dma_semaphore, #tpu.memory_space<semaphore_mem>>)
        %dma_wait3A = arith.constant 0 : i32
        %dma_wait3A_56 = arith.constant 0 : i32
        %dma_wait3A_57 = tpu.memref_slice %arg5[%dma_wait3A, %dma_wait3A_56] : memref<784x32xf32, #tpu.memory_space<vmem>> -> memref<784x32xf32, #tpu.memory_space<vmem>>
        %dma_wait3A_58 = arith.constant 0 : i32
        %dma_wait3A_59 = tpu.memref_slice %arg2[%run_scoped3A_13, %mul3A_12, %dma_wait3A_58] : memref<2x50000x32xf32, #tpu.memory_space<hbm>> -> memref<1x784x32xf32, #tpu.memory_space<hbm>>
        %dma_wait3A_60 = tpu.memref_squeeze %dma_wait3A_59 : memref<1x784x32xf32, #tpu.memory_space<hbm>> -> memref<784x32xf32, #tpu.memory_space<hbm>>
        %dma_wait3A_61 = arith.constant 0 : i32
        %dma_wait3A_62 = arith.constant 0 : i32
        %dma_wait3A_63 = tpu.memref_slice %arg5[%dma_wait3A_61, %dma_wait3A_62] : memref<784x32xf32, #tpu.memory_space<vmem>> -> memref<784x32xf32, #tpu.memory_space<vmem>>
        %dma_wait3A_64 = arith.constant 0 : i32
        %dma_wait3A_65 = tpu.memref_slice %arg2[%run_scoped3A_13, %mul3A_12, %dma_wait3A_64] : memref<2x50000x32xf32, #tpu.memory_space<hbm>> -> memref<1x784x32xf32, #tpu.memory_space<hbm>>
        %dma_wait3A_66 = tpu.memref_squeeze %dma_wait3A_65 : memref<1x784x32xf32, #tpu.memory_space<hbm>> -> memref<784x32xf32, #tpu.memory_space<hbm>>
        tpu.wait_dma2 semaphore(%run_scoped3A_44 : memref<!tpu.dma_semaphore, #tpu.memory_space<semaphore_mem>>) src(%dma_wait3A_66 : memref<784x32xf32, #tpu.memory_space<hbm>>) dst(%dma_wait3A_63 : memref<784x32xf32, #tpu.memory_space<vmem>>)
        tpu.yield
      }) : () -> ()
      %iota3A = tpu.iota {dimensions = array<i32: 0>} : vector<16xi32>
      %add3A_14 = arith.constant 16 : i32
      %add3A_15 = vector.broadcast %add3A_14 : i32 to vector<16xi32>
      %add3A_16 = arith.addi %iota3A, %add3A_15 : vector<16xi32>
      %scan3A = arith.constant 0 : i32
      %scan3A_17 = arith.constant 0 : i32
      %scan3A_18 = arith.constant 784 : i32
      %scan3A_19 = arith.addi %scan3A_17, %scan3A_18 : i32
      %scan3A_20 = arith.constant 1 : i32
      scf.for %scan3A_44 = %scan3A_17 to %scan3A_19 step %scan3A_20  : i32 {
        %get3A = arith.index_cast %scan3A_44 : i32 to index
        %get3A_45 = arith.constant 0 : index
        %get3A_46 = tpu.vector_load %arg4[%get3A, %get3A_45] {strides = array<i32>} : memref<784x32xf32, #tpu.memory_space<vmem>>, vector<16xf32>,
        %get3A_47 = arith.index_cast %scan3A_44 : i32 to index
        %get3A_48 = arith.constant 0 : index
        %get3A_49 = tpu.vector_load %arg5[%get3A_47, %get3A_48] {strides = array<i32>} : memref<784x32xf32, #tpu.memory_space<vmem>>, vector<16xf32>,
        %add3A_50 = arith.addf %get3A_46, %get3A_49 : vector<16xf32>
        %get3A_51 = arith.index_cast %scan3A_44 : i32 to index
        %get3A_52 = arith.constant 16 : index
        %get3A_53 = tpu.vector_load %arg4[%get3A_51, %get3A_52] {strides = array<i32>} : memref<784x32xf32, #tpu.memory_space<vmem>>, vector<16xf32>,
        %get3A_54 = arith.index_cast %scan3A_44 : i32 to index
        %get3A_55 = arith.constant 16 : index
        %get3A_56 = tpu.vector_load %arg5[%get3A_54, %get3A_55] {strides = array<i32>} : memref<784x32xf32, #tpu.memory_space<vmem>>, vector<16xf32>,
        %add3A_57 = arith.addf %get3A_53, %get3A_56 : vector<16xf32>
        %broadcast_in_dim3A = arith.constant 0 : i32
        %broadcast_in_dim3A_58 = vector.broadcast %broadcast_in_dim3A : i32 to vector<16xi32>
        %add3A_59 = vector.broadcast %scan3A_44 : i32 to vector<16xi32>
        %add3A_60 = arith.addi %broadcast_in_dim3A_58, %add3A_59 : vector<16xi32>
        tpu.vector_store_idx %arg6[%iota3A, %add3A_60], %add3A_50 : memref<32x784xf32, #tpu.memory_space<vmem>>[vector<16xi32>, vector<16xi32>], vector<16xf32>,
        tpu.vector_store_idx %arg6[%add3A_16, %add3A_60], %add3A_57 : memref<32x784xf32, #tpu.memory_space<vmem>>[vector<16xi32>, vector<16xi32>], vector<16xf32>,
      }
      %scan3A_21 = arith.constant 784 : i32
      %run_scoped3A_22 = arith.constant 0 : i32
      "tpu.region"() ({
        %run_scoped3A_44 = tpu.sem_alloc : memref<!tpu.dma_semaphore, #tpu.memory_space<semaphore_mem>>
        %dma_start3A = arith.constant 0 : i32
        %dma_start3A_45 = arith.constant 0 : i32
        %dma_start3A_46 = tpu.memref_slice %arg6[%dma_start3A, %dma_start3A_45] : memref<32x784xf32, #tpu.memory_space<vmem>> -> memref<8x784xf32, #tpu.memory_space<vmem>>
        %dma_start3A_47 = arith.constant 0 : i32
        %dma_start3A_48 = tpu.memref_slice %arg3[%run_scoped3A_22, %dma_start3A_47, %mul3A_12] : memref<4x8x50000xf32, #tpu.memory_space<hbm>> -> memref<1x8x784xf32, #tpu.memory_space<hbm>>
        %dma_start3A_49 = tpu.memref_squeeze %dma_start3A_48 : memref<1x8x784xf32, #tpu.memory_space<hbm>> -> memref<8x784xf32, #tpu.memory_space<hbm>>
        %dma_start3A_50 = arith.constant 0 : i32
        %dma_start3A_51 = tpu.memref_slice %arg3[%run_scoped3A_22, %dma_start3A_50, %mul3A_12] : memref<4x8x50000xf32, #tpu.memory_space<hbm>> -> memref<1x8x784xf32, #tpu.memory_space<hbm>>
        %dma_start3A_52 = tpu.memref_squeeze %dma_start3A_51 : memref<1x8x784xf32, #tpu.memory_space<hbm>> -> memref<8x784xf32, #tpu.memory_space<hbm>>
        %dma_start3A_53 = arith.constant 0 : i32
        %dma_start3A_54 = arith.constant 0 : i32
        %dma_start3A_55 = tpu.memref_slice %arg6[%dma_start3A_53, %dma_start3A_54] : memref<32x784xf32, #tpu.memory_space<vmem>> -> memref<8x784xf32, #tpu.memory_space<vmem>>
        tpu.enqueue_dma source(%dma_start3A_55 : memref<8x784xf32, #tpu.memory_space<vmem>>) target(%dma_start3A_52 : memref<8x784xf32, #tpu.memory_space<hbm>>) target_semaphore(%run_scoped3A_44 : memref<!tpu.dma_semaphore, #tpu.memory_space<semaphore_mem>>)
        %dma_wait3A = arith.constant 0 : i32
        %dma_wait3A_56 = arith.constant 0 : i32
        %dma_wait3A_57 = tpu.memref_slice %arg6[%dma_wait3A, %dma_wait3A_56] : memref<32x784xf32, #tpu.memory_space<vmem>> -> memref<8x784xf32, #tpu.memory_space<vmem>>
        %dma_wait3A_58 = arith.constant 0 : i32
        %dma_wait3A_59 = tpu.memref_slice %arg3[%run_scoped3A_22, %dma_wait3A_58, %mul3A_12] : memref<4x8x50000xf32, #tpu.memory_space<hbm>> -> memref<1x8x784xf32, #tpu.memory_space<hbm>>
        %dma_wait3A_60 = tpu.memref_squeeze %dma_wait3A_59 : memref<1x8x784xf32, #tpu.memory_space<hbm>> -> memref<8x784xf32, #tpu.memory_space<hbm>>
        %dma_wait3A_61 = arith.constant 0 : i32
        %dma_wait3A_62 = tpu.memref_slice %arg3[%run_scoped3A_22, %dma_wait3A_61, %mul3A_12] : memref<4x8x50000xf32, #tpu.memory_space<hbm>> -> memref<1x8x784xf32, #tpu.memory_space<hbm>>
        %dma_wait3A_63 = tpu.memref_squeeze %dma_wait3A_62 : memref<1x8x784xf32, #tpu.memory_space<hbm>> -> memref<8x784xf32, #tpu.memory_space<hbm>>
        %dma_wait3A_64 = arith.constant 0 : i32
        %dma_wait3A_65 = arith.constant 0 : i32
        %dma_wait3A_66 = tpu.memref_slice %arg6[%dma_wait3A_64, %dma_wait3A_65] : memref<32x784xf32, #tpu.memory_space<vmem>> -> memref<8x784xf32, #tpu.memory_space<vmem>>
        tpu.wait_dma2 semaphore(%run_scoped3A_44 : memref<!tpu.dma_semaphore, #tpu.memory_space<semaphore_mem>>) src(%dma_wait3A_66 : memref<8x784xf32, #tpu.memory_space<vmem>>) dst(%dma_wait3A_63 : memref<8x784xf32, #tpu.memory_space<hbm>>)
        tpu.yield
      }) : () -> ()
      %run_scoped3A_23 = arith.constant 1 : i32
      "tpu.region"() ({
        %run_scoped3A_44 = tpu.sem_alloc : memref<!tpu.dma_semaphore, #tpu.memory_space<semaphore_mem>>
        %dma_start3A = arith.constant 8 : i32
        %dma_start3A_45 = arith.constant 0 : i32
        %dma_start3A_46 = tpu.memref_slice %arg6[%dma_start3A, %dma_start3A_45] : memref<32x784xf32, #tpu.memory_space<vmem>> -> memref<8x784xf32, #tpu.memory_space<vmem>>
        %dma_start3A_47 = arith.constant 0 : i32
        %dma_start3A_48 = tpu.memref_slice %arg3[%run_scoped3A_23, %dma_start3A_47, %mul3A_12] : memref<4x8x50000xf32, #tpu.memory_space<hbm>> -> memref<1x8x784xf32, #tpu.memory_space<hbm>>
        %dma_start3A_49 = tpu.memref_squeeze %dma_start3A_48 : memref<1x8x784xf32, #tpu.memory_space<hbm>> -> memref<8x784xf32, #tpu.memory_space<hbm>>
        %dma_start3A_50 = arith.constant 0 : i32
        %dma_start3A_51 = tpu.memref_slice %arg3[%run_scoped3A_23, %dma_start3A_50, %mul3A_12] : memref<4x8x50000xf32, #tpu.memory_space<hbm>> -> memref<1x8x784xf32, #tpu.memory_space<hbm>>
        %dma_start3A_52 = tpu.memref_squeeze %dma_start3A_51 : memref<1x8x784xf32, #tpu.memory_space<hbm>> -> memref<8x784xf32, #tpu.memory_space<hbm>>
        %dma_start3A_53 = arith.constant 8 : i32
        %dma_start3A_54 = arith.constant 0 : i32
        %dma_start3A_55 = tpu.memref_slice %arg6[%dma_start3A_53, %dma_start3A_54] : memref<32x784xf32, #tpu.memory_space<vmem>> -> memref<8x784xf32, #tpu.memory_space<vmem>>
        tpu.enqueue_dma source(%dma_start3A_55 : memref<8x784xf32, #tpu.memory_space<vmem>>) target(%dma_start3A_52 : memref<8x784xf32, #tpu.memory_space<hbm>>) target_semaphore(%run_scoped3A_44 : memref<!tpu.dma_semaphore, #tpu.memory_space<semaphore_mem>>)
        %dma_wait3A = arith.constant 8 : i32
        %dma_wait3A_56 = arith.constant 0 : i32
        %dma_wait3A_57 = tpu.memref_slice %arg6[%dma_wait3A, %dma_wait3A_56] : memref<32x784xf32, #tpu.memory_space<vmem>> -> memref<8x784xf32, #tpu.memory_space<vmem>>
        %dma_wait3A_58 = arith.constant 0 : i32
        %dma_wait3A_59 = tpu.memref_slice %arg3[%run_scoped3A_23, %dma_wait3A_58, %mul3A_12] : memref<4x8x50000xf32, #tpu.memory_space<hbm>> -> memref<1x8x784xf32, #tpu.memory_space<hbm>>
        %dma_wait3A_60 = tpu.memref_squeeze %dma_wait3A_59 : memref<1x8x784xf32, #tpu.memory_space<hbm>> -> memref<8x784xf32, #tpu.memory_space<hbm>>
        %dma_wait3A_61 = arith.constant 0 : i32
        %dma_wait3A_62 = tpu.memref_slice %arg3[%run_scoped3A_23, %dma_wait3A_61, %mul3A_12] : memref<4x8x50000xf32, #tpu.memory_space<hbm>> -> memref<1x8x784xf32, #tpu.memory_space<hbm>>
        %dma_wait3A_63 = tpu.memref_squeeze %dma_wait3A_62 : memref<1x8x784xf32, #tpu.memory_space<hbm>> -> memref<8x784xf32, #tpu.memory_space<hbm>>
        %dma_wait3A_64 = arith.constant 8 : i32
        %dma_wait3A_65 = arith.constant 0 : i32
        %dma_wait3A_66 = tpu.memref_slice %arg6[%dma_wait3A_64, %dma_wait3A_65] : memref<32x784xf32, #tpu.memory_space<vmem>> -> memref<8x784xf32, #tpu.memory_space<vmem>>
        tpu.wait_dma2 semaphore(%run_scoped3A_44 : memref<!tpu.dma_semaphore, #tpu.memory_space<semaphore_mem>>) src(%dma_wait3A_66 : memref<8x784xf32, #tpu.memory_space<vmem>>) dst(%dma_wait3A_63 : memref<8x784xf32, #tpu.memory_space<hbm>>)
        tpu.yield
      }) : () -> ()
      %run_scoped3A_24 = arith.constant 2 : i32
      "tpu.region"() ({
        %run_scoped3A_44 = tpu.sem_alloc : memref<!tpu.dma_semaphore, #tpu.memory_space<semaphore_mem>>
        %dma_start3A = arith.constant 16 : i32
        %dma_start3A_45 = arith.constant 0 : i32
        %dma_start3A_46 = tpu.memref_slice %arg6[%dma_start3A, %dma_start3A_45] : memref<32x784xf32, #tpu.memory_space<vmem>> -> memref<8x784xf32, #tpu.memory_space<vmem>>
        %dma_start3A_47 = arith.constant 0 : i32
        %dma_start3A_48 = tpu.memref_slice %arg3[%run_scoped3A_24, %dma_start3A_47, %mul3A_12] : memref<4x8x50000xf32, #tpu.memory_space<hbm>> -> memref<1x8x784xf32, #tpu.memory_space<hbm>>
        %dma_start3A_49 = tpu.memref_squeeze %dma_start3A_48 : memref<1x8x784xf32, #tpu.memory_space<hbm>> -> memref<8x784xf32, #tpu.memory_space<hbm>>
        %dma_start3A_50 = arith.constant 0 : i32
        %dma_start3A_51 = tpu.memref_slice %arg3[%run_scoped3A_24, %dma_start3A_50, %mul3A_12] : memref<4x8x50000xf32, #tpu.memory_space<hbm>> -> memref<1x8x784xf32, #tpu.memory_space<hbm>>
        %dma_start3A_52 = tpu.memref_squeeze %dma_start3A_51 : memref<1x8x784xf32, #tpu.memory_space<hbm>> -> memref<8x784xf32, #tpu.memory_space<hbm>>
        %dma_start3A_53 = arith.constant 16 : i32
        %dma_start3A_54 = arith.constant 0 : i32
        %dma_start3A_55 = tpu.memref_slice %arg6[%dma_start3A_53, %dma_start3A_54] : memref<32x784xf32, #tpu.memory_space<vmem>> -> memref<8x784xf32, #tpu.memory_space<vmem>>
        tpu.enqueue_dma source(%dma_start3A_55 : memref<8x784xf32, #tpu.memory_space<vmem>>) target(%dma_start3A_52 : memref<8x784xf32, #tpu.memory_space<hbm>>) target_semaphore(%run_scoped3A_44 : memref<!tpu.dma_semaphore, #tpu.memory_space<semaphore_mem>>)
        %dma_wait3A = arith.constant 16 : i32
        %dma_wait3A_56 = arith.constant 0 : i32
        %dma_wait3A_57 = tpu.memref_slice %arg6[%dma_wait3A, %dma_wait3A_56] : memref<32x784xf32, #tpu.memory_space<vmem>> -> memref<8x784xf32, #tpu.memory_space<vmem>>
        %dma_wait3A_58 = arith.constant 0 : i32
        %dma_wait3A_59 = tpu.memref_slice %arg3[%run_scoped3A_24, %dma_wait3A_58, %mul3A_12] : memref<4x8x50000xf32, #tpu.memory_space<hbm>> -> memref<1x8x784xf32, #tpu.memory_space<hbm>>
        %dma_wait3A_60 = tpu.memref_squeeze %dma_wait3A_59 : memref<1x8x784xf32, #tpu.memory_space<hbm>> -> memref<8x784xf32, #tpu.memory_space<hbm>>
        %dma_wait3A_61 = arith.constant 0 : i32
        %dma_wait3A_62 = tpu.memref_slice %arg3[%run_scoped3A_24, %dma_wait3A_61, %mul3A_12] : memref<4x8x50000xf32, #tpu.memory_space<hbm>> -> memref<1x8x784xf32, #tpu.memory_space<hbm>>
        %dma_wait3A_63 = tpu.memref_squeeze %dma_wait3A_62 : memref<1x8x784xf32, #tpu.memory_space<hbm>> -> memref<8x784xf32, #tpu.memory_space<hbm>>
        %dma_wait3A_64 = arith.constant 16 : i32
        %dma_wait3A_65 = arith.constant 0 : i32
        %dma_wait3A_66 = tpu.memref_slice %arg6[%dma_wait3A_64, %dma_wait3A_65] : memref<32x784xf32, #tpu.memory_space<vmem>> -> memref<8x784xf32, #tpu.memory_space<vmem>>
        tpu.wait_dma2 semaphore(%run_scoped3A_44 : memref<!tpu.dma_semaphore, #tpu.memory_space<semaphore_mem>>) src(%dma_wait3A_66 : memref<8x784xf32, #tpu.memory_space<vmem>>) dst(%dma_wait3A_63 : memref<8x784xf32, #tpu.memory_space<hbm>>)
        tpu.yield
      }) : () -> ()
      %run_scoped3A_25 = arith.constant 3 : i32
      "tpu.region"() ({
        %run_scoped3A_44 = tpu.sem_alloc : memref<!tpu.dma_semaphore, #tpu.memory_space<semaphore_mem>>
        %dma_start3A = arith.constant 24 : i32
        %dma_start3A_45 = arith.constant 0 : i32
        %dma_start3A_46 = tpu.memref_slice %arg6[%dma_start3A, %dma_start3A_45] : memref<32x784xf32, #tpu.memory_space<vmem>> -> memref<8x784xf32, #tpu.memory_space<vmem>>
        %dma_start3A_47 = arith.constant 0 : i32
        %dma_start3A_48 = tpu.memref_slice %arg3[%run_scoped3A_25, %dma_start3A_47, %mul3A_12] : memref<4x8x50000xf32, #tpu.memory_space<hbm>> -> memref<1x8x784xf32, #tpu.memory_space<hbm>>
        %dma_start3A_49 = tpu.memref_squeeze %dma_start3A_48 : memref<1x8x784xf32, #tpu.memory_space<hbm>> -> memref<8x784xf32, #tpu.memory_space<hbm>>
        %dma_start3A_50 = arith.constant 0 : i32
        %dma_start3A_51 = tpu.memref_slice %arg3[%run_scoped3A_25, %dma_start3A_50, %mul3A_12] : memref<4x8x50000xf32, #tpu.memory_space<hbm>> -> memref<1x8x784xf32, #tpu.memory_space<hbm>>
        %dma_start3A_52 = tpu.memref_squeeze %dma_start3A_51 : memref<1x8x784xf32, #tpu.memory_space<hbm>> -> memref<8x784xf32, #tpu.memory_space<hbm>>
        %dma_start3A_53 = arith.constant 24 : i32
        %dma_start3A_54 = arith.constant 0 : i32
        %dma_start3A_55 = tpu.memref_slice %arg6[%dma_start3A_53, %dma_start3A_54] : memref<32x784xf32, #tpu.memory_space<vmem>> -> memref<8x784xf32, #tpu.memory_space<vmem>>
        tpu.enqueue_dma source(%dma_start3A_55 : memref<8x784xf32, #tpu.memory_space<vmem>>) target(%dma_start3A_52 : memref<8x784xf32, #tpu.memory_space<hbm>>) target_semaphore(%run_scoped3A_44 : memref<!tpu.dma_semaphore, #tpu.memory_space<semaphore_mem>>)
        %dma_wait3A = arith.constant 24 : i32
        %dma_wait3A_56 = arith.constant 0 : i32
        %dma_wait3A_57 = tpu.memref_slice %arg6[%dma_wait3A, %dma_wait3A_56] : memref<32x784xf32, #tpu.memory_space<vmem>> -> memref<8x784xf32, #tpu.memory_space<vmem>>
        %dma_wait3A_58 = arith.constant 0 : i32
        %dma_wait3A_59 = tpu.memref_slice %arg3[%run_scoped3A_25, %dma_wait3A_58, %mul3A_12] : memref<4x8x50000xf32, #tpu.memory_space<hbm>> -> memref<1x8x784xf32, #tpu.memory_space<hbm>>
        %dma_wait3A_60 = tpu.memref_squeeze %dma_wait3A_59 : memref<1x8x784xf32, #tpu.memory_space<hbm>> -> memref<8x784xf32, #tpu.memory_space<hbm>>
        %dma_wait3A_61 = arith.constant 0 : i32
        %dma_wait3A_62 = tpu.memref_slice %arg3[%run_scoped3A_25, %dma_wait3A_61, %mul3A_12] : memref<4x8x50000xf32, #tpu.memory_space<hbm>> -> memref<1x8x784xf32, #tpu.memory_space<hbm>>
        %dma_wait3A_63 = tpu.memref_squeeze %dma_wait3A_62 : memref<1x8x784xf32, #tpu.memory_space<hbm>> -> memref<8x784xf32, #tpu.memory_space<hbm>>
        %dma_wait3A_64 = arith.constant 24 : i32
        %dma_wait3A_65 = arith.constant 0 : i32
        %dma_wait3A_66 = tpu.memref_slice %arg6[%dma_wait3A_64, %dma_wait3A_65] : memref<32x784xf32, #tpu.memory_space<vmem>> -> memref<8x784xf32, #tpu.memory_space<vmem>>
        tpu.wait_dma2 semaphore(%run_scoped3A_44 : memref<!tpu.dma_semaphore, #tpu.memory_space<semaphore_mem>>) src(%dma_wait3A_66 : memref<8x784xf32, #tpu.memory_space<vmem>>) dst(%dma_wait3A_63 : memref<8x784xf32, #tpu.memory_space<hbm>>)
        tpu.yield
      }) : () -> ()
      %add3A_26 = arith.constant 784 : i32
      %add3A_27 = arith.addi %mul3A_12, %add3A_26 : i32
      %run_scoped3A_28 = arith.constant 0 : i32
      "tpu.region"() ({
        %run_scoped3A_44 = tpu.sem_alloc : memref<!tpu.dma_semaphore, #tpu.memory_space<semaphore_mem>>
        %dma_start3A = arith.constant 0 : i32
        %dma_start3A_45 = arith.constant 0 : i32
        %dma_start3A_46 = tpu.memref_slice %arg4[%dma_start3A, %dma_start3A_45] : memref<784x32xf32, #tpu.memory_space<vmem>> -> memref<776x32xf32, #tpu.memory_space<vmem>>
        %dma_start3A_47 = arith.constant 0 : i32
        %dma_start3A_48 = tpu.memref_slice %arg2[%run_scoped3A_28, %add3A_27, %dma_start3A_47] : memref<2x50000x32xf32, #tpu.memory_space<hbm>> -> memref<1x776x32xf32, #tpu.memory_space<hbm>>
        %dma_start3A_49 = tpu.memref_squeeze %dma_start3A_48 : memref<1x776x32xf32, #tpu.memory_space<hbm>> -> memref<776x32xf32, #tpu.memory_space<hbm>>
        %dma_start3A_50 = arith.constant 0 : i32
        %dma_start3A_51 = arith.constant 0 : i32
        %dma_start3A_52 = tpu.memref_slice %arg4[%dma_start3A_50, %dma_start3A_51] : memref<784x32xf32, #tpu.memory_space<vmem>> -> memref<776x32xf32, #tpu.memory_space<vmem>>
        %dma_start3A_53 = arith.constant 0 : i32
        %dma_start3A_54 = tpu.memref_slice %arg2[%run_scoped3A_28, %add3A_27, %dma_start3A_53] : memref<2x50000x32xf32, #tpu.memory_space<hbm>> -> memref<1x776x32xf32, #tpu.memory_space<hbm>>
        %dma_start3A_55 = tpu.memref_squeeze %dma_start3A_54 : memref<1x776x32xf32, #tpu.memory_space<hbm>> -> memref<776x32xf32, #tpu.memory_space<hbm>>
        tpu.enqueue_dma source(%dma_start3A_55 : memref<776x32xf32, #tpu.memory_space<hbm>>) target(%dma_start3A_52 : memref<776x32xf32, #tpu.memory_space<vmem>>) target_semaphore(%run_scoped3A_44 : memref<!tpu.dma_semaphore, #tpu.memory_space<semaphore_mem>>)
        %dma_wait3A = arith.constant 0 : i32
        %dma_wait3A_56 = arith.constant 0 : i32
        %dma_wait3A_57 = tpu.memref_slice %arg4[%dma_wait3A, %dma_wait3A_56] : memref<784x32xf32, #tpu.memory_space<vmem>> -> memref<776x32xf32, #tpu.memory_space<vmem>>
        %dma_wait3A_58 = arith.constant 0 : i32
        %dma_wait3A_59 = tpu.memref_slice %arg2[%run_scoped3A_28, %add3A_27, %dma_wait3A_58] : memref<2x50000x32xf32, #tpu.memory_space<hbm>> -> memref<1x776x32xf32, #tpu.memory_space<hbm>>
        %dma_wait3A_60 = tpu.memref_squeeze %dma_wait3A_59 : memref<1x776x32xf32, #tpu.memory_space<hbm>> -> memref<776x32xf32, #tpu.memory_space<hbm>>
        %dma_wait3A_61 = arith.constant 0 : i32
        %dma_wait3A_62 = arith.constant 0 : i32
        %dma_wait3A_63 = tpu.memref_slice %arg4[%dma_wait3A_61, %dma_wait3A_62] : memref<784x32xf32, #tpu.memory_space<vmem>> -> memref<776x32xf32, #tpu.memory_space<vmem>>
        %dma_wait3A_64 = arith.constant 0 : i32
        %dma_wait3A_65 = tpu.memref_slice %arg2[%run_scoped3A_28, %add3A_27, %dma_wait3A_64] : memref<2x50000x32xf32, #tpu.memory_space<hbm>> -> memref<1x776x32xf32, #tpu.memory_space<hbm>>
        %dma_wait3A_66 = tpu.memref_squeeze %dma_wait3A_65 : memref<1x776x32xf32, #tpu.memory_space<hbm>> -> memref<776x32xf32, #tpu.memory_space<hbm>>
        tpu.wait_dma2 semaphore(%run_scoped3A_44 : memref<!tpu.dma_semaphore, #tpu.memory_space<semaphore_mem>>) src(%dma_wait3A_66 : memref<776x32xf32, #tpu.memory_space<hbm>>) dst(%dma_wait3A_63 : memref<776x32xf32, #tpu.memory_space<vmem>>)
        tpu.yield
      }) : () -> ()
      %run_scoped3A_29 = arith.constant 1 : i32
      "tpu.region"() ({
        %run_scoped3A_44 = tpu.sem_alloc : memref<!tpu.dma_semaphore, #tpu.memory_space<semaphore_mem>>
        %dma_start3A = arith.constant 0 : i32
        %dma_start3A_45 = arith.constant 0 : i32
        %dma_start3A_46 = tpu.memref_slice %arg5[%dma_start3A, %dma_start3A_45] : memref<784x32xf32, #tpu.memory_space<vmem>> -> memref<776x32xf32, #tpu.memory_space<vmem>>
        %dma_start3A_47 = arith.constant 0 : i32
        %dma_start3A_48 = tpu.memref_slice %arg2[%run_scoped3A_29, %add3A_27, %dma_start3A_47] : memref<2x50000x32xf32, #tpu.memory_space<hbm>> -> memref<1x776x32xf32, #tpu.memory_space<hbm>>
        %dma_start3A_49 = tpu.memref_squeeze %dma_start3A_48 : memref<1x776x32xf32, #tpu.memory_space<hbm>> -> memref<776x32xf32, #tpu.memory_space<hbm>>
        %dma_start3A_50 = arith.constant 0 : i32
        %dma_start3A_51 = arith.constant 0 : i32
        %dma_start3A_52 = tpu.memref_slice %arg5[%dma_start3A_50, %dma_start3A_51] : memref<784x32xf32, #tpu.memory_space<vmem>> -> memref<776x32xf32, #tpu.memory_space<vmem>>
        %dma_start3A_53 = arith.constant 0 : i32
        %dma_start3A_54 = tpu.memref_slice %arg2[%run_scoped3A_29, %add3A_27, %dma_start3A_53] : memref<2x50000x32xf32, #tpu.memory_space<hbm>> -> memref<1x776x32xf32, #tpu.memory_space<hbm>>
        %dma_start3A_55 = tpu.memref_squeeze %dma_start3A_54 : memref<1x776x32xf32, #tpu.memory_space<hbm>> -> memref<776x32xf32, #tpu.memory_space<hbm>>
        tpu.enqueue_dma source(%dma_start3A_55 : memref<776x32xf32, #tpu.memory_space<hbm>>) target(%dma_start3A_52 : memref<776x32xf32, #tpu.memory_space<vmem>>) target_semaphore(%run_scoped3A_44 : memref<!tpu.dma_semaphore, #tpu.memory_space<semaphore_mem>>)
        %dma_wait3A = arith.constant 0 : i32
        %dma_wait3A_56 = arith.constant 0 : i32
        %dma_wait3A_57 = tpu.memref_slice %arg5[%dma_wait3A, %dma_wait3A_56] : memref<784x32xf32, #tpu.memory_space<vmem>> -> memref<776x32xf32, #tpu.memory_space<vmem>>
        %dma_wait3A_58 = arith.constant 0 : i32
        %dma_wait3A_59 = tpu.memref_slice %arg2[%run_scoped3A_29, %add3A_27, %dma_wait3A_58] : memref<2x50000x32xf32, #tpu.memory_space<hbm>> -> memref<1x776x32xf32, #tpu.memory_space<hbm>>
        %dma_wait3A_60 = tpu.memref_squeeze %dma_wait3A_59 : memref<1x776x32xf32, #tpu.memory_space<hbm>> -> memref<776x32xf32, #tpu.memory_space<hbm>>
        %dma_wait3A_61 = arith.constant 0 : i32
        %dma_wait3A_62 = arith.constant 0 : i32
        %dma_wait3A_63 = tpu.memref_slice %arg5[%dma_wait3A_61, %dma_wait3A_62] : memref<784x32xf32, #tpu.memory_space<vmem>> -> memref<776x32xf32, #tpu.memory_space<vmem>>
        %dma_wait3A_64 = arith.constant 0 : i32
        %dma_wait3A_65 = tpu.memref_slice %arg2[%run_scoped3A_29, %add3A_27, %dma_wait3A_64] : memref<2x50000x32xf32, #tpu.memory_space<hbm>> -> memref<1x776x32xf32, #tpu.memory_space<hbm>>
        %dma_wait3A_66 = tpu.memref_squeeze %dma_wait3A_65 : memref<1x776x32xf32, #tpu.memory_space<hbm>> -> memref<776x32xf32, #tpu.memory_space<hbm>>
        tpu.wait_dma2 semaphore(%run_scoped3A_44 : memref<!tpu.dma_semaphore, #tpu.memory_space<semaphore_mem>>) src(%dma_wait3A_66 : memref<776x32xf32, #tpu.memory_space<hbm>>) dst(%dma_wait3A_63 : memref<776x32xf32, #tpu.memory_space<vmem>>)
        tpu.yield
      }) : () -> ()
      %iota3A_30 = tpu.iota {dimensions = array<i32: 0>} : vector<16xi32>
      %add3A_31 = arith.constant 16 : i32
      %add3A_32 = vector.broadcast %add3A_31 : i32 to vector<16xi32>
      %add3A_33 = arith.addi %iota3A_30, %add3A_32 : vector<16xi32>
      %scan3A_34 = arith.constant 0 : i32
      %scan3A_35 = arith.constant 0 : i32
      %scan3A_36 = arith.constant 776 : i32
      %scan3A_37 = arith.addi %scan3A_35, %scan3A_36 : i32
      %scan3A_38 = arith.constant 1 : i32
      scf.for %scan3A_44 = %scan3A_35 to %scan3A_37 step %scan3A_38  : i32 {
        %get3A = arith.index_cast %scan3A_44 : i32 to index
        %get3A_45 = arith.constant 0 : index
        %get3A_46 = tpu.vector_load %arg4[%get3A, %get3A_45] {strides = array<i32>} : memref<784x32xf32, #tpu.memory_space<vmem>>, vector<16xf32>,
        %get3A_47 = arith.index_cast %scan3A_44 : i32 to index
        %get3A_48 = arith.constant 0 : index
        %get3A_49 = tpu.vector_load %arg5[%get3A_47, %get3A_48] {strides = array<i32>} : memref<784x32xf32, #tpu.memory_space<vmem>>, vector<16xf32>,
        %add3A_50 = arith.addf %get3A_46, %get3A_49 : vector<16xf32>
        %get3A_51 = arith.index_cast %scan3A_44 : i32 to index
        %get3A_52 = arith.constant 16 : index
        %get3A_53 = tpu.vector_load %arg4[%get3A_51, %get3A_52] {strides = array<i32>} : memref<784x32xf32, #tpu.memory_space<vmem>>, vector<16xf32>,
        %get3A_54 = arith.index_cast %scan3A_44 : i32 to index
        %get3A_55 = arith.constant 16 : index
        %get3A_56 = tpu.vector_load %arg5[%get3A_54, %get3A_55] {strides = array<i32>} : memref<784x32xf32, #tpu.memory_space<vmem>>, vector<16xf32>,
        %add3A_57 = arith.addf %get3A_53, %get3A_56 : vector<16xf32>
        %broadcast_in_dim3A = arith.constant 0 : i32
        %broadcast_in_dim3A_58 = vector.broadcast %broadcast_in_dim3A : i32 to vector<16xi32>
        %add3A_59 = vector.broadcast %scan3A_44 : i32 to vector<16xi32>
        %add3A_60 = arith.addi %broadcast_in_dim3A_58, %add3A_59 : vector<16xi32>
        tpu.vector_store_idx %arg6[%iota3A_30, %add3A_60], %add3A_50 : memref<32x784xf32, #tpu.memory_space<vmem>>[vector<16xi32>, vector<16xi32>], vector<16xf32>,
        tpu.vector_store_idx %arg6[%add3A_33, %add3A_60], %add3A_57 : memref<32x784xf32, #tpu.memory_space<vmem>>[vector<16xi32>, vector<16xi32>], vector<16xf32>,
      }
      %scan3A_39 = arith.constant 776 : i32
      %run_scoped3A_40 = arith.constant 0 : i32
      "tpu.region"() ({
        %run_scoped3A_44 = tpu.sem_alloc : memref<!tpu.dma_semaphore, #tpu.memory_space<semaphore_mem>>
        %dma_start3A = arith.constant 0 : i32
        %dma_start3A_45 = arith.constant 0 : i32
        %dma_start3A_46 = tpu.memref_slice %arg6[%dma_start3A, %dma_start3A_45] : memref<32x784xf32, #tpu.memory_space<vmem>> -> memref<8x776xf32, #tpu.memory_space<vmem>>
        %dma_start3A_47 = arith.constant 0 : i32
        %dma_start3A_48 = tpu.memref_slice %arg3[%run_scoped3A_40, %dma_start3A_47, %add3A_27] : memref<4x8x50000xf32, #tpu.memory_space<hbm>> -> memref<1x8x776xf32, #tpu.memory_space<hbm>>
        %dma_start3A_49 = tpu.memref_squeeze %dma_start3A_48 : memref<1x8x776xf32, #tpu.memory_space<hbm>> -> memref<8x776xf32, #tpu.memory_space<hbm>>
        %dma_start3A_50 = arith.constant 0 : i32
        %dma_start3A_51 = tpu.memref_slice %arg3[%run_scoped3A_40, %dma_start3A_50, %add3A_27] : memref<4x8x50000xf32, #tpu.memory_space<hbm>> -> memref<1x8x776xf32, #tpu.memory_space<hbm>>
        %dma_start3A_52 = tpu.memref_squeeze %dma_start3A_51 : memref<1x8x776xf32, #tpu.memory_space<hbm>> -> memref<8x776xf32, #tpu.memory_space<hbm>>
        %dma_start3A_53 = arith.constant 0 : i32
        %dma_start3A_54 = arith.constant 0 : i32
        %dma_start3A_55 = tpu.memref_slice %arg6[%dma_start3A_53, %dma_start3A_54] : memref<32x784xf32, #tpu.memory_space<vmem>> -> memref<8x776xf32, #tpu.memory_space<vmem>>
        tpu.enqueue_dma source(%dma_start3A_55 : memref<8x776xf32, #tpu.memory_space<vmem>>) target(%dma_start3A_52 : memref<8x776xf32, #tpu.memory_space<hbm>>) target_semaphore(%run_scoped3A_44 : memref<!tpu.dma_semaphore, #tpu.memory_space<semaphore_mem>>)
        %dma_wait3A = arith.constant 0 : i32
        %dma_wait3A_56 = arith.constant 0 : i32
        %dma_wait3A_57 = tpu.memref_slice %arg6[%dma_wait3A, %dma_wait3A_56] : memref<32x784xf32, #tpu.memory_space<vmem>> -> memref<8x776xf32, #tpu.memory_space<vmem>>
        %dma_wait3A_58 = arith.constant 0 : i32
        %dma_wait3A_59 = tpu.memref_slice %arg3[%run_scoped3A_40, %dma_wait3A_58, %add3A_27] : memref<4x8x50000xf32, #tpu.memory_space<hbm>> -> memref<1x8x776xf32, #tpu.memory_space<hbm>>
        %dma_wait3A_60 = tpu.memref_squeeze %dma_wait3A_59 : memref<1x8x776xf32, #tpu.memory_space<hbm>> -> memref<8x776xf32, #tpu.memory_space<hbm>>
        %dma_wait3A_61 = arith.constant 0 : i32
        %dma_wait3A_62 = tpu.memref_slice %arg3[%run_scoped3A_40, %dma_wait3A_61, %add3A_27] : memref<4x8x50000xf32, #tpu.memory_space<hbm>> -> memref<1x8x776xf32, #tpu.memory_space<hbm>>
        %dma_wait3A_63 = tpu.memref_squeeze %dma_wait3A_62 : memref<1x8x776xf32, #tpu.memory_space<hbm>> -> memref<8x776xf32, #tpu.memory_space<hbm>>
        %dma_wait3A_64 = arith.constant 0 : i32
        %dma_wait3A_65 = arith.constant 0 : i32
        %dma_wait3A_66 = tpu.memref_slice %arg6[%dma_wait3A_64, %dma_wait3A_65] : memref<32x784xf32, #tpu.memory_space<vmem>> -> memref<8x776xf32, #tpu.memory_space<vmem>>
        tpu.wait_dma2 semaphore(%run_scoped3A_44 : memref<!tpu.dma_semaphore, #tpu.memory_space<semaphore_mem>>) src(%dma_wait3A_66 : memref<8x776xf32, #tpu.memory_space<vmem>>) dst(%dma_wait3A_63 : memref<8x776xf32, #tpu.memory_space<hbm>>)
        tpu.yield
      }) : () -> ()
      %run_scoped3A_41 = arith.constant 1 : i32
      "tpu.region"() ({
        %run_scoped3A_44 = tpu.sem_alloc : memref<!tpu.dma_semaphore, #tpu.memory_space<semaphore_mem>>
        %dma_start3A = arith.constant 8 : i32
        %dma_start3A_45 = arith.constant 0 : i32
        %dma_start3A_46 = tpu.memref_slice %arg6[%dma_start3A, %dma_start3A_45] : memref<32x784xf32, #tpu.memory_space<vmem>> -> memref<8x776xf32, #tpu.memory_space<vmem>>
        %dma_start3A_47 = arith.constant 0 : i32
        %dma_start3A_48 = tpu.memref_slice %arg3[%run_scoped3A_41, %dma_start3A_47, %add3A_27] : memref<4x8x50000xf32, #tpu.memory_space<hbm>> -> memref<1x8x776xf32, #tpu.memory_space<hbm>>
        %dma_start3A_49 = tpu.memref_squeeze %dma_start3A_48 : memref<1x8x776xf32, #tpu.memory_space<hbm>> -> memref<8x776xf32, #tpu.memory_space<hbm>>
        %dma_start3A_50 = arith.constant 0 : i32
        %dma_start3A_51 = tpu.memref_slice %arg3[%run_scoped3A_41, %dma_start3A_50, %add3A_27] : memref<4x8x50000xf32, #tpu.memory_space<hbm>> -> memref<1x8x776xf32, #tpu.memory_space<hbm>>
        %dma_start3A_52 = tpu.memref_squeeze %dma_start3A_51 : memref<1x8x776xf32, #tpu.memory_space<hbm>> -> memref<8x776xf32, #tpu.memory_space<hbm>>
        %dma_start3A_53 = arith.constant 8 : i32
        %dma_start3A_54 = arith.constant 0 : i32
        %dma_start3A_55 = tpu.memref_slice %arg6[%dma_start3A_53, %dma_start3A_54] : memref<32x784xf32, #tpu.memory_space<vmem>> -> memref<8x776xf32, #tpu.memory_space<vmem>>
        tpu.enqueue_dma source(%dma_start3A_55 : memref<8x776xf32, #tpu.memory_space<vmem>>) target(%dma_start3A_52 : memref<8x776xf32, #tpu.memory_space<hbm>>) target_semaphore(%run_scoped3A_44 : memref<!tpu.dma_semaphore, #tpu.memory_space<semaphore_mem>>)
        %dma_wait3A = arith.constant 8 : i32
        %dma_wait3A_56 = arith.constant 0 : i32
        %dma_wait3A_57 = tpu.memref_slice %arg6[%dma_wait3A, %dma_wait3A_56] : memref<32x784xf32, #tpu.memory_space<vmem>> -> memref<8x776xf32, #tpu.memory_space<vmem>>
        %dma_wait3A_58 = arith.constant 0 : i32
        %dma_wait3A_59 = tpu.memref_slice %arg3[%run_scoped3A_41, %dma_wait3A_58, %add3A_27] : memref<4x8x50000xf32, #tpu.memory_space<hbm>> -> memref<1x8x776xf32, #tpu.memory_space<hbm>>
        %dma_wait3A_60 = tpu.memref_squeeze %dma_wait3A_59 : memref<1x8x776xf32, #tpu.memory_space<hbm>> -> memref<8x776xf32, #tpu.memory_space<hbm>>
        %dma_wait3A_61 = arith.constant 0 : i32
        %dma_wait3A_62 = tpu.memref_slice %arg3[%run_scoped3A_41, %dma_wait3A_61, %add3A_27] : memref<4x8x50000xf32, #tpu.memory_space<hbm>> -> memref<1x8x776xf32, #tpu.memory_space<hbm>>
        %dma_wait3A_63 = tpu.memref_squeeze %dma_wait3A_62 : memref<1x8x776xf32, #tpu.memory_space<hbm>> -> memref<8x776xf32, #tpu.memory_space<hbm>>
        %dma_wait3A_64 = arith.constant 8 : i32
        %dma_wait3A_65 = arith.constant 0 : i32
        %dma_wait3A_66 = tpu.memref_slice %arg6[%dma_wait3A_64, %dma_wait3A_65] : memref<32x784xf32, #tpu.memory_space<vmem>> -> memref<8x776xf32, #tpu.memory_space<vmem>>
        tpu.wait_dma2 semaphore(%run_scoped3A_44 : memref<!tpu.dma_semaphore, #tpu.memory_space<semaphore_mem>>) src(%dma_wait3A_66 : memref<8x776xf32, #tpu.memory_space<vmem>>) dst(%dma_wait3A_63 : memref<8x776xf32, #tpu.memory_space<hbm>>)
        tpu.yield
      }) : () -> ()
      %run_scoped3A_42 = arith.constant 2 : i32
      "tpu.region"() ({
        %run_scoped3A_44 = tpu.sem_alloc : memref<!tpu.dma_semaphore, #tpu.memory_space<semaphore_mem>>
        %dma_start3A = arith.constant 16 : i32
        %dma_start3A_45 = arith.constant 0 : i32
        %dma_start3A_46 = tpu.memref_slice %arg6[%dma_start3A, %dma_start3A_45] : memref<32x784xf32, #tpu.memory_space<vmem>> -> memref<8x776xf32, #tpu.memory_space<vmem>>
        %dma_start3A_47 = arith.constant 0 : i32
        %dma_start3A_48 = tpu.memref_slice %arg3[%run_scoped3A_42, %dma_start3A_47, %add3A_27] : memref<4x8x50000xf32, #tpu.memory_space<hbm>> -> memref<1x8x776xf32, #tpu.memory_space<hbm>>
        %dma_start3A_49 = tpu.memref_squeeze %dma_start3A_48 : memref<1x8x776xf32, #tpu.memory_space<hbm>> -> memref<8x776xf32, #tpu.memory_space<hbm>>
        %dma_start3A_50 = arith.constant 0 : i32
        %dma_start3A_51 = tpu.memref_slice %arg3[%run_scoped3A_42, %dma_start3A_50, %add3A_27] : memref<4x8x50000xf32, #tpu.memory_space<hbm>> -> memref<1x8x776xf32, #tpu.memory_space<hbm>>
        %dma_start3A_52 = tpu.memref_squeeze %dma_start3A_51 : memref<1x8x776xf32, #tpu.memory_space<hbm>> -> memref<8x776xf32, #tpu.memory_space<hbm>>
        %dma_start3A_53 = arith.constant 16 : i32
        %dma_start3A_54 = arith.constant 0 : i32
        %dma_start3A_55 = tpu.memref_slice %arg6[%dma_start3A_53, %dma_start3A_54] : memref<32x784xf32, #tpu.memory_space<vmem>> -> memref<8x776xf32, #tpu.memory_space<vmem>>
        tpu.enqueue_dma source(%dma_start3A_55 : memref<8x776xf32, #tpu.memory_space<vmem>>) target(%dma_start3A_52 : memref<8x776xf32, #tpu.memory_space<hbm>>) target_semaphore(%run_scoped3A_44 : memref<!tpu.dma_semaphore, #tpu.memory_space<semaphore_mem>>)
        %dma_wait3A = arith.constant 16 : i32
        %dma_wait3A_56 = arith.constant 0 : i32
        %dma_wait3A_57 = tpu.memref_slice %arg6[%dma_wait3A, %dma_wait3A_56] : memref<32x784xf32, #tpu.memory_space<vmem>> -> memref<8x776xf32, #tpu.memory_space<vmem>>
        %dma_wait3A_58 = arith.constant 0 : i32
        %dma_wait3A_59 = tpu.memref_slice %arg3[%run_scoped3A_42, %dma_wait3A_58, %add3A_27] : memref<4x8x50000xf32, #tpu.memory_space<hbm>> -> memref<1x8x776xf32, #tpu.memory_space<hbm>>
        %dma_wait3A_60 = tpu.memref_squeeze %dma_wait3A_59 : memref<1x8x776xf32, #tpu.memory_space<hbm>> -> memref<8x776xf32, #tpu.memory_space<hbm>>
        %dma_wait3A_61 = arith.constant 0 : i32
        %dma_wait3A_62 = tpu.memref_slice %arg3[%run_scoped3A_42, %dma_wait3A_61, %add3A_27] : memref<4x8x50000xf32, #tpu.memory_space<hbm>> -> memref<1x8x776xf32, #tpu.memory_space<hbm>>
        %dma_wait3A_63 = tpu.memref_squeeze %dma_wait3A_62 : memref<1x8x776xf32, #tpu.memory_space<hbm>> -> memref<8x776xf32, #tpu.memory_space<hbm>>
        %dma_wait3A_64 = arith.constant 16 : i32
        %dma_wait3A_65 = arith.constant 0 : i32
        %dma_wait3A_66 = tpu.memref_slice %arg6[%dma_wait3A_64, %dma_wait3A_65] : memref<32x784xf32, #tpu.memory_space<vmem>> -> memref<8x776xf32, #tpu.memory_space<vmem>>
        tpu.wait_dma2 semaphore(%run_scoped3A_44 : memref<!tpu.dma_semaphore, #tpu.memory_space<semaphore_mem>>) src(%dma_wait3A_66 : memref<8x776xf32, #tpu.memory_space<vmem>>) dst(%dma_wait3A_63 : memref<8x776xf32, #tpu.memory_space<hbm>>)
        tpu.yield
      }) : () -> ()
      %run_scoped3A_43 = arith.constant 3 : i32
      "tpu.region"() ({
        %run_scoped3A_44 = tpu.sem_alloc : memref<!tpu.dma_semaphore, #tpu.memory_space<semaphore_mem>>
        %dma_start3A = arith.constant 24 : i32
        %dma_start3A_45 = arith.constant 0 : i32
        %dma_start3A_46 = tpu.memref_slice %arg6[%dma_start3A, %dma_start3A_45] : memref<32x784xf32, #tpu.memory_space<vmem>> -> memref<8x776xf32, #tpu.memory_space<vmem>>
        %dma_start3A_47 = arith.constant 0 : i32
        %dma_start3A_48 = tpu.memref_slice %arg3[%run_scoped3A_43, %dma_start3A_47, %add3A_27] : memref<4x8x50000xf32, #tpu.memory_space<hbm>> -> memref<1x8x776xf32, #tpu.memory_space<hbm>>
        %dma_start3A_49 = tpu.memref_squeeze %dma_start3A_48 : memref<1x8x776xf32, #tpu.memory_space<hbm>> -> memref<8x776xf32, #tpu.memory_space<hbm>>
        %dma_start3A_50 = arith.constant 0 : i32
        %dma_start3A_51 = tpu.memref_slice %arg3[%run_scoped3A_43, %dma_start3A_50, %add3A_27] : memref<4x8x50000xf32, #tpu.memory_space<hbm>> -> memref<1x8x776xf32, #tpu.memory_space<hbm>>
        %dma_start3A_52 = tpu.memref_squeeze %dma_start3A_51 : memref<1x8x776xf32, #tpu.memory_space<hbm>> -> memref<8x776xf32, #tpu.memory_space<hbm>>
        %dma_start3A_53 = arith.constant 24 : i32
        %dma_start3A_54 = arith.constant 0 : i32
        %dma_start3A_55 = tpu.memref_slice %arg6[%dma_start3A_53, %dma_start3A_54] : memref<32x784xf32, #tpu.memory_space<vmem>> -> memref<8x776xf32, #tpu.memory_space<vmem>>
        tpu.enqueue_dma source(%dma_start3A_55 : memref<8x776xf32, #tpu.memory_space<vmem>>) target(%dma_start3A_52 : memref<8x776xf32, #tpu.memory_space<hbm>>) target_semaphore(%run_scoped3A_44 : memref<!tpu.dma_semaphore, #tpu.memory_space<semaphore_mem>>)
        %dma_wait3A = arith.constant 24 : i32
        %dma_wait3A_56 = arith.constant 0 : i32
        %dma_wait3A_57 = tpu.memref_slice %arg6[%dma_wait3A, %dma_wait3A_56] : memref<32x784xf32, #tpu.memory_space<vmem>> -> memref<8x776xf32, #tpu.memory_space<vmem>>
        %dma_wait3A_58 = arith.constant 0 : i32
        %dma_wait3A_59 = tpu.memref_slice %arg3[%run_scoped3A_43, %dma_wait3A_58, %add3A_27] : memref<4x8x50000xf32, #tpu.memory_space<hbm>> -> memref<1x8x776xf32, #tpu.memory_space<hbm>>
        %dma_wait3A_60 = tpu.memref_squeeze %dma_wait3A_59 : memref<1x8x776xf32, #tpu.memory_space<hbm>> -> memref<8x776xf32, #tpu.memory_space<hbm>>
        %dma_wait3A_61 = arith.constant 0 : i32
        %dma_wait3A_62 = tpu.memref_slice %arg3[%run_scoped3A_43, %dma_wait3A_61, %add3A_27] : memref<4x8x50000xf32, #tpu.memory_space<hbm>> -> memref<1x8x776xf32, #tpu.memory_space<hbm>>
        %dma_wait3A_63 = tpu.memref_squeeze %dma_wait3A_62 : memref<1x8x776xf32, #tpu.memory_space<hbm>> -> memref<8x776xf32, #tpu.memory_space<hbm>>
        %dma_wait3A_64 = arith.constant 24 : i32
        %dma_wait3A_65 = arith.constant 0 : i32
        %dma_wait3A_66 = tpu.memref_slice %arg6[%dma_wait3A_64, %dma_wait3A_65] : memref<32x784xf32, #tpu.memory_space<vmem>> -> memref<8x776xf32, #tpu.memory_space<vmem>>
        tpu.wait_dma2 semaphore(%run_scoped3A_44 : memref<!tpu.dma_semaphore, #tpu.memory_space<semaphore_mem>>) src(%dma_wait3A_66 : memref<8x776xf32, #tpu.memory_space<vmem>>) dst(%dma_wait3A_63 : memref<8x776xf32, #tpu.memory_space<hbm>>)
        tpu.yield
      }) : () -> ()
    } else {
    }
    return
  }
}

#map = affine_map<(d0, d1) -> (0, 0)>
#map1 = affine_map<(d0, d1) -> (0, 0, 0)>
module attributes {stable_mosaic.version = 14 : i64} {
  func.func @_sc_accum(%arg0: i32, %arg1: i32, %arg2: memref<200192x32xf32, #tpu.memory_space<hbm>>, %arg3: memref<6250x2x128xi32, #tpu.memory_space<hbm>>, %arg4: memref<6250x128xi32, #tpu.memory_space<hbm>>, %arg5: memref<2x50000x32xf32, #tpu.memory_space<hbm>>, %arg6: memref<25x2x128xi32, #tpu.memory_space<vmem>>, %arg7: memref<25x128xi32, #tpu.memory_space<vmem>>, %arg8: memref<128x32xf32, #tpu.memory_space<vmem>>, %arg9: memref<128x32xf32, #tpu.memory_space<vmem>>, %arg10: memref<128x32xf32, #tpu.memory_space<vmem>>, %arg11: memref<128x32xf32, #tpu.memory_space<vmem>>, %arg12: memref<128x32xf32, #tpu.memory_space<vmem>>, %arg13: memref<25x32xf32, #tpu.memory_space<vmem>>, %arg14: memref<50000x32xf32, #tpu.memory_space<vmem_shared>>, %arg15: memref<!tpu.dma_semaphore, #tpu.memory_space<semaphore_mem>>, %arg16: memref<!tpu.dma_semaphore, #tpu.memory_space<semaphore_mem>>, %arg17: memref<!tpu.dma_semaphore, #tpu.memory_space<semaphore_mem>>, %arg18: memref<!tpu.dma_semaphore, #tpu.memory_space<semaphore_mem>>, %arg19: memref<!tpu.dma_semaphore, #tpu.memory_space<semaphore_mem>>) attributes {dimension_semantics = [#tpu.dimension_semantics<core_parallel>, #tpu.dimension_semantics<subcore_parallel>], iteration_bounds = array<i64: 2, 16>, scalar_prefetch = 0 : i64, scratch_operands = 14 : i64, tpu.core_type = #tpu.core_type<sc_vector_subcore>, window_params = [{transform_indices = #map}, {transform_indices = #map1}, {transform_indices = #map}, {transform_indices = #map1}]} {
    %mul3A = arith.constant 16 : i32
    %mul3A_0 = arith.muli %arg0, %mul3A : i32
    %add3A = arith.addi %mul3A_0, %arg1 : i32
    %broadcast_in_dim3A = arith.constant 0.000000e+00 : f32
    %broadcast_in_dim3A_1 = vector.broadcast %broadcast_in_dim3A : f32 to vector<16xf32>
    %scan3A = arith.constant 0 : i32
    %scan3A_2 = arith.constant 0 : i32
    %scan3A_3 = arith.constant 25 : i32
    %scan3A_4 = arith.addi %scan3A_2, %scan3A_3 : i32
    %scan3A_5 = arith.constant 1 : i32
    scf.for %scan3A_31 = %scan3A_2 to %scan3A_4 step %scan3A_5  : i32 {
      %swap3A = arith.index_cast %scan3A_31 : i32 to index
      %swap3A_32 = arith.constant 0 : index
      %swap3A_33 = tpu.vector_load %arg13[%swap3A, %swap3A_32] {strides = array<i32>} : memref<25x32xf32, #tpu.memory_space<vmem>>, vector<1x16xf32>,
      %swap3A_34 = vector.shape_cast %swap3A_33 : vector<1x16xf32> to vector<16xf32>
      %swap3A_35 = vector.shape_cast %broadcast_in_dim3A_1 : vector<16xf32> to vector<1x16xf32>
      tpu.vector_store %arg13[%swap3A, %swap3A_32], %swap3A_35 {strides = array<i32>} : memref<25x32xf32, #tpu.memory_space<vmem>>, vector<1x16xf32>,
      %swap3A_36 = arith.index_cast %scan3A_31 : i32 to index
      %swap3A_37 = arith.constant 16 : index
      %swap3A_38 = tpu.vector_load %arg13[%swap3A_36, %swap3A_37] {strides = array<i32>} : memref<25x32xf32, #tpu.memory_space<vmem>>, vector<1x16xf32>,
      %swap3A_39 = vector.shape_cast %swap3A_38 : vector<1x16xf32> to vector<16xf32>
      %swap3A_40 = vector.shape_cast %broadcast_in_dim3A_1 : vector<16xf32> to vector<1x16xf32>
      tpu.vector_store %arg13[%swap3A_36, %swap3A_37], %swap3A_40 {strides = array<i32>} : memref<25x32xf32, #tpu.memory_space<vmem>>, vector<1x16xf32>,
    }
    %scan3A_6 = arith.constant 25 : i32
    %mul3A_7 = arith.constant 3125 : i32
    %mul3A_8 = arith.muli %arg1, %mul3A_7 : i32
    %scan3A_9 = arith.constant 0 : i32
    %scan3A_10 = arith.constant 0 : i32
    %scan3A_11 = arith.constant 125 : i32
    %scan3A_12 = arith.addi %scan3A_10, %scan3A_11 : i32
    %scan3A_13 = arith.constant 1 : i32
    scf.for %scan3A_31 = %scan3A_10 to %scan3A_12 step %scan3A_13  : i32 {
      %mul3A_32 = arith.constant 25 : i32
      %mul3A_33 = arith.muli %scan3A_31, %mul3A_32 : i32
      %add3A_34 = arith.addi %mul3A_8, %mul3A_33 : i32
      "tpu.region"() ({
        %run_scoped3A = tpu.sem_alloc : memref<!tpu.dma_semaphore, #tpu.memory_space<semaphore_mem>>
        %dma_start3A = arith.constant 0 : i32
        %dma_start3A_35 = tpu.memref_slice %arg14[%add3A_34, %dma_start3A] : memref<50000x32xf32, #tpu.memory_space<vmem_shared>> -> memref<25x32xf32, #tpu.memory_space<vmem_shared>>
        %dma_start3A_36 = arith.constant 0 : i32
        %dma_start3A_37 = tpu.memref_slice %arg14[%add3A_34, %dma_start3A_36] : memref<50000x32xf32, #tpu.memory_space<vmem_shared>> -> memref<25x32xf32, #tpu.memory_space<vmem_shared>>
        tpu.enqueue_dma source(%arg13 : memref<25x32xf32, #tpu.memory_space<vmem>>) target(%dma_start3A_37 : memref<25x32xf32, #tpu.memory_space<vmem_shared>>) target_semaphore(%run_scoped3A : memref<!tpu.dma_semaphore, #tpu.memory_space<semaphore_mem>>)
        %dma_wait3A = arith.constant 0 : i32
        %dma_wait3A_38 = tpu.memref_slice %arg14[%add3A_34, %dma_wait3A] : memref<50000x32xf32, #tpu.memory_space<vmem_shared>> -> memref<25x32xf32, #tpu.memory_space<vmem_shared>>
        %dma_wait3A_39 = arith.constant 0 : i32
        %dma_wait3A_40 = tpu.memref_slice %arg14[%add3A_34, %dma_wait3A_39] : memref<50000x32xf32, #tpu.memory_space<vmem_shared>> -> memref<25x32xf32, #tpu.memory_space<vmem_shared>>
        tpu.wait_dma2 semaphore(%run_scoped3A : memref<!tpu.dma_semaphore, #tpu.memory_space<semaphore_mem>>) src(%arg13 : memref<25x32xf32, #tpu.memory_space<vmem>>) dst(%dma_wait3A_40 : memref<25x32xf32, #tpu.memory_space<vmem_shared>>)
        tpu.yield
      }) : () -> ()
    }
    %scan3A_14 = arith.constant 125 : i32
    %barrier3A = arith.constant 0 : index
    tpu.barrier barrier_id(%barrier3A)
    %mul3A_15 = arith.constant 7 : i32
    %mul3A_16 = arith.muli %add3A, %mul3A_15 : i32
    %min3A = arith.constant 26 : i32
    %min3A_17 = arith.minsi %add3A, %min3A : i32
    %add3A_18 = arith.addi %mul3A_16, %min3A_17 : i32
    %lt3A = arith.constant 26 : i32
    %lt3A_19 = arith.cmpi slt, %add3A, %lt3A : i32
    %jit3A = arith.constant 8 : i32
    %jit3A_20 = arith.constant 7 : i32
    %select_n3A = arith.select %lt3A_19, %jit3A, %jit3A_20 : i32
    %while3A = arith.constant 0 : i32
    %while3A_21 = arith.constant 0 : i32
    %while3A_22 = arith.subi %select_n3A, %while3A_21 : i32
    %while3A_23 = arith.addi %while3A_21, %while3A_22 : i32
    %while3A_24 = arith.constant 1 : i32
    %while3A_25 = arith.divsi %while3A_22, %while3A_24 : i32
    %while3A_26 = arith.muli %while3A_25, %while3A_24 : i32
    %while3A_27 = arith.addi %while3A_21, %while3A_26 : i32
    %while3A_28 = arith.constant 1 : i32
    scf.for %while3A_31 = %while3A_21 to %while3A_27 step %while3A_28  : i32 {
      %add3A_32 = arith.addi %add3A_18, %while3A_31 : i32
      %mul3A_33 = arith.constant 25 : i32
      %mul3A_34 = arith.muli %add3A_32, %mul3A_33 : i32
      "tpu.region"() ({
        %run_scoped3A = tpu.sem_alloc : memref<!tpu.dma_semaphore, #tpu.memory_space<semaphore_mem>>
        %dma_start3A_86 = arith.constant 0 : i32
        %dma_start3A_87 = arith.constant 0 : i32
        %dma_start3A_88 = tpu.memref_slice %arg3[%mul3A_34, %dma_start3A_86, %dma_start3A_87] : memref<6250x2x128xi32, #tpu.memory_space<hbm>> -> memref<25x2x128xi32, #tpu.memory_space<hbm>>
        %dma_start3A_89 = arith.constant 0 : i32
        %dma_start3A_90 = arith.constant 0 : i32
        %dma_start3A_91 = tpu.memref_slice %arg3[%mul3A_34, %dma_start3A_89, %dma_start3A_90] : memref<6250x2x128xi32, #tpu.memory_space<hbm>> -> memref<25x2x128xi32, #tpu.memory_space<hbm>>
        tpu.enqueue_dma source(%dma_start3A_91 : memref<25x2x128xi32, #tpu.memory_space<hbm>>) target(%arg6 : memref<25x2x128xi32, #tpu.memory_space<vmem>>) target_semaphore(%run_scoped3A : memref<!tpu.dma_semaphore, #tpu.memory_space<semaphore_mem>>)
        %dma_wait3A = arith.constant 0 : i32
        %dma_wait3A_92 = arith.constant 0 : i32
        %dma_wait3A_93 = tpu.memref_slice %arg3[%mul3A_34, %dma_wait3A, %dma_wait3A_92] : memref<6250x2x128xi32, #tpu.memory_space<hbm>> -> memref<25x2x128xi32, #tpu.memory_space<hbm>>
        %dma_wait3A_94 = arith.constant 0 : i32
        %dma_wait3A_95 = arith.constant 0 : i32
        %dma_wait3A_96 = tpu.memref_slice %arg3[%mul3A_34, %dma_wait3A_94, %dma_wait3A_95] : memref<6250x2x128xi32, #tpu.memory_space<hbm>> -> memref<25x2x128xi32, #tpu.memory_space<hbm>>
        tpu.wait_dma2 semaphore(%run_scoped3A : memref<!tpu.dma_semaphore, #tpu.memory_space<semaphore_mem>>) src(%dma_wait3A_96 : memref<25x2x128xi32, #tpu.memory_space<hbm>>) dst(%arg6 : memref<25x2x128xi32, #tpu.memory_space<vmem>>)
        tpu.yield
      }) : () -> ()
      "tpu.region"() ({
        %run_scoped3A = tpu.sem_alloc : memref<!tpu.dma_semaphore, #tpu.memory_space<semaphore_mem>>
        %dma_start3A_86 = arith.constant 0 : i32
        %dma_start3A_87 = tpu.memref_slice %arg4[%mul3A_34, %dma_start3A_86] : memref<6250x128xi32, #tpu.memory_space<hbm>> -> memref<25x128xi32, #tpu.memory_space<hbm>>
        %dma_start3A_88 = arith.constant 0 : i32
        %dma_start3A_89 = tpu.memref_slice %arg4[%mul3A_34, %dma_start3A_88] : memref<6250x128xi32, #tpu.memory_space<hbm>> -> memref<25x128xi32, #tpu.memory_space<hbm>>
        tpu.enqueue_dma source(%dma_start3A_89 : memref<25x128xi32, #tpu.memory_space<hbm>>) target(%arg7 : memref<25x128xi32, #tpu.memory_space<vmem>>) target_semaphore(%run_scoped3A : memref<!tpu.dma_semaphore, #tpu.memory_space<semaphore_mem>>)
        %dma_wait3A = arith.constant 0 : i32
        %dma_wait3A_90 = tpu.memref_slice %arg4[%mul3A_34, %dma_wait3A] : memref<6250x128xi32, #tpu.memory_space<hbm>> -> memref<25x128xi32, #tpu.memory_space<hbm>>
        %dma_wait3A_91 = arith.constant 0 : i32
        %dma_wait3A_92 = tpu.memref_slice %arg4[%mul3A_34, %dma_wait3A_91] : memref<6250x128xi32, #tpu.memory_space<hbm>> -> memref<25x128xi32, #tpu.memory_space<hbm>>
        tpu.wait_dma2 semaphore(%run_scoped3A : memref<!tpu.dma_semaphore, #tpu.memory_space<semaphore_mem>>) src(%dma_wait3A_92 : memref<25x128xi32, #tpu.memory_space<hbm>>) dst(%arg7 : memref<25x128xi32, #tpu.memory_space<vmem>>)
        tpu.yield
      }) : () -> ()
      %scan3A_35 = arith.constant 0 : i32
      %scan3A_36 = arith.constant 0 : i32
      %scan3A_37 = arith.constant 25 : i32
      %scan3A_38 = arith.addi %scan3A_36, %scan3A_37 : i32
      %scan3A_39 = arith.constant 1 : i32
      scf.for %scan3A_86 = %scan3A_36 to %scan3A_38 step %scan3A_39  : i32 {
        %get3A = arith.constant 1 : i32
        %get3A_87 = arith.index_cast %scan3A_86 : i32 to index
        %get3A_88 = arith.index_cast %get3A : i32 to index
        %get3A_89 = arith.constant 0 : index
        %get3A_90 = tpu.vector_load %arg6[%get3A_87, %get3A_88, %get3A_89] {strides = array<i32>} : memref<25x2x128xi32, #tpu.memory_space<vmem>>, vector<1x1x16xi32>,
        %get3A_91 = vector.shape_cast %get3A_90 : vector<1x1x16xi32> to vector<16xi32>
        %mul3A_92 = arith.constant 4 : i32
        %mul3A_93 = vector.broadcast %mul3A_92 : i32 to vector<16xi32>
        %mul3A_94 = arith.muli %get3A_91, %mul3A_93 : vector<16xi32>
        %get3A_95 = arith.index_cast %scan3A_86 : i32 to index
        %get3A_96 = arith.constant 0 : index
        %get3A_97 = tpu.vector_load %arg7[%get3A_95, %get3A_96] {strides = array<i32>} : memref<25x128xi32, #tpu.memory_space<vmem>>, vector<1x16xi32>,
        %get3A_98 = vector.shape_cast %get3A_97 : vector<1x16xi32> to vector<16xi32>
        %add3A_99 = arith.addi %mul3A_94, %get3A_98 : vector<16xi32>
        %swap3A = arith.constant 1 : i32
        %swap3A_100 = arith.index_cast %scan3A_86 : i32 to index
        %swap3A_101 = arith.index_cast %swap3A : i32 to index
        %swap3A_102 = arith.constant 0 : index
        %swap3A_103 = tpu.vector_load %arg6[%swap3A_100, %swap3A_101, %swap3A_102] {strides = array<i32>} : memref<25x2x128xi32, #tpu.memory_space<vmem>>, vector<1x1x16xi32>,
        %swap3A_104 = vector.shape_cast %swap3A_103 : vector<1x1x16xi32> to vector<16xi32>
        %swap3A_105 = vector.shape_cast %add3A_99 : vector<16xi32> to vector<1x1x16xi32>
        tpu.vector_store %arg6[%swap3A_100, %swap3A_101, %swap3A_102], %swap3A_105 {strides = array<i32>} : memref<25x2x128xi32, #tpu.memory_space<vmem>>, vector<1x1x16xi32>,
        %get3A_106 = arith.constant 1 : i32
        %get3A_107 = arith.index_cast %scan3A_86 : i32 to index
        %get3A_108 = arith.index_cast %get3A_106 : i32 to index
        %get3A_109 = arith.constant 16 : index
        %get3A_110 = tpu.vector_load %arg6[%get3A_107, %get3A_108, %get3A_109] {strides = array<i32>} : memref<25x2x128xi32, #tpu.memory_space<vmem>>, vector<1x1x16xi32>,
        %get3A_111 = vector.shape_cast %get3A_110 : vector<1x1x16xi32> to vector<16xi32>
        %mul3A_112 = arith.constant 4 : i32
        %mul3A_113 = vector.broadcast %mul3A_112 : i32 to vector<16xi32>
        %mul3A_114 = arith.muli %get3A_111, %mul3A_113 : vector<16xi32>
        %get3A_115 = arith.index_cast %scan3A_86 : i32 to index
        %get3A_116 = arith.constant 16 : index
        %get3A_117 = tpu.vector_load %arg7[%get3A_115, %get3A_116] {strides = array<i32>} : memref<25x128xi32, #tpu.memory_space<vmem>>, vector<1x16xi32>,
        %get3A_118 = vector.shape_cast %get3A_117 : vector<1x16xi32> to vector<16xi32>
        %add3A_119 = arith.addi %mul3A_114, %get3A_118 : vector<16xi32>
        %swap3A_120 = arith.constant 1 : i32
        %swap3A_121 = arith.index_cast %scan3A_86 : i32 to index
        %swap3A_122 = arith.index_cast %swap3A_120 : i32 to index
        %swap3A_123 = arith.constant 16 : index
        %swap3A_124 = tpu.vector_load %arg6[%swap3A_121, %swap3A_122, %swap3A_123] {strides = array<i32>} : memref<25x2x128xi32, #tpu.memory_space<vmem>>, vector<1x1x16xi32>,
        %swap3A_125 = vector.shape_cast %swap3A_124 : vector<1x1x16xi32> to vector<16xi32>
        %swap3A_126 = vector.shape_cast %add3A_119 : vector<16xi32> to vector<1x1x16xi32>
        tpu.vector_store %arg6[%swap3A_121, %swap3A_122, %swap3A_123], %swap3A_126 {strides = array<i32>} : memref<25x2x128xi32, #tpu.memory_space<vmem>>, vector<1x1x16xi32>,
        %get3A_127 = arith.constant 1 : i32
        %get3A_128 = arith.index_cast %scan3A_86 : i32 to index
        %get3A_129 = arith.index_cast %get3A_127 : i32 to index
        %get3A_130 = arith.constant 32 : index
        %get3A_131 = tpu.vector_load %arg6[%get3A_128, %get3A_129, %get3A_130] {strides = array<i32>} : memref<25x2x128xi32, #tpu.memory_space<vmem>>, vector<1x1x16xi32>,
        %get3A_132 = vector.shape_cast %get3A_131 : vector<1x1x16xi32> to vector<16xi32>
        %mul3A_133 = arith.constant 4 : i32
        %mul3A_134 = vector.broadcast %mul3A_133 : i32 to vector<16xi32>
        %mul3A_135 = arith.muli %get3A_132, %mul3A_134 : vector<16xi32>
        %get3A_136 = arith.index_cast %scan3A_86 : i32 to index
        %get3A_137 = arith.constant 32 : index
        %get3A_138 = tpu.vector_load %arg7[%get3A_136, %get3A_137] {strides = array<i32>} : memref<25x128xi32, #tpu.memory_space<vmem>>, vector<1x16xi32>,
        %get3A_139 = vector.shape_cast %get3A_138 : vector<1x16xi32> to vector<16xi32>
        %add3A_140 = arith.addi %mul3A_135, %get3A_139 : vector<16xi32>
        %swap3A_141 = arith.constant 1 : i32
        %swap3A_142 = arith.index_cast %scan3A_86 : i32 to index
        %swap3A_143 = arith.index_cast %swap3A_141 : i32 to index
        %swap3A_144 = arith.constant 32 : index
        %swap3A_145 = tpu.vector_load %arg6[%swap3A_142, %swap3A_143, %swap3A_144] {strides = array<i32>} : memref<25x2x128xi32, #tpu.memory_space<vmem>>, vector<1x1x16xi32>,
        %swap3A_146 = vector.shape_cast %swap3A_145 : vector<1x1x16xi32> to vector<16xi32>
        %swap3A_147 = vector.shape_cast %add3A_140 : vector<16xi32> to vector<1x1x16xi32>
        tpu.vector_store %arg6[%swap3A_142, %swap3A_143, %swap3A_144], %swap3A_147 {strides = array<i32>} : memref<25x2x128xi32, #tpu.memory_space<vmem>>, vector<1x1x16xi32>,
        %get3A_148 = arith.constant 1 : i32
        %get3A_149 = arith.index_cast %scan3A_86 : i32 to index
        %get3A_150 = arith.index_cast %get3A_148 : i32 to index
        %get3A_151 = arith.constant 48 : index
        %get3A_152 = tpu.vector_load %arg6[%get3A_149, %get3A_150, %get3A_151] {strides = array<i32>} : memref<25x2x128xi32, #tpu.memory_space<vmem>>, vector<1x1x16xi32>,
        %get3A_153 = vector.shape_cast %get3A_152 : vector<1x1x16xi32> to vector<16xi32>
        %mul3A_154 = arith.constant 4 : i32
        %mul3A_155 = vector.broadcast %mul3A_154 : i32 to vector<16xi32>
        %mul3A_156 = arith.muli %get3A_153, %mul3A_155 : vector<16xi32>
        %get3A_157 = arith.index_cast %scan3A_86 : i32 to index
        %get3A_158 = arith.constant 48 : index
        %get3A_159 = tpu.vector_load %arg7[%get3A_157, %get3A_158] {strides = array<i32>} : memref<25x128xi32, #tpu.memory_space<vmem>>, vector<1x16xi32>,
        %get3A_160 = vector.shape_cast %get3A_159 : vector<1x16xi32> to vector<16xi32>
        %add3A_161 = arith.addi %mul3A_156, %get3A_160 : vector<16xi32>
        %swap3A_162 = arith.constant 1 : i32
        %swap3A_163 = arith.index_cast %scan3A_86 : i32 to index
        %swap3A_164 = arith.index_cast %swap3A_162 : i32 to index
        %swap3A_165 = arith.constant 48 : index
        %swap3A_166 = tpu.vector_load %arg6[%swap3A_163, %swap3A_164, %swap3A_165] {strides = array<i32>} : memref<25x2x128xi32, #tpu.memory_space<vmem>>, vector<1x1x16xi32>,
        %swap3A_167 = vector.shape_cast %swap3A_166 : vector<1x1x16xi32> to vector<16xi32>
        %swap3A_168 = vector.shape_cast %add3A_161 : vector<16xi32> to vector<1x1x16xi32>
        tpu.vector_store %arg6[%swap3A_163, %swap3A_164, %swap3A_165], %swap3A_168 {strides = array<i32>} : memref<25x2x128xi32, #tpu.memory_space<vmem>>, vector<1x1x16xi32>,
        %get3A_169 = arith.constant 1 : i32
        %get3A_170 = arith.index_cast %scan3A_86 : i32 to index
        %get3A_171 = arith.index_cast %get3A_169 : i32 to index
        %get3A_172 = arith.constant 64 : index
        %get3A_173 = tpu.vector_load %arg6[%get3A_170, %get3A_171, %get3A_172] {strides = array<i32>} : memref<25x2x128xi32, #tpu.memory_space<vmem>>, vector<1x1x16xi32>,
        %get3A_174 = vector.shape_cast %get3A_173 : vector<1x1x16xi32> to vector<16xi32>
        %mul3A_175 = arith.constant 4 : i32
        %mul3A_176 = vector.broadcast %mul3A_175 : i32 to vector<16xi32>
        %mul3A_177 = arith.muli %get3A_174, %mul3A_176 : vector<16xi32>
        %get3A_178 = arith.index_cast %scan3A_86 : i32 to index
        %get3A_179 = arith.constant 64 : index
        %get3A_180 = tpu.vector_load %arg7[%get3A_178, %get3A_179] {strides = array<i32>} : memref<25x128xi32, #tpu.memory_space<vmem>>, vector<1x16xi32>,
        %get3A_181 = vector.shape_cast %get3A_180 : vector<1x16xi32> to vector<16xi32>
        %add3A_182 = arith.addi %mul3A_177, %get3A_181 : vector<16xi32>
        %swap3A_183 = arith.constant 1 : i32
        %swap3A_184 = arith.index_cast %scan3A_86 : i32 to index
        %swap3A_185 = arith.index_cast %swap3A_183 : i32 to index
        %swap3A_186 = arith.constant 64 : index
        %swap3A_187 = tpu.vector_load %arg6[%swap3A_184, %swap3A_185, %swap3A_186] {strides = array<i32>} : memref<25x2x128xi32, #tpu.memory_space<vmem>>, vector<1x1x16xi32>,
        %swap3A_188 = vector.shape_cast %swap3A_187 : vector<1x1x16xi32> to vector<16xi32>
        %swap3A_189 = vector.shape_cast %add3A_182 : vector<16xi32> to vector<1x1x16xi32>
        tpu.vector_store %arg6[%swap3A_184, %swap3A_185, %swap3A_186], %swap3A_189 {strides = array<i32>} : memref<25x2x128xi32, #tpu.memory_space<vmem>>, vector<1x1x16xi32>,
        %get3A_190 = arith.constant 1 : i32
        %get3A_191 = arith.index_cast %scan3A_86 : i32 to index
        %get3A_192 = arith.index_cast %get3A_190 : i32 to index
        %get3A_193 = arith.constant 80 : index
        %get3A_194 = tpu.vector_load %arg6[%get3A_191, %get3A_192, %get3A_193] {strides = array<i32>} : memref<25x2x128xi32, #tpu.memory_space<vmem>>, vector<1x1x16xi32>,
        %get3A_195 = vector.shape_cast %get3A_194 : vector<1x1x16xi32> to vector<16xi32>
        %mul3A_196 = arith.constant 4 : i32
        %mul3A_197 = vector.broadcast %mul3A_196 : i32 to vector<16xi32>
        %mul3A_198 = arith.muli %get3A_195, %mul3A_197 : vector<16xi32>
        %get3A_199 = arith.index_cast %scan3A_86 : i32 to index
        %get3A_200 = arith.constant 80 : index
        %get3A_201 = tpu.vector_load %arg7[%get3A_199, %get3A_200] {strides = array<i32>} : memref<25x128xi32, #tpu.memory_space<vmem>>, vector<1x16xi32>,
        %get3A_202 = vector.shape_cast %get3A_201 : vector<1x16xi32> to vector<16xi32>
        %add3A_203 = arith.addi %mul3A_198, %get3A_202 : vector<16xi32>
        %swap3A_204 = arith.constant 1 : i32
        %swap3A_205 = arith.index_cast %scan3A_86 : i32 to index
        %swap3A_206 = arith.index_cast %swap3A_204 : i32 to index
        %swap3A_207 = arith.constant 80 : index
        %swap3A_208 = tpu.vector_load %arg6[%swap3A_205, %swap3A_206, %swap3A_207] {strides = array<i32>} : memref<25x2x128xi32, #tpu.memory_space<vmem>>, vector<1x1x16xi32>,
        %swap3A_209 = vector.shape_cast %swap3A_208 : vector<1x1x16xi32> to vector<16xi32>
        %swap3A_210 = vector.shape_cast %add3A_203 : vector<16xi32> to vector<1x1x16xi32>
        tpu.vector_store %arg6[%swap3A_205, %swap3A_206, %swap3A_207], %swap3A_210 {strides = array<i32>} : memref<25x2x128xi32, #tpu.memory_space<vmem>>, vector<1x1x16xi32>,
        %get3A_211 = arith.constant 1 : i32
        %get3A_212 = arith.index_cast %scan3A_86 : i32 to index
        %get3A_213 = arith.index_cast %get3A_211 : i32 to index
        %get3A_214 = arith.constant 96 : index
        %get3A_215 = tpu.vector_load %arg6[%get3A_212, %get3A_213, %get3A_214] {strides = array<i32>} : memref<25x2x128xi32, #tpu.memory_space<vmem>>, vector<1x1x16xi32>,
        %get3A_216 = vector.shape_cast %get3A_215 : vector<1x1x16xi32> to vector<16xi32>
        %mul3A_217 = arith.constant 4 : i32
        %mul3A_218 = vector.broadcast %mul3A_217 : i32 to vector<16xi32>
        %mul3A_219 = arith.muli %get3A_216, %mul3A_218 : vector<16xi32>
        %get3A_220 = arith.index_cast %scan3A_86 : i32 to index
        %get3A_221 = arith.constant 96 : index
        %get3A_222 = tpu.vector_load %arg7[%get3A_220, %get3A_221] {strides = array<i32>} : memref<25x128xi32, #tpu.memory_space<vmem>>, vector<1x16xi32>,
        %get3A_223 = vector.shape_cast %get3A_222 : vector<1x16xi32> to vector<16xi32>
        %add3A_224 = arith.addi %mul3A_219, %get3A_223 : vector<16xi32>
        %swap3A_225 = arith.constant 1 : i32
        %swap3A_226 = arith.index_cast %scan3A_86 : i32 to index
        %swap3A_227 = arith.index_cast %swap3A_225 : i32 to index
        %swap3A_228 = arith.constant 96 : index
        %swap3A_229 = tpu.vector_load %arg6[%swap3A_226, %swap3A_227, %swap3A_228] {strides = array<i32>} : memref<25x2x128xi32, #tpu.memory_space<vmem>>, vector<1x1x16xi32>,
        %swap3A_230 = vector.shape_cast %swap3A_229 : vector<1x1x16xi32> to vector<16xi32>
        %swap3A_231 = vector.shape_cast %add3A_224 : vector<16xi32> to vector<1x1x16xi32>
        tpu.vector_store %arg6[%swap3A_226, %swap3A_227, %swap3A_228], %swap3A_231 {strides = array<i32>} : memref<25x2x128xi32, #tpu.memory_space<vmem>>, vector<1x1x16xi32>,
        %get3A_232 = arith.constant 1 : i32
        %get3A_233 = arith.index_cast %scan3A_86 : i32 to index
        %get3A_234 = arith.index_cast %get3A_232 : i32 to index
        %get3A_235 = arith.constant 112 : index
        %get3A_236 = tpu.vector_load %arg6[%get3A_233, %get3A_234, %get3A_235] {strides = array<i32>} : memref<25x2x128xi32, #tpu.memory_space<vmem>>, vector<1x1x16xi32>,
        %get3A_237 = vector.shape_cast %get3A_236 : vector<1x1x16xi32> to vector<16xi32>
        %mul3A_238 = arith.constant 4 : i32
        %mul3A_239 = vector.broadcast %mul3A_238 : i32 to vector<16xi32>
        %mul3A_240 = arith.muli %get3A_237, %mul3A_239 : vector<16xi32>
        %get3A_241 = arith.index_cast %scan3A_86 : i32 to index
        %get3A_242 = arith.constant 112 : index
        %get3A_243 = tpu.vector_load %arg7[%get3A_241, %get3A_242] {strides = array<i32>} : memref<25x128xi32, #tpu.memory_space<vmem>>, vector<1x16xi32>,
        %get3A_244 = vector.shape_cast %get3A_243 : vector<1x16xi32> to vector<16xi32>
        %add3A_245 = arith.addi %mul3A_240, %get3A_244 : vector<16xi32>
        %swap3A_246 = arith.constant 1 : i32
        %swap3A_247 = arith.index_cast %scan3A_86 : i32 to index
        %swap3A_248 = arith.index_cast %swap3A_246 : i32 to index
        %swap3A_249 = arith.constant 112 : index
        %swap3A_250 = tpu.vector_load %arg6[%swap3A_247, %swap3A_248, %swap3A_249] {strides = array<i32>} : memref<25x2x128xi32, #tpu.memory_space<vmem>>, vector<1x1x16xi32>,
        %swap3A_251 = vector.shape_cast %swap3A_250 : vector<1x1x16xi32> to vector<16xi32>
        %swap3A_252 = vector.shape_cast %add3A_245 : vector<16xi32> to vector<1x1x16xi32>
        tpu.vector_store %arg6[%swap3A_247, %swap3A_248, %swap3A_249], %swap3A_252 {strides = array<i32>} : memref<25x2x128xi32, #tpu.memory_space<vmem>>, vector<1x1x16xi32>,
      }
      %scan3A_40 = arith.constant 25 : i32
      %dma_start3A = arith.constant 0 : i32
      %dma_start3A_41 = arith.constant 1 : i32
      %dma_start3A_42 = arith.constant 0 : i32
      %dma_start3A_43 = tpu.memref_slice %arg6[%dma_start3A, %dma_start3A_41, %dma_start3A_42] : memref<25x2x128xi32, #tpu.memory_space<vmem>> -> memref<1x1x128xi32, #tpu.memory_space<vmem>>
      %dma_start3A_44 = tpu.memref_squeeze %dma_start3A_43 : memref<1x1x128xi32, #tpu.memory_space<vmem>> -> memref<128xi32, #tpu.memory_space<vmem>>
      %dma_start3A_45 = arith.constant 0 : i32
      %dma_start3A_46 = arith.constant 0 : i32
      %dma_start3A_47 = tpu.memref_slice %arg2[%dma_start3A_45, %dma_start3A_46] : memref<200192x32xf32, #tpu.memory_space<hbm>> -> memref<200192x32xf32, #tpu.memory_space<hbm>>
      tpu.enqueue_indirect_dma source(%dma_start3A_47 : memref<200192x32xf32, #tpu.memory_space<hbm>>) target(%arg8 : memref<128x32xf32, #tpu.memory_space<vmem>>) offsets(%dma_start3A_44 : memref<128xi32, #tpu.memory_space<vmem>>) semaphore(%arg15 : memref<!tpu.dma_semaphore, #tpu.memory_space<semaphore_mem>>)
      %dma_start3A_48 = arith.constant 1 : i32
      %dma_start3A_49 = arith.constant 1 : i32
      %dma_start3A_50 = arith.constant 0 : i32
      %dma_start3A_51 = tpu.memref_slice %arg6[%dma_start3A_48, %dma_start3A_49, %dma_start3A_50] : memref<25x2x128xi32, #tpu.memory_space<vmem>> -> memref<1x1x128xi32, #tpu.memory_space<vmem>>
      %dma_start3A_52 = tpu.memref_squeeze %dma_start3A_51 : memref<1x1x128xi32, #tpu.memory_space<vmem>> -> memref<128xi32, #tpu.memory_space<vmem>>
      %dma_start3A_53 = arith.constant 0 : i32
      %dma_start3A_54 = arith.constant 0 : i32
      %dma_start3A_55 = tpu.memref_slice %arg2[%dma_start3A_53, %dma_start3A_54] : memref<200192x32xf32, #tpu.memory_space<hbm>> -> memref<200192x32xf32, #tpu.memory_space<hbm>>
      tpu.enqueue_indirect_dma source(%dma_start3A_55 : memref<200192x32xf32, #tpu.memory_space<hbm>>) target(%arg9 : memref<128x32xf32, #tpu.memory_space<vmem>>) offsets(%dma_start3A_52 : memref<128xi32, #tpu.memory_space<vmem>>) semaphore(%arg16 : memref<!tpu.dma_semaphore, #tpu.memory_space<semaphore_mem>>)
      %dma_start3A_56 = arith.constant 2 : i32
      %dma_start3A_57 = arith.constant 1 : i32
      %dma_start3A_58 = arith.constant 0 : i32
      %dma_start3A_59 = tpu.memref_slice %arg6[%dma_start3A_56, %dma_start3A_57, %dma_start3A_58] : memref<25x2x128xi32, #tpu.memory_space<vmem>> -> memref<1x1x128xi32, #tpu.memory_space<vmem>>
      %dma_start3A_60 = tpu.memref_squeeze %dma_start3A_59 : memref<1x1x128xi32, #tpu.memory_space<vmem>> -> memref<128xi32, #tpu.memory_space<vmem>>
      %dma_start3A_61 = arith.constant 0 : i32
      %dma_start3A_62 = arith.constant 0 : i32
      %dma_start3A_63 = tpu.memref_slice %arg2[%dma_start3A_61, %dma_start3A_62] : memref<200192x32xf32, #tpu.memory_space<hbm>> -> memref<200192x32xf32, #tpu.memory_space<hbm>>
      tpu.enqueue_indirect_dma source(%dma_start3A_63 : memref<200192x32xf32, #tpu.memory_space<hbm>>) target(%arg10 : memref<128x32xf32, #tpu.memory_space<vmem>>) offsets(%dma_start3A_60 : memref<128xi32, #tpu.memory_space<vmem>>) semaphore(%arg17 : memref<!tpu.dma_semaphore, #tpu.memory_space<semaphore_mem>>)
      %dma_start3A_64 = arith.constant 3 : i32
      %dma_start3A_65 = arith.constant 1 : i32
      %dma_start3A_66 = arith.constant 0 : i32
      %dma_start3A_67 = tpu.memref_slice %arg6[%dma_start3A_64, %dma_start3A_65, %dma_start3A_66] : memref<25x2x128xi32, #tpu.memory_space<vmem>> -> memref<1x1x128xi32, #tpu.memory_space<vmem>>
      %dma_start3A_68 = tpu.memref_squeeze %dma_start3A_67 : memref<1x1x128xi32, #tpu.memory_space<vmem>> -> memref<128xi32, #tpu.memory_space<vmem>>
      %dma_start3A_69 = arith.constant 0 : i32
      %dma_start3A_70 = arith.constant 0 : i32
      %dma_start3A_71 = tpu.memref_slice %arg2[%dma_start3A_69, %dma_start3A_70] : memref<200192x32xf32, #tpu.memory_space<hbm>> -> memref<200192x32xf32, #tpu.memory_space<hbm>>
      tpu.enqueue_indirect_dma source(%dma_start3A_71 : memref<200192x32xf32, #tpu.memory_space<hbm>>) target(%arg11 : memref<128x32xf32, #tpu.memory_space<vmem>>) offsets(%dma_start3A_68 : memref<128xi32, #tpu.memory_space<vmem>>) semaphore(%arg18 : memref<!tpu.dma_semaphore, #tpu.memory_space<semaphore_mem>>)
      %dma_start3A_72 = arith.constant 4 : i32
      %dma_start3A_73 = arith.constant 1 : i32
      %dma_start3A_74 = arith.constant 0 : i32
      %dma_start3A_75 = tpu.memref_slice %arg6[%dma_start3A_72, %dma_start3A_73, %dma_start3A_74] : memref<25x2x128xi32, #tpu.memory_space<vmem>> -> memref<1x1x128xi32, #tpu.memory_space<vmem>>
      %dma_start3A_76 = tpu.memref_squeeze %dma_start3A_75 : memref<1x1x128xi32, #tpu.memory_space<vmem>> -> memref<128xi32, #tpu.memory_space<vmem>>
      %dma_start3A_77 = arith.constant 0 : i32
      %dma_start3A_78 = arith.constant 0 : i32
      %dma_start3A_79 = tpu.memref_slice %arg2[%dma_start3A_77, %dma_start3A_78] : memref<200192x32xf32, #tpu.memory_space<hbm>> -> memref<200192x32xf32, #tpu.memory_space<hbm>>
      tpu.enqueue_indirect_dma source(%dma_start3A_79 : memref<200192x32xf32, #tpu.memory_space<hbm>>) target(%arg12 : memref<128x32xf32, #tpu.memory_space<vmem>>) offsets(%dma_start3A_76 : memref<128xi32, #tpu.memory_space<vmem>>) semaphore(%arg19 : memref<!tpu.dma_semaphore, #tpu.memory_space<semaphore_mem>>)
      %scan3A_80 = arith.constant 0 : i32
      %scan3A_81 = arith.constant 0 : i32
      %scan3A_82 = arith.constant 5 : i32
      %scan3A_83 = arith.addi %scan3A_81, %scan3A_82 : i32
      %scan3A_84 = arith.constant 1 : i32
      scf.for %scan3A_86 = %scan3A_81 to %scan3A_83 step %scan3A_84  : i32 {
        %mul3A_87 = arith.constant 5 : i32
        %mul3A_88 = arith.muli %mul3A_87, %scan3A_86 : i32
        %add3A_89 = arith.constant 0 : i32
        %add3A_90 = arith.addi %mul3A_88, %add3A_89 : i32
        %dma_wait3A = arith.constant 1 : i32
        %dma_wait3A_91 = arith.constant 0 : i32
        %dma_wait3A_92 = tpu.memref_slice %arg6[%add3A_90, %dma_wait3A, %dma_wait3A_91] : memref<25x2x128xi32, #tpu.memory_space<vmem>> -> memref<1x1x128xi32, #tpu.memory_space<vmem>>
        %dma_wait3A_93 = tpu.memref_squeeze %dma_wait3A_92 : memref<1x1x128xi32, #tpu.memory_space<vmem>> -> memref<128xi32, #tpu.memory_space<vmem>>
        %dma_wait3A_94 = arith.constant 0 : i32
        %dma_wait3A_95 = arith.constant 0 : i32
        %dma_wait3A_96 = tpu.memref_slice %arg2[%dma_wait3A_94, %dma_wait3A_95] : memref<200192x32xf32, #tpu.memory_space<hbm>> -> memref<200192x32xf32, #tpu.memory_space<hbm>>
        tpu.wait_indirect_dma semaphore(%arg15 : memref<!tpu.dma_semaphore, #tpu.memory_space<semaphore_mem>>) src(%dma_wait3A_96 : memref<200192x32xf32, #tpu.memory_space<hbm>>) dst(%arg8 : memref<128x32xf32, #tpu.memory_space<vmem>>)
        %run_scoped3A = arith.constant 0 : i32
        "tpu.region"() ({
          %run_scoped3A_178 = tpu.sem_alloc : memref<!tpu.dma_semaphore, #tpu.memory_space<semaphore_mem>>
          %dma_start3A_179 = arith.constant 0 : i32
          %dma_start3A_180 = tpu.memref_slice %arg6[%add3A_90, %run_scoped3A, %dma_start3A_179] : memref<25x2x128xi32, #tpu.memory_space<vmem>> -> memref<1x1x128xi32, #tpu.memory_space<vmem>>
          %dma_start3A_181 = tpu.memref_squeeze %dma_start3A_180 : memref<1x1x128xi32, #tpu.memory_space<vmem>> -> memref<128xi32, #tpu.memory_space<vmem>>
          %dma_start3A_182 = arith.constant 0 : i32
          %dma_start3A_183 = arith.constant 0 : i32
          %dma_start3A_184 = tpu.memref_slice %arg14[%dma_start3A_182, %dma_start3A_183] : memref<50000x32xf32, #tpu.memory_space<vmem_shared>> -> memref<50000x32xf32, #tpu.memory_space<vmem_shared>>
          tpu.enqueue_indirect_dma source(%arg8 : memref<128x32xf32, #tpu.memory_space<vmem>>) target(%dma_start3A_184 : memref<50000x32xf32, #tpu.memory_space<vmem_shared>>) offsets(%dma_start3A_181 : memref<128xi32, #tpu.memory_space<vmem>>) semaphore(%run_scoped3A_178 : memref<!tpu.dma_semaphore, #tpu.memory_space<semaphore_mem>>) {add = true}
          %dma_wait3A_185 = arith.constant 0 : i32
          %dma_wait3A_186 = tpu.memref_slice %arg6[%add3A_90, %run_scoped3A, %dma_wait3A_185] : memref<25x2x128xi32, #tpu.memory_space<vmem>> -> memref<1x1x128xi32, #tpu.memory_space<vmem>>
          %dma_wait3A_187 = tpu.memref_squeeze %dma_wait3A_186 : memref<1x1x128xi32, #tpu.memory_space<vmem>> -> memref<128xi32, #tpu.memory_space<vmem>>
          %dma_wait3A_188 = arith.constant 0 : i32
          %dma_wait3A_189 = arith.constant 0 : i32
          %dma_wait3A_190 = tpu.memref_slice %arg14[%dma_wait3A_188, %dma_wait3A_189] : memref<50000x32xf32, #tpu.memory_space<vmem_shared>> -> memref<50000x32xf32, #tpu.memory_space<vmem_shared>>
          tpu.wait_indirect_dma semaphore(%run_scoped3A_178 : memref<!tpu.dma_semaphore, #tpu.memory_space<semaphore_mem>>) src(%arg8 : memref<128x32xf32, #tpu.memory_space<vmem>>) dst(%dma_wait3A_190 : memref<50000x32xf32, #tpu.memory_space<vmem_shared>>)
          tpu.yield
        }) : () -> ()
        %add3A_97 = arith.constant 5 : i32
        %add3A_98 = arith.addi %add3A_90, %add3A_97 : i32
        %lt3A_99 = arith.constant 25 : i32
        %lt3A_100 = arith.cmpi slt, %add3A_98, %lt3A_99 : i32
        %convert_element_type3A = arith.extui %lt3A_100 : i1 to i32
        %cond3A = arith.constant 0 : i32
        %cond3A_101 = arith.cmpi ne, %convert_element_type3A, %cond3A : i32
        scf.if %cond3A_101 {
          %add3A_178 = arith.constant 5 : i32
          %add3A_179 = arith.addi %add3A_90, %add3A_178 : i32
          %dma_start3A_180 = arith.constant 1 : i32
          %dma_start3A_181 = arith.constant 0 : i32
          %dma_start3A_182 = tpu.memref_slice %arg6[%add3A_179, %dma_start3A_180, %dma_start3A_181] : memref<25x2x128xi32, #tpu.memory_space<vmem>> -> memref<1x1x128xi32, #tpu.memory_space<vmem>>
          %dma_start3A_183 = tpu.memref_squeeze %dma_start3A_182 : memref<1x1x128xi32, #tpu.memory_space<vmem>> -> memref<128xi32, #tpu.memory_space<vmem>>
          %dma_start3A_184 = arith.constant 0 : i32
          %dma_start3A_185 = arith.constant 0 : i32
          %dma_start3A_186 = tpu.memref_slice %arg2[%dma_start3A_184, %dma_start3A_185] : memref<200192x32xf32, #tpu.memory_space<hbm>> -> memref<200192x32xf32, #tpu.memory_space<hbm>>
          tpu.enqueue_indirect_dma source(%dma_start3A_186 : memref<200192x32xf32, #tpu.memory_space<hbm>>) target(%arg8 : memref<128x32xf32, #tpu.memory_space<vmem>>) offsets(%dma_start3A_183 : memref<128xi32, #tpu.memory_space<vmem>>) semaphore(%arg15 : memref<!tpu.dma_semaphore, #tpu.memory_space<semaphore_mem>>)
        } else {
        }
        %mul3A_102 = arith.constant 5 : i32
        %mul3A_103 = arith.muli %mul3A_102, %scan3A_86 : i32
        %add3A_104 = arith.constant 1 : i32
        %add3A_105 = arith.addi %mul3A_103, %add3A_104 : i32
        %dma_wait3A_106 = arith.constant 1 : i32
        %dma_wait3A_107 = arith.constant 0 : i32
        %dma_wait3A_108 = tpu.memref_slice %arg6[%add3A_105, %dma_wait3A_106, %dma_wait3A_107] : memref<25x2x128xi32, #tpu.memory_space<vmem>> -> memref<1x1x128xi32, #tpu.memory_space<vmem>>
        %dma_wait3A_109 = tpu.memref_squeeze %dma_wait3A_108 : memref<1x1x128xi32, #tpu.memory_space<vmem>> -> memref<128xi32, #tpu.memory_space<vmem>>
        %dma_wait3A_110 = arith.constant 0 : i32
        %dma_wait3A_111 = arith.constant 0 : i32
        %dma_wait3A_112 = tpu.memref_slice %arg2[%dma_wait3A_110, %dma_wait3A_111] : memref<200192x32xf32, #tpu.memory_space<hbm>> -> memref<200192x32xf32, #tpu.memory_space<hbm>>
        tpu.wait_indirect_dma semaphore(%arg16 : memref<!tpu.dma_semaphore, #tpu.memory_space<semaphore_mem>>) src(%dma_wait3A_112 : memref<200192x32xf32, #tpu.memory_space<hbm>>) dst(%arg9 : memref<128x32xf32, #tpu.memory_space<vmem>>)
        %run_scoped3A_113 = arith.constant 0 : i32
        "tpu.region"() ({
          %run_scoped3A_178 = tpu.sem_alloc : memref<!tpu.dma_semaphore, #tpu.memory_space<semaphore_mem>>
          %dma_start3A_179 = arith.constant 0 : i32
          %dma_start3A_180 = tpu.memref_slice %arg6[%add3A_105, %run_scoped3A_113, %dma_start3A_179] : memref<25x2x128xi32, #tpu.memory_space<vmem>> -> memref<1x1x128xi32, #tpu.memory_space<vmem>>
          %dma_start3A_181 = tpu.memref_squeeze %dma_start3A_180 : memref<1x1x128xi32, #tpu.memory_space<vmem>> -> memref<128xi32, #tpu.memory_space<vmem>>
          %dma_start3A_182 = arith.constant 0 : i32
          %dma_start3A_183 = arith.constant 0 : i32
          %dma_start3A_184 = tpu.memref_slice %arg14[%dma_start3A_182, %dma_start3A_183] : memref<50000x32xf32, #tpu.memory_space<vmem_shared>> -> memref<50000x32xf32, #tpu.memory_space<vmem_shared>>
          tpu.enqueue_indirect_dma source(%arg9 : memref<128x32xf32, #tpu.memory_space<vmem>>) target(%dma_start3A_184 : memref<50000x32xf32, #tpu.memory_space<vmem_shared>>) offsets(%dma_start3A_181 : memref<128xi32, #tpu.memory_space<vmem>>) semaphore(%run_scoped3A_178 : memref<!tpu.dma_semaphore, #tpu.memory_space<semaphore_mem>>) {add = true}
          %dma_wait3A_185 = arith.constant 0 : i32
          %dma_wait3A_186 = tpu.memref_slice %arg6[%add3A_105, %run_scoped3A_113, %dma_wait3A_185] : memref<25x2x128xi32, #tpu.memory_space<vmem>> -> memref<1x1x128xi32, #tpu.memory_space<vmem>>
          %dma_wait3A_187 = tpu.memref_squeeze %dma_wait3A_186 : memref<1x1x128xi32, #tpu.memory_space<vmem>> -> memref<128xi32, #tpu.memory_space<vmem>>
          %dma_wait3A_188 = arith.constant 0 : i32
          %dma_wait3A_189 = arith.constant 0 : i32
          %dma_wait3A_190 = tpu.memref_slice %arg14[%dma_wait3A_188, %dma_wait3A_189] : memref<50000x32xf32, #tpu.memory_space<vmem_shared>> -> memref<50000x32xf32, #tpu.memory_space<vmem_shared>>
          tpu.wait_indirect_dma semaphore(%run_scoped3A_178 : memref<!tpu.dma_semaphore, #tpu.memory_space<semaphore_mem>>) src(%arg9 : memref<128x32xf32, #tpu.memory_space<vmem>>) dst(%dma_wait3A_190 : memref<50000x32xf32, #tpu.memory_space<vmem_shared>>)
          tpu.yield
        }) : () -> ()
        %add3A_114 = arith.constant 5 : i32
        %add3A_115 = arith.addi %add3A_105, %add3A_114 : i32
        %lt3A_116 = arith.constant 25 : i32
        %lt3A_117 = arith.cmpi slt, %add3A_115, %lt3A_116 : i32
        %convert_element_type3A_118 = arith.extui %lt3A_117 : i1 to i32
        %cond3A_119 = arith.constant 0 : i32
        %cond3A_120 = arith.cmpi ne, %convert_element_type3A_118, %cond3A_119 : i32
        scf.if %cond3A_120 {
          %add3A_178 = arith.constant 5 : i32
          %add3A_179 = arith.addi %add3A_105, %add3A_178 : i32
          %dma_start3A_180 = arith.constant 1 : i32
          %dma_start3A_181 = arith.constant 0 : i32
          %dma_start3A_182 = tpu.memref_slice %arg6[%add3A_179, %dma_start3A_180, %dma_start3A_181] : memref<25x2x128xi32, #tpu.memory_space<vmem>> -> memref<1x1x128xi32, #tpu.memory_space<vmem>>
          %dma_start3A_183 = tpu.memref_squeeze %dma_start3A_182 : memref<1x1x128xi32, #tpu.memory_space<vmem>> -> memref<128xi32, #tpu.memory_space<vmem>>
          %dma_start3A_184 = arith.constant 0 : i32
          %dma_start3A_185 = arith.constant 0 : i32
          %dma_start3A_186 = tpu.memref_slice %arg2[%dma_start3A_184, %dma_start3A_185] : memref<200192x32xf32, #tpu.memory_space<hbm>> -> memref<200192x32xf32, #tpu.memory_space<hbm>>
          tpu.enqueue_indirect_dma source(%dma_start3A_186 : memref<200192x32xf32, #tpu.memory_space<hbm>>) target(%arg9 : memref<128x32xf32, #tpu.memory_space<vmem>>) offsets(%dma_start3A_183 : memref<128xi32, #tpu.memory_space<vmem>>) semaphore(%arg16 : memref<!tpu.dma_semaphore, #tpu.memory_space<semaphore_mem>>)
        } else {
        }
        %mul3A_121 = arith.constant 5 : i32
        %mul3A_122 = arith.muli %mul3A_121, %scan3A_86 : i32
        %add3A_123 = arith.constant 2 : i32
        %add3A_124 = arith.addi %mul3A_122, %add3A_123 : i32
        %dma_wait3A_125 = arith.constant 1 : i32
        %dma_wait3A_126 = arith.constant 0 : i32
        %dma_wait3A_127 = tpu.memref_slice %arg6[%add3A_124, %dma_wait3A_125, %dma_wait3A_126] : memref<25x2x128xi32, #tpu.memory_space<vmem>> -> memref<1x1x128xi32, #tpu.memory_space<vmem>>
        %dma_wait3A_128 = tpu.memref_squeeze %dma_wait3A_127 : memref<1x1x128xi32, #tpu.memory_space<vmem>> -> memref<128xi32, #tpu.memory_space<vmem>>
        %dma_wait3A_129 = arith.constant 0 : i32
        %dma_wait3A_130 = arith.constant 0 : i32
        %dma_wait3A_131 = tpu.memref_slice %arg2[%dma_wait3A_129, %dma_wait3A_130] : memref<200192x32xf32, #tpu.memory_space<hbm>> -> memref<200192x32xf32, #tpu.memory_space<hbm>>
        tpu.wait_indirect_dma semaphore(%arg17 : memref<!tpu.dma_semaphore, #tpu.memory_space<semaphore_mem>>) src(%dma_wait3A_131 : memref<200192x32xf32, #tpu.memory_space<hbm>>) dst(%arg10 : memref<128x32xf32, #tpu.memory_space<vmem>>)
        %run_scoped3A_132 = arith.constant 0 : i32
        "tpu.region"() ({
          %run_scoped3A_178 = tpu.sem_alloc : memref<!tpu.dma_semaphore, #tpu.memory_space<semaphore_mem>>
          %dma_start3A_179 = arith.constant 0 : i32
          %dma_start3A_180 = tpu.memref_slice %arg6[%add3A_124, %run_scoped3A_132, %dma_start3A_179] : memref<25x2x128xi32, #tpu.memory_space<vmem>> -> memref<1x1x128xi32, #tpu.memory_space<vmem>>
          %dma_start3A_181 = tpu.memref_squeeze %dma_start3A_180 : memref<1x1x128xi32, #tpu.memory_space<vmem>> -> memref<128xi32, #tpu.memory_space<vmem>>
          %dma_start3A_182 = arith.constant 0 : i32
          %dma_start3A_183 = arith.constant 0 : i32
          %dma_start3A_184 = tpu.memref_slice %arg14[%dma_start3A_182, %dma_start3A_183] : memref<50000x32xf32, #tpu.memory_space<vmem_shared>> -> memref<50000x32xf32, #tpu.memory_space<vmem_shared>>
          tpu.enqueue_indirect_dma source(%arg10 : memref<128x32xf32, #tpu.memory_space<vmem>>) target(%dma_start3A_184 : memref<50000x32xf32, #tpu.memory_space<vmem_shared>>) offsets(%dma_start3A_181 : memref<128xi32, #tpu.memory_space<vmem>>) semaphore(%run_scoped3A_178 : memref<!tpu.dma_semaphore, #tpu.memory_space<semaphore_mem>>) {add = true}
          %dma_wait3A_185 = arith.constant 0 : i32
          %dma_wait3A_186 = tpu.memref_slice %arg6[%add3A_124, %run_scoped3A_132, %dma_wait3A_185] : memref<25x2x128xi32, #tpu.memory_space<vmem>> -> memref<1x1x128xi32, #tpu.memory_space<vmem>>
          %dma_wait3A_187 = tpu.memref_squeeze %dma_wait3A_186 : memref<1x1x128xi32, #tpu.memory_space<vmem>> -> memref<128xi32, #tpu.memory_space<vmem>>
          %dma_wait3A_188 = arith.constant 0 : i32
          %dma_wait3A_189 = arith.constant 0 : i32
          %dma_wait3A_190 = tpu.memref_slice %arg14[%dma_wait3A_188, %dma_wait3A_189] : memref<50000x32xf32, #tpu.memory_space<vmem_shared>> -> memref<50000x32xf32, #tpu.memory_space<vmem_shared>>
          tpu.wait_indirect_dma semaphore(%run_scoped3A_178 : memref<!tpu.dma_semaphore, #tpu.memory_space<semaphore_mem>>) src(%arg10 : memref<128x32xf32, #tpu.memory_space<vmem>>) dst(%dma_wait3A_190 : memref<50000x32xf32, #tpu.memory_space<vmem_shared>>)
          tpu.yield
        }) : () -> ()
        %add3A_133 = arith.constant 5 : i32
        %add3A_134 = arith.addi %add3A_124, %add3A_133 : i32
        %lt3A_135 = arith.constant 25 : i32
        %lt3A_136 = arith.cmpi slt, %add3A_134, %lt3A_135 : i32
        %convert_element_type3A_137 = arith.extui %lt3A_136 : i1 to i32
        %cond3A_138 = arith.constant 0 : i32
        %cond3A_139 = arith.cmpi ne, %convert_element_type3A_137, %cond3A_138 : i32
        scf.if %cond3A_139 {
          %add3A_178 = arith.constant 5 : i32
          %add3A_179 = arith.addi %add3A_124, %add3A_178 : i32
          %dma_start3A_180 = arith.constant 1 : i32
          %dma_start3A_181 = arith.constant 0 : i32
          %dma_start3A_182 = tpu.memref_slice %arg6[%add3A_179, %dma_start3A_180, %dma_start3A_181] : memref<25x2x128xi32, #tpu.memory_space<vmem>> -> memref<1x1x128xi32, #tpu.memory_space<vmem>>
          %dma_start3A_183 = tpu.memref_squeeze %dma_start3A_182 : memref<1x1x128xi32, #tpu.memory_space<vmem>> -> memref<128xi32, #tpu.memory_space<vmem>>
          %dma_start3A_184 = arith.constant 0 : i32
          %dma_start3A_185 = arith.constant 0 : i32
          %dma_start3A_186 = tpu.memref_slice %arg2[%dma_start3A_184, %dma_start3A_185] : memref<200192x32xf32, #tpu.memory_space<hbm>> -> memref<200192x32xf32, #tpu.memory_space<hbm>>
          tpu.enqueue_indirect_dma source(%dma_start3A_186 : memref<200192x32xf32, #tpu.memory_space<hbm>>) target(%arg10 : memref<128x32xf32, #tpu.memory_space<vmem>>) offsets(%dma_start3A_183 : memref<128xi32, #tpu.memory_space<vmem>>) semaphore(%arg17 : memref<!tpu.dma_semaphore, #tpu.memory_space<semaphore_mem>>)
        } else {
        }
        %mul3A_140 = arith.constant 5 : i32
        %mul3A_141 = arith.muli %mul3A_140, %scan3A_86 : i32
        %add3A_142 = arith.constant 3 : i32
        %add3A_143 = arith.addi %mul3A_141, %add3A_142 : i32
        %dma_wait3A_144 = arith.constant 1 : i32
        %dma_wait3A_145 = arith.constant 0 : i32
        %dma_wait3A_146 = tpu.memref_slice %arg6[%add3A_143, %dma_wait3A_144, %dma_wait3A_145] : memref<25x2x128xi32, #tpu.memory_space<vmem>> -> memref<1x1x128xi32, #tpu.memory_space<vmem>>
        %dma_wait3A_147 = tpu.memref_squeeze %dma_wait3A_146 : memref<1x1x128xi32, #tpu.memory_space<vmem>> -> memref<128xi32, #tpu.memory_space<vmem>>
        %dma_wait3A_148 = arith.constant 0 : i32
        %dma_wait3A_149 = arith.constant 0 : i32
        %dma_wait3A_150 = tpu.memref_slice %arg2[%dma_wait3A_148, %dma_wait3A_149] : memref<200192x32xf32, #tpu.memory_space<hbm>> -> memref<200192x32xf32, #tpu.memory_space<hbm>>
        tpu.wait_indirect_dma semaphore(%arg18 : memref<!tpu.dma_semaphore, #tpu.memory_space<semaphore_mem>>) src(%dma_wait3A_150 : memref<200192x32xf32, #tpu.memory_space<hbm>>) dst(%arg11 : memref<128x32xf32, #tpu.memory_space<vmem>>)
        %run_scoped3A_151 = arith.constant 0 : i32
        "tpu.region"() ({
          %run_scoped3A_178 = tpu.sem_alloc : memref<!tpu.dma_semaphore, #tpu.memory_space<semaphore_mem>>
          %dma_start3A_179 = arith.constant 0 : i32
          %dma_start3A_180 = tpu.memref_slice %arg6[%add3A_143, %run_scoped3A_151, %dma_start3A_179] : memref<25x2x128xi32, #tpu.memory_space<vmem>> -> memref<1x1x128xi32, #tpu.memory_space<vmem>>
          %dma_start3A_181 = tpu.memref_squeeze %dma_start3A_180 : memref<1x1x128xi32, #tpu.memory_space<vmem>> -> memref<128xi32, #tpu.memory_space<vmem>>
          %dma_start3A_182 = arith.constant 0 : i32
          %dma_start3A_183 = arith.constant 0 : i32
          %dma_start3A_184 = tpu.memref_slice %arg14[%dma_start3A_182, %dma_start3A_183] : memref<50000x32xf32, #tpu.memory_space<vmem_shared>> -> memref<50000x32xf32, #tpu.memory_space<vmem_shared>>
          tpu.enqueue_indirect_dma source(%arg11 : memref<128x32xf32, #tpu.memory_space<vmem>>) target(%dma_start3A_184 : memref<50000x32xf32, #tpu.memory_space<vmem_shared>>) offsets(%dma_start3A_181 : memref<128xi32, #tpu.memory_space<vmem>>) semaphore(%run_scoped3A_178 : memref<!tpu.dma_semaphore, #tpu.memory_space<semaphore_mem>>) {add = true}
          %dma_wait3A_185 = arith.constant 0 : i32
          %dma_wait3A_186 = tpu.memref_slice %arg6[%add3A_143, %run_scoped3A_151, %dma_wait3A_185] : memref<25x2x128xi32, #tpu.memory_space<vmem>> -> memref<1x1x128xi32, #tpu.memory_space<vmem>>
          %dma_wait3A_187 = tpu.memref_squeeze %dma_wait3A_186 : memref<1x1x128xi32, #tpu.memory_space<vmem>> -> memref<128xi32, #tpu.memory_space<vmem>>
          %dma_wait3A_188 = arith.constant 0 : i32
          %dma_wait3A_189 = arith.constant 0 : i32
          %dma_wait3A_190 = tpu.memref_slice %arg14[%dma_wait3A_188, %dma_wait3A_189] : memref<50000x32xf32, #tpu.memory_space<vmem_shared>> -> memref<50000x32xf32, #tpu.memory_space<vmem_shared>>
          tpu.wait_indirect_dma semaphore(%run_scoped3A_178 : memref<!tpu.dma_semaphore, #tpu.memory_space<semaphore_mem>>) src(%arg11 : memref<128x32xf32, #tpu.memory_space<vmem>>) dst(%dma_wait3A_190 : memref<50000x32xf32, #tpu.memory_space<vmem_shared>>)
          tpu.yield
        }) : () -> ()
        %add3A_152 = arith.constant 5 : i32
        %add3A_153 = arith.addi %add3A_143, %add3A_152 : i32
        %lt3A_154 = arith.constant 25 : i32
        %lt3A_155 = arith.cmpi slt, %add3A_153, %lt3A_154 : i32
        %convert_element_type3A_156 = arith.extui %lt3A_155 : i1 to i32
        %cond3A_157 = arith.constant 0 : i32
        %cond3A_158 = arith.cmpi ne, %convert_element_type3A_156, %cond3A_157 : i32
        scf.if %cond3A_158 {
          %add3A_178 = arith.constant 5 : i32
          %add3A_179 = arith.addi %add3A_143, %add3A_178 : i32
          %dma_start3A_180 = arith.constant 1 : i32
          %dma_start3A_181 = arith.constant 0 : i32
          %dma_start3A_182 = tpu.memref_slice %arg6[%add3A_179, %dma_start3A_180, %dma_start3A_181] : memref<25x2x128xi32, #tpu.memory_space<vmem>> -> memref<1x1x128xi32, #tpu.memory_space<vmem>>
          %dma_start3A_183 = tpu.memref_squeeze %dma_start3A_182 : memref<1x1x128xi32, #tpu.memory_space<vmem>> -> memref<128xi32, #tpu.memory_space<vmem>>
          %dma_start3A_184 = arith.constant 0 : i32
          %dma_start3A_185 = arith.constant 0 : i32
          %dma_start3A_186 = tpu.memref_slice %arg2[%dma_start3A_184, %dma_start3A_185] : memref<200192x32xf32, #tpu.memory_space<hbm>> -> memref<200192x32xf32, #tpu.memory_space<hbm>>
          tpu.enqueue_indirect_dma source(%dma_start3A_186 : memref<200192x32xf32, #tpu.memory_space<hbm>>) target(%arg11 : memref<128x32xf32, #tpu.memory_space<vmem>>) offsets(%dma_start3A_183 : memref<128xi32, #tpu.memory_space<vmem>>) semaphore(%arg18 : memref<!tpu.dma_semaphore, #tpu.memory_space<semaphore_mem>>)
        } else {
        }
        %mul3A_159 = arith.constant 5 : i32
        %mul3A_160 = arith.muli %mul3A_159, %scan3A_86 : i32
        %add3A_161 = arith.constant 4 : i32
        %add3A_162 = arith.addi %mul3A_160, %add3A_161 : i32
        %dma_wait3A_163 = arith.constant 1 : i32
        %dma_wait3A_164 = arith.constant 0 : i32
        %dma_wait3A_165 = tpu.memref_slice %arg6[%add3A_162, %dma_wait3A_163, %dma_wait3A_164] : memref<25x2x128xi32, #tpu.memory_space<vmem>> -> memref<1x1x128xi32, #tpu.memory_space<vmem>>
        %dma_wait3A_166 = tpu.memref_squeeze %dma_wait3A_165 : memref<1x1x128xi32, #tpu.memory_space<vmem>> -> memref<128xi32, #tpu.memory_space<vmem>>
        %dma_wait3A_167 = arith.constant 0 : i32
        %dma_wait3A_168 = arith.constant 0 : i32
        %dma_wait3A_169 = tpu.memref_slice %arg2[%dma_wait3A_167, %dma_wait3A_168] : memref<200192x32xf32, #tpu.memory_space<hbm>> -> memref<200192x32xf32, #tpu.memory_space<hbm>>
        tpu.wait_indirect_dma semaphore(%arg19 : memref<!tpu.dma_semaphore, #tpu.memory_space<semaphore_mem>>) src(%dma_wait3A_169 : memref<200192x32xf32, #tpu.memory_space<hbm>>) dst(%arg12 : memref<128x32xf32, #tpu.memory_space<vmem>>)
        %run_scoped3A_170 = arith.constant 0 : i32
        "tpu.region"() ({
          %run_scoped3A_178 = tpu.sem_alloc : memref<!tpu.dma_semaphore, #tpu.memory_space<semaphore_mem>>
          %dma_start3A_179 = arith.constant 0 : i32
          %dma_start3A_180 = tpu.memref_slice %arg6[%add3A_162, %run_scoped3A_170, %dma_start3A_179] : memref<25x2x128xi32, #tpu.memory_space<vmem>> -> memref<1x1x128xi32, #tpu.memory_space<vmem>>
          %dma_start3A_181 = tpu.memref_squeeze %dma_start3A_180 : memref<1x1x128xi32, #tpu.memory_space<vmem>> -> memref<128xi32, #tpu.memory_space<vmem>>
          %dma_start3A_182 = arith.constant 0 : i32
          %dma_start3A_183 = arith.constant 0 : i32
          %dma_start3A_184 = tpu.memref_slice %arg14[%dma_start3A_182, %dma_start3A_183] : memref<50000x32xf32, #tpu.memory_space<vmem_shared>> -> memref<50000x32xf32, #tpu.memory_space<vmem_shared>>
          tpu.enqueue_indirect_dma source(%arg12 : memref<128x32xf32, #tpu.memory_space<vmem>>) target(%dma_start3A_184 : memref<50000x32xf32, #tpu.memory_space<vmem_shared>>) offsets(%dma_start3A_181 : memref<128xi32, #tpu.memory_space<vmem>>) semaphore(%run_scoped3A_178 : memref<!tpu.dma_semaphore, #tpu.memory_space<semaphore_mem>>) {add = true}
          %dma_wait3A_185 = arith.constant 0 : i32
          %dma_wait3A_186 = tpu.memref_slice %arg6[%add3A_162, %run_scoped3A_170, %dma_wait3A_185] : memref<25x2x128xi32, #tpu.memory_space<vmem>> -> memref<1x1x128xi32, #tpu.memory_space<vmem>>
          %dma_wait3A_187 = tpu.memref_squeeze %dma_wait3A_186 : memref<1x1x128xi32, #tpu.memory_space<vmem>> -> memref<128xi32, #tpu.memory_space<vmem>>
          %dma_wait3A_188 = arith.constant 0 : i32
          %dma_wait3A_189 = arith.constant 0 : i32
          %dma_wait3A_190 = tpu.memref_slice %arg14[%dma_wait3A_188, %dma_wait3A_189] : memref<50000x32xf32, #tpu.memory_space<vmem_shared>> -> memref<50000x32xf32, #tpu.memory_space<vmem_shared>>
          tpu.wait_indirect_dma semaphore(%run_scoped3A_178 : memref<!tpu.dma_semaphore, #tpu.memory_space<semaphore_mem>>) src(%arg12 : memref<128x32xf32, #tpu.memory_space<vmem>>) dst(%dma_wait3A_190 : memref<50000x32xf32, #tpu.memory_space<vmem_shared>>)
          tpu.yield
        }) : () -> ()
        %add3A_171 = arith.constant 5 : i32
        %add3A_172 = arith.addi %add3A_162, %add3A_171 : i32
        %lt3A_173 = arith.constant 25 : i32
        %lt3A_174 = arith.cmpi slt, %add3A_172, %lt3A_173 : i32
        %convert_element_type3A_175 = arith.extui %lt3A_174 : i1 to i32
        %cond3A_176 = arith.constant 0 : i32
        %cond3A_177 = arith.cmpi ne, %convert_element_type3A_175, %cond3A_176 : i32
        scf.if %cond3A_177 {
          %add3A_178 = arith.constant 5 : i32
          %add3A_179 = arith.addi %add3A_162, %add3A_178 : i32
          %dma_start3A_180 = arith.constant 1 : i32
          %dma_start3A_181 = arith.constant 0 : i32
          %dma_start3A_182 = tpu.memref_slice %arg6[%add3A_179, %dma_start3A_180, %dma_start3A_181] : memref<25x2x128xi32, #tpu.memory_space<vmem>> -> memref<1x1x128xi32, #tpu.memory_space<vmem>>
          %dma_start3A_183 = tpu.memref_squeeze %dma_start3A_182 : memref<1x1x128xi32, #tpu.memory_space<vmem>> -> memref<128xi32, #tpu.memory_space<vmem>>
          %dma_start3A_184 = arith.constant 0 : i32
          %dma_start3A_185 = arith.constant 0 : i32
          %dma_start3A_186 = tpu.memref_slice %arg2[%dma_start3A_184, %dma_start3A_185] : memref<200192x32xf32, #tpu.memory_space<hbm>> -> memref<200192x32xf32, #tpu.memory_space<hbm>>
          tpu.enqueue_indirect_dma source(%dma_start3A_186 : memref<200192x32xf32, #tpu.memory_space<hbm>>) target(%arg12 : memref<128x32xf32, #tpu.memory_space<vmem>>) offsets(%dma_start3A_183 : memref<128xi32, #tpu.memory_space<vmem>>) semaphore(%arg19 : memref<!tpu.dma_semaphore, #tpu.memory_space<semaphore_mem>>)
        } else {
        }
      }
      %scan3A_85 = arith.constant 5 : i32
    }
    %while3A_29 = arith.constant 1 : i32
    scf.for %while3A_31 = %while3A_27 to %while3A_23 step %while3A_29  : i32 {
      %add3A_32 = arith.addi %add3A_18, %while3A_31 : i32
      %mul3A_33 = arith.constant 25 : i32
      %mul3A_34 = arith.muli %add3A_32, %mul3A_33 : i32
      "tpu.region"() ({
        %run_scoped3A = tpu.sem_alloc : memref<!tpu.dma_semaphore, #tpu.memory_space<semaphore_mem>>
        %dma_start3A_86 = arith.constant 0 : i32
        %dma_start3A_87 = arith.constant 0 : i32
        %dma_start3A_88 = tpu.memref_slice %arg3[%mul3A_34, %dma_start3A_86, %dma_start3A_87] : memref<6250x2x128xi32, #tpu.memory_space<hbm>> -> memref<25x2x128xi32, #tpu.memory_space<hbm>>
        %dma_start3A_89 = arith.constant 0 : i32
        %dma_start3A_90 = arith.constant 0 : i32
        %dma_start3A_91 = tpu.memref_slice %arg3[%mul3A_34, %dma_start3A_89, %dma_start3A_90] : memref<6250x2x128xi32, #tpu.memory_space<hbm>> -> memref<25x2x128xi32, #tpu.memory_space<hbm>>
        tpu.enqueue_dma source(%dma_start3A_91 : memref<25x2x128xi32, #tpu.memory_space<hbm>>) target(%arg6 : memref<25x2x128xi32, #tpu.memory_space<vmem>>) target_semaphore(%run_scoped3A : memref<!tpu.dma_semaphore, #tpu.memory_space<semaphore_mem>>)
        %dma_wait3A = arith.constant 0 : i32
        %dma_wait3A_92 = arith.constant 0 : i32
        %dma_wait3A_93 = tpu.memref_slice %arg3[%mul3A_34, %dma_wait3A, %dma_wait3A_92] : memref<6250x2x128xi32, #tpu.memory_space<hbm>> -> memref<25x2x128xi32, #tpu.memory_space<hbm>>
        %dma_wait3A_94 = arith.constant 0 : i32
        %dma_wait3A_95 = arith.constant 0 : i32
        %dma_wait3A_96 = tpu.memref_slice %arg3[%mul3A_34, %dma_wait3A_94, %dma_wait3A_95] : memref<6250x2x128xi32, #tpu.memory_space<hbm>> -> memref<25x2x128xi32, #tpu.memory_space<hbm>>
        tpu.wait_dma2 semaphore(%run_scoped3A : memref<!tpu.dma_semaphore, #tpu.memory_space<semaphore_mem>>) src(%dma_wait3A_96 : memref<25x2x128xi32, #tpu.memory_space<hbm>>) dst(%arg6 : memref<25x2x128xi32, #tpu.memory_space<vmem>>)
        tpu.yield
      }) : () -> ()
      "tpu.region"() ({
        %run_scoped3A = tpu.sem_alloc : memref<!tpu.dma_semaphore, #tpu.memory_space<semaphore_mem>>
        %dma_start3A_86 = arith.constant 0 : i32
        %dma_start3A_87 = tpu.memref_slice %arg4[%mul3A_34, %dma_start3A_86] : memref<6250x128xi32, #tpu.memory_space<hbm>> -> memref<25x128xi32, #tpu.memory_space<hbm>>
        %dma_start3A_88 = arith.constant 0 : i32
        %dma_start3A_89 = tpu.memref_slice %arg4[%mul3A_34, %dma_start3A_88] : memref<6250x128xi32, #tpu.memory_space<hbm>> -> memref<25x128xi32, #tpu.memory_space<hbm>>
        tpu.enqueue_dma source(%dma_start3A_89 : memref<25x128xi32, #tpu.memory_space<hbm>>) target(%arg7 : memref<25x128xi32, #tpu.memory_space<vmem>>) target_semaphore(%run_scoped3A : memref<!tpu.dma_semaphore, #tpu.memory_space<semaphore_mem>>)
        %dma_wait3A = arith.constant 0 : i32
        %dma_wait3A_90 = tpu.memref_slice %arg4[%mul3A_34, %dma_wait3A] : memref<6250x128xi32, #tpu.memory_space<hbm>> -> memref<25x128xi32, #tpu.memory_space<hbm>>
        %dma_wait3A_91 = arith.constant 0 : i32
        %dma_wait3A_92 = tpu.memref_slice %arg4[%mul3A_34, %dma_wait3A_91] : memref<6250x128xi32, #tpu.memory_space<hbm>> -> memref<25x128xi32, #tpu.memory_space<hbm>>
        tpu.wait_dma2 semaphore(%run_scoped3A : memref<!tpu.dma_semaphore, #tpu.memory_space<semaphore_mem>>) src(%dma_wait3A_92 : memref<25x128xi32, #tpu.memory_space<hbm>>) dst(%arg7 : memref<25x128xi32, #tpu.memory_space<vmem>>)
        tpu.yield
      }) : () -> ()
      %scan3A_35 = arith.constant 0 : i32
      %scan3A_36 = arith.constant 0 : i32
      %scan3A_37 = arith.constant 25 : i32
      %scan3A_38 = arith.addi %scan3A_36, %scan3A_37 : i32
      %scan3A_39 = arith.constant 1 : i32
      scf.for %scan3A_86 = %scan3A_36 to %scan3A_38 step %scan3A_39  : i32 {
        %get3A = arith.constant 1 : i32
        %get3A_87 = arith.index_cast %scan3A_86 : i32 to index
        %get3A_88 = arith.index_cast %get3A : i32 to index
        %get3A_89 = arith.constant 0 : index
        %get3A_90 = tpu.vector_load %arg6[%get3A_87, %get3A_88, %get3A_89] {strides = array<i32>} : memref<25x2x128xi32, #tpu.memory_space<vmem>>, vector<1x1x16xi32>,
        %get3A_91 = vector.shape_cast %get3A_90 : vector<1x1x16xi32> to vector<16xi32>
        %mul3A_92 = arith.constant 4 : i32
        %mul3A_93 = vector.broadcast %mul3A_92 : i32 to vector<16xi32>
        %mul3A_94 = arith.muli %get3A_91, %mul3A_93 : vector<16xi32>
        %get3A_95 = arith.index_cast %scan3A_86 : i32 to index
        %get3A_96 = arith.constant 0 : index
        %get3A_97 = tpu.vector_load %arg7[%get3A_95, %get3A_96] {strides = array<i32>} : memref<25x128xi32, #tpu.memory_space<vmem>>, vector<1x16xi32>,
        %get3A_98 = vector.shape_cast %get3A_97 : vector<1x16xi32> to vector<16xi32>
        %add3A_99 = arith.addi %mul3A_94, %get3A_98 : vector<16xi32>
        %swap3A = arith.constant 1 : i32
        %swap3A_100 = arith.index_cast %scan3A_86 : i32 to index
        %swap3A_101 = arith.index_cast %swap3A : i32 to index
        %swap3A_102 = arith.constant 0 : index
        %swap3A_103 = tpu.vector_load %arg6[%swap3A_100, %swap3A_101, %swap3A_102] {strides = array<i32>} : memref<25x2x128xi32, #tpu.memory_space<vmem>>, vector<1x1x16xi32>,
        %swap3A_104 = vector.shape_cast %swap3A_103 : vector<1x1x16xi32> to vector<16xi32>
        %swap3A_105 = vector.shape_cast %add3A_99 : vector<16xi32> to vector<1x1x16xi32>
        tpu.vector_store %arg6[%swap3A_100, %swap3A_101, %swap3A_102], %swap3A_105 {strides = array<i32>} : memref<25x2x128xi32, #tpu.memory_space<vmem>>, vector<1x1x16xi32>,
        %get3A_106 = arith.constant 1 : i32
        %get3A_107 = arith.index_cast %scan3A_86 : i32 to index
        %get3A_108 = arith.index_cast %get3A_106 : i32 to index
        %get3A_109 = arith.constant 16 : index
        %get3A_110 = tpu.vector_load %arg6[%get3A_107, %get3A_108, %get3A_109] {strides = array<i32>} : memref<25x2x128xi32, #tpu.memory_space<vmem>>, vector<1x1x16xi32>,
        %get3A_111 = vector.shape_cast %get3A_110 : vector<1x1x16xi32> to vector<16xi32>
        %mul3A_112 = arith.constant 4 : i32
        %mul3A_113 = vector.broadcast %mul3A_112 : i32 to vector<16xi32>
        %mul3A_114 = arith.muli %get3A_111, %mul3A_113 : vector<16xi32>
        %get3A_115 = arith.index_cast %scan3A_86 : i32 to index
        %get3A_116 = arith.constant 16 : index
        %get3A_117 = tpu.vector_load %arg7[%get3A_115, %get3A_116] {strides = array<i32>} : memref<25x128xi32, #tpu.memory_space<vmem>>, vector<1x16xi32>,
        %get3A_118 = vector.shape_cast %get3A_117 : vector<1x16xi32> to vector<16xi32>
        %add3A_119 = arith.addi %mul3A_114, %get3A_118 : vector<16xi32>
        %swap3A_120 = arith.constant 1 : i32
        %swap3A_121 = arith.index_cast %scan3A_86 : i32 to index
        %swap3A_122 = arith.index_cast %swap3A_120 : i32 to index
        %swap3A_123 = arith.constant 16 : index
        %swap3A_124 = tpu.vector_load %arg6[%swap3A_121, %swap3A_122, %swap3A_123] {strides = array<i32>} : memref<25x2x128xi32, #tpu.memory_space<vmem>>, vector<1x1x16xi32>,
        %swap3A_125 = vector.shape_cast %swap3A_124 : vector<1x1x16xi32> to vector<16xi32>
        %swap3A_126 = vector.shape_cast %add3A_119 : vector<16xi32> to vector<1x1x16xi32>
        tpu.vector_store %arg6[%swap3A_121, %swap3A_122, %swap3A_123], %swap3A_126 {strides = array<i32>} : memref<25x2x128xi32, #tpu.memory_space<vmem>>, vector<1x1x16xi32>,
        %get3A_127 = arith.constant 1 : i32
        %get3A_128 = arith.index_cast %scan3A_86 : i32 to index
        %get3A_129 = arith.index_cast %get3A_127 : i32 to index
        %get3A_130 = arith.constant 32 : index
        %get3A_131 = tpu.vector_load %arg6[%get3A_128, %get3A_129, %get3A_130] {strides = array<i32>} : memref<25x2x128xi32, #tpu.memory_space<vmem>>, vector<1x1x16xi32>,
        %get3A_132 = vector.shape_cast %get3A_131 : vector<1x1x16xi32> to vector<16xi32>
        %mul3A_133 = arith.constant 4 : i32
        %mul3A_134 = vector.broadcast %mul3A_133 : i32 to vector<16xi32>
        %mul3A_135 = arith.muli %get3A_132, %mul3A_134 : vector<16xi32>
        %get3A_136 = arith.index_cast %scan3A_86 : i32 to index
        %get3A_137 = arith.constant 32 : index
        %get3A_138 = tpu.vector_load %arg7[%get3A_136, %get3A_137] {strides = array<i32>} : memref<25x128xi32, #tpu.memory_space<vmem>>, vector<1x16xi32>,
        %get3A_139 = vector.shape_cast %get3A_138 : vector<1x16xi32> to vector<16xi32>
        %add3A_140 = arith.addi %mul3A_135, %get3A_139 : vector<16xi32>
        %swap3A_141 = arith.constant 1 : i32
        %swap3A_142 = arith.index_cast %scan3A_86 : i32 to index
        %swap3A_143 = arith.index_cast %swap3A_141 : i32 to index
        %swap3A_144 = arith.constant 32 : index
        %swap3A_145 = tpu.vector_load %arg6[%swap3A_142, %swap3A_143, %swap3A_144] {strides = array<i32>} : memref<25x2x128xi32, #tpu.memory_space<vmem>>, vector<1x1x16xi32>,
        %swap3A_146 = vector.shape_cast %swap3A_145 : vector<1x1x16xi32> to vector<16xi32>
        %swap3A_147 = vector.shape_cast %add3A_140 : vector<16xi32> to vector<1x1x16xi32>
        tpu.vector_store %arg6[%swap3A_142, %swap3A_143, %swap3A_144], %swap3A_147 {strides = array<i32>} : memref<25x2x128xi32, #tpu.memory_space<vmem>>, vector<1x1x16xi32>,
        %get3A_148 = arith.constant 1 : i32
        %get3A_149 = arith.index_cast %scan3A_86 : i32 to index
        %get3A_150 = arith.index_cast %get3A_148 : i32 to index
        %get3A_151 = arith.constant 48 : index
        %get3A_152 = tpu.vector_load %arg6[%get3A_149, %get3A_150, %get3A_151] {strides = array<i32>} : memref<25x2x128xi32, #tpu.memory_space<vmem>>, vector<1x1x16xi32>,
        %get3A_153 = vector.shape_cast %get3A_152 : vector<1x1x16xi32> to vector<16xi32>
        %mul3A_154 = arith.constant 4 : i32
        %mul3A_155 = vector.broadcast %mul3A_154 : i32 to vector<16xi32>
        %mul3A_156 = arith.muli %get3A_153, %mul3A_155 : vector<16xi32>
        %get3A_157 = arith.index_cast %scan3A_86 : i32 to index
        %get3A_158 = arith.constant 48 : index
        %get3A_159 = tpu.vector_load %arg7[%get3A_157, %get3A_158] {strides = array<i32>} : memref<25x128xi32, #tpu.memory_space<vmem>>, vector<1x16xi32>,
        %get3A_160 = vector.shape_cast %get3A_159 : vector<1x16xi32> to vector<16xi32>
        %add3A_161 = arith.addi %mul3A_156, %get3A_160 : vector<16xi32>
        %swap3A_162 = arith.constant 1 : i32
        %swap3A_163 = arith.index_cast %scan3A_86 : i32 to index
        %swap3A_164 = arith.index_cast %swap3A_162 : i32 to index
        %swap3A_165 = arith.constant 48 : index
        %swap3A_166 = tpu.vector_load %arg6[%swap3A_163, %swap3A_164, %swap3A_165] {strides = array<i32>} : memref<25x2x128xi32, #tpu.memory_space<vmem>>, vector<1x1x16xi32>,
        %swap3A_167 = vector.shape_cast %swap3A_166 : vector<1x1x16xi32> to vector<16xi32>
        %swap3A_168 = vector.shape_cast %add3A_161 : vector<16xi32> to vector<1x1x16xi32>
        tpu.vector_store %arg6[%swap3A_163, %swap3A_164, %swap3A_165], %swap3A_168 {strides = array<i32>} : memref<25x2x128xi32, #tpu.memory_space<vmem>>, vector<1x1x16xi32>,
        %get3A_169 = arith.constant 1 : i32
        %get3A_170 = arith.index_cast %scan3A_86 : i32 to index
        %get3A_171 = arith.index_cast %get3A_169 : i32 to index
        %get3A_172 = arith.constant 64 : index
        %get3A_173 = tpu.vector_load %arg6[%get3A_170, %get3A_171, %get3A_172] {strides = array<i32>} : memref<25x2x128xi32, #tpu.memory_space<vmem>>, vector<1x1x16xi32>,
        %get3A_174 = vector.shape_cast %get3A_173 : vector<1x1x16xi32> to vector<16xi32>
        %mul3A_175 = arith.constant 4 : i32
        %mul3A_176 = vector.broadcast %mul3A_175 : i32 to vector<16xi32>
        %mul3A_177 = arith.muli %get3A_174, %mul3A_176 : vector<16xi32>
        %get3A_178 = arith.index_cast %scan3A_86 : i32 to index
        %get3A_179 = arith.constant 64 : index
        %get3A_180 = tpu.vector_load %arg7[%get3A_178, %get3A_179] {strides = array<i32>} : memref<25x128xi32, #tpu.memory_space<vmem>>, vector<1x16xi32>,
        %get3A_181 = vector.shape_cast %get3A_180 : vector<1x16xi32> to vector<16xi32>
        %add3A_182 = arith.addi %mul3A_177, %get3A_181 : vector<16xi32>
        %swap3A_183 = arith.constant 1 : i32
        %swap3A_184 = arith.index_cast %scan3A_86 : i32 to index
        %swap3A_185 = arith.index_cast %swap3A_183 : i32 to index
        %swap3A_186 = arith.constant 64 : index
        %swap3A_187 = tpu.vector_load %arg6[%swap3A_184, %swap3A_185, %swap3A_186] {strides = array<i32>} : memref<25x2x128xi32, #tpu.memory_space<vmem>>, vector<1x1x16xi32>,
        %swap3A_188 = vector.shape_cast %swap3A_187 : vector<1x1x16xi32> to vector<16xi32>
        %swap3A_189 = vector.shape_cast %add3A_182 : vector<16xi32> to vector<1x1x16xi32>
        tpu.vector_store %arg6[%swap3A_184, %swap3A_185, %swap3A_186], %swap3A_189 {strides = array<i32>} : memref<25x2x128xi32, #tpu.memory_space<vmem>>, vector<1x1x16xi32>,
        %get3A_190 = arith.constant 1 : i32
        %get3A_191 = arith.index_cast %scan3A_86 : i32 to index
        %get3A_192 = arith.index_cast %get3A_190 : i32 to index
        %get3A_193 = arith.constant 80 : index
        %get3A_194 = tpu.vector_load %arg6[%get3A_191, %get3A_192, %get3A_193] {strides = array<i32>} : memref<25x2x128xi32, #tpu.memory_space<vmem>>, vector<1x1x16xi32>,
        %get3A_195 = vector.shape_cast %get3A_194 : vector<1x1x16xi32> to vector<16xi32>
        %mul3A_196 = arith.constant 4 : i32
        %mul3A_197 = vector.broadcast %mul3A_196 : i32 to vector<16xi32>
        %mul3A_198 = arith.muli %get3A_195, %mul3A_197 : vector<16xi32>
        %get3A_199 = arith.index_cast %scan3A_86 : i32 to index
        %get3A_200 = arith.constant 80 : index
        %get3A_201 = tpu.vector_load %arg7[%get3A_199, %get3A_200] {strides = array<i32>} : memref<25x128xi32, #tpu.memory_space<vmem>>, vector<1x16xi32>,
        %get3A_202 = vector.shape_cast %get3A_201 : vector<1x16xi32> to vector<16xi32>
        %add3A_203 = arith.addi %mul3A_198, %get3A_202 : vector<16xi32>
        %swap3A_204 = arith.constant 1 : i32
        %swap3A_205 = arith.index_cast %scan3A_86 : i32 to index
        %swap3A_206 = arith.index_cast %swap3A_204 : i32 to index
        %swap3A_207 = arith.constant 80 : index
        %swap3A_208 = tpu.vector_load %arg6[%swap3A_205, %swap3A_206, %swap3A_207] {strides = array<i32>} : memref<25x2x128xi32, #tpu.memory_space<vmem>>, vector<1x1x16xi32>,
        %swap3A_209 = vector.shape_cast %swap3A_208 : vector<1x1x16xi32> to vector<16xi32>
        %swap3A_210 = vector.shape_cast %add3A_203 : vector<16xi32> to vector<1x1x16xi32>
        tpu.vector_store %arg6[%swap3A_205, %swap3A_206, %swap3A_207], %swap3A_210 {strides = array<i32>} : memref<25x2x128xi32, #tpu.memory_space<vmem>>, vector<1x1x16xi32>,
        %get3A_211 = arith.constant 1 : i32
        %get3A_212 = arith.index_cast %scan3A_86 : i32 to index
        %get3A_213 = arith.index_cast %get3A_211 : i32 to index
        %get3A_214 = arith.constant 96 : index
        %get3A_215 = tpu.vector_load %arg6[%get3A_212, %get3A_213, %get3A_214] {strides = array<i32>} : memref<25x2x128xi32, #tpu.memory_space<vmem>>, vector<1x1x16xi32>,
        %get3A_216 = vector.shape_cast %get3A_215 : vector<1x1x16xi32> to vector<16xi32>
        %mul3A_217 = arith.constant 4 : i32
        %mul3A_218 = vector.broadcast %mul3A_217 : i32 to vector<16xi32>
        %mul3A_219 = arith.muli %get3A_216, %mul3A_218 : vector<16xi32>
        %get3A_220 = arith.index_cast %scan3A_86 : i32 to index
        %get3A_221 = arith.constant 96 : index
        %get3A_222 = tpu.vector_load %arg7[%get3A_220, %get3A_221] {strides = array<i32>} : memref<25x128xi32, #tpu.memory_space<vmem>>, vector<1x16xi32>,
        %get3A_223 = vector.shape_cast %get3A_222 : vector<1x16xi32> to vector<16xi32>
        %add3A_224 = arith.addi %mul3A_219, %get3A_223 : vector<16xi32>
        %swap3A_225 = arith.constant 1 : i32
        %swap3A_226 = arith.index_cast %scan3A_86 : i32 to index
        %swap3A_227 = arith.index_cast %swap3A_225 : i32 to index
        %swap3A_228 = arith.constant 96 : index
        %swap3A_229 = tpu.vector_load %arg6[%swap3A_226, %swap3A_227, %swap3A_228] {strides = array<i32>} : memref<25x2x128xi32, #tpu.memory_space<vmem>>, vector<1x1x16xi32>,
        %swap3A_230 = vector.shape_cast %swap3A_229 : vector<1x1x16xi32> to vector<16xi32>
        %swap3A_231 = vector.shape_cast %add3A_224 : vector<16xi32> to vector<1x1x16xi32>
        tpu.vector_store %arg6[%swap3A_226, %swap3A_227, %swap3A_228], %swap3A_231 {strides = array<i32>} : memref<25x2x128xi32, #tpu.memory_space<vmem>>, vector<1x1x16xi32>,
        %get3A_232 = arith.constant 1 : i32
        %get3A_233 = arith.index_cast %scan3A_86 : i32 to index
        %get3A_234 = arith.index_cast %get3A_232 : i32 to index
        %get3A_235 = arith.constant 112 : index
        %get3A_236 = tpu.vector_load %arg6[%get3A_233, %get3A_234, %get3A_235] {strides = array<i32>} : memref<25x2x128xi32, #tpu.memory_space<vmem>>, vector<1x1x16xi32>,
        %get3A_237 = vector.shape_cast %get3A_236 : vector<1x1x16xi32> to vector<16xi32>
        %mul3A_238 = arith.constant 4 : i32
        %mul3A_239 = vector.broadcast %mul3A_238 : i32 to vector<16xi32>
        %mul3A_240 = arith.muli %get3A_237, %mul3A_239 : vector<16xi32>
        %get3A_241 = arith.index_cast %scan3A_86 : i32 to index
        %get3A_242 = arith.constant 112 : index
        %get3A_243 = tpu.vector_load %arg7[%get3A_241, %get3A_242] {strides = array<i32>} : memref<25x128xi32, #tpu.memory_space<vmem>>, vector<1x16xi32>,
        %get3A_244 = vector.shape_cast %get3A_243 : vector<1x16xi32> to vector<16xi32>
        %add3A_245 = arith.addi %mul3A_240, %get3A_244 : vector<16xi32>
        %swap3A_246 = arith.constant 1 : i32
        %swap3A_247 = arith.index_cast %scan3A_86 : i32 to index
        %swap3A_248 = arith.index_cast %swap3A_246 : i32 to index
        %swap3A_249 = arith.constant 112 : index
        %swap3A_250 = tpu.vector_load %arg6[%swap3A_247, %swap3A_248, %swap3A_249] {strides = array<i32>} : memref<25x2x128xi32, #tpu.memory_space<vmem>>, vector<1x1x16xi32>,
        %swap3A_251 = vector.shape_cast %swap3A_250 : vector<1x1x16xi32> to vector<16xi32>
        %swap3A_252 = vector.shape_cast %add3A_245 : vector<16xi32> to vector<1x1x16xi32>
        tpu.vector_store %arg6[%swap3A_247, %swap3A_248, %swap3A_249], %swap3A_252 {strides = array<i32>} : memref<25x2x128xi32, #tpu.memory_space<vmem>>, vector<1x1x16xi32>,
      }
      %scan3A_40 = arith.constant 25 : i32
      %dma_start3A = arith.constant 0 : i32
      %dma_start3A_41 = arith.constant 1 : i32
      %dma_start3A_42 = arith.constant 0 : i32
      %dma_start3A_43 = tpu.memref_slice %arg6[%dma_start3A, %dma_start3A_41, %dma_start3A_42] : memref<25x2x128xi32, #tpu.memory_space<vmem>> -> memref<1x1x128xi32, #tpu.memory_space<vmem>>
      %dma_start3A_44 = tpu.memref_squeeze %dma_start3A_43 : memref<1x1x128xi32, #tpu.memory_space<vmem>> -> memref<128xi32, #tpu.memory_space<vmem>>
      %dma_start3A_45 = arith.constant 0 : i32
      %dma_start3A_46 = arith.constant 0 : i32
      %dma_start3A_47 = tpu.memref_slice %arg2[%dma_start3A_45, %dma_start3A_46] : memref<200192x32xf32, #tpu.memory_space<hbm>> -> memref<200192x32xf32, #tpu.memory_space<hbm>>
      tpu.enqueue_indirect_dma source(%dma_start3A_47 : memref<200192x32xf32, #tpu.memory_space<hbm>>) target(%arg8 : memref<128x32xf32, #tpu.memory_space<vmem>>) offsets(%dma_start3A_44 : memref<128xi32, #tpu.memory_space<vmem>>) semaphore(%arg15 : memref<!tpu.dma_semaphore, #tpu.memory_space<semaphore_mem>>)
      %dma_start3A_48 = arith.constant 1 : i32
      %dma_start3A_49 = arith.constant 1 : i32
      %dma_start3A_50 = arith.constant 0 : i32
      %dma_start3A_51 = tpu.memref_slice %arg6[%dma_start3A_48, %dma_start3A_49, %dma_start3A_50] : memref<25x2x128xi32, #tpu.memory_space<vmem>> -> memref<1x1x128xi32, #tpu.memory_space<vmem>>
      %dma_start3A_52 = tpu.memref_squeeze %dma_start3A_51 : memref<1x1x128xi32, #tpu.memory_space<vmem>> -> memref<128xi32, #tpu.memory_space<vmem>>
      %dma_start3A_53 = arith.constant 0 : i32
      %dma_start3A_54 = arith.constant 0 : i32
      %dma_start3A_55 = tpu.memref_slice %arg2[%dma_start3A_53, %dma_start3A_54] : memref<200192x32xf32, #tpu.memory_space<hbm>> -> memref<200192x32xf32, #tpu.memory_space<hbm>>
      tpu.enqueue_indirect_dma source(%dma_start3A_55 : memref<200192x32xf32, #tpu.memory_space<hbm>>) target(%arg9 : memref<128x32xf32, #tpu.memory_space<vmem>>) offsets(%dma_start3A_52 : memref<128xi32, #tpu.memory_space<vmem>>) semaphore(%arg16 : memref<!tpu.dma_semaphore, #tpu.memory_space<semaphore_mem>>)
      %dma_start3A_56 = arith.constant 2 : i32
      %dma_start3A_57 = arith.constant 1 : i32
      %dma_start3A_58 = arith.constant 0 : i32
      %dma_start3A_59 = tpu.memref_slice %arg6[%dma_start3A_56, %dma_start3A_57, %dma_start3A_58] : memref<25x2x128xi32, #tpu.memory_space<vmem>> -> memref<1x1x128xi32, #tpu.memory_space<vmem>>
      %dma_start3A_60 = tpu.memref_squeeze %dma_start3A_59 : memref<1x1x128xi32, #tpu.memory_space<vmem>> -> memref<128xi32, #tpu.memory_space<vmem>>
      %dma_start3A_61 = arith.constant 0 : i32
      %dma_start3A_62 = arith.constant 0 : i32
      %dma_start3A_63 = tpu.memref_slice %arg2[%dma_start3A_61, %dma_start3A_62] : memref<200192x32xf32, #tpu.memory_space<hbm>> -> memref<200192x32xf32, #tpu.memory_space<hbm>>
      tpu.enqueue_indirect_dma source(%dma_start3A_63 : memref<200192x32xf32, #tpu.memory_space<hbm>>) target(%arg10 : memref<128x32xf32, #tpu.memory_space<vmem>>) offsets(%dma_start3A_60 : memref<128xi32, #tpu.memory_space<vmem>>) semaphore(%arg17 : memref<!tpu.dma_semaphore, #tpu.memory_space<semaphore_mem>>)
      %dma_start3A_64 = arith.constant 3 : i32
      %dma_start3A_65 = arith.constant 1 : i32
      %dma_start3A_66 = arith.constant 0 : i32
      %dma_start3A_67 = tpu.memref_slice %arg6[%dma_start3A_64, %dma_start3A_65, %dma_start3A_66] : memref<25x2x128xi32, #tpu.memory_space<vmem>> -> memref<1x1x128xi32, #tpu.memory_space<vmem>>
      %dma_start3A_68 = tpu.memref_squeeze %dma_start3A_67 : memref<1x1x128xi32, #tpu.memory_space<vmem>> -> memref<128xi32, #tpu.memory_space<vmem>>
      %dma_start3A_69 = arith.constant 0 : i32
      %dma_start3A_70 = arith.constant 0 : i32
      %dma_start3A_71 = tpu.memref_slice %arg2[%dma_start3A_69, %dma_start3A_70] : memref<200192x32xf32, #tpu.memory_space<hbm>> -> memref<200192x32xf32, #tpu.memory_space<hbm>>
      tpu.enqueue_indirect_dma source(%dma_start3A_71 : memref<200192x32xf32, #tpu.memory_space<hbm>>) target(%arg11 : memref<128x32xf32, #tpu.memory_space<vmem>>) offsets(%dma_start3A_68 : memref<128xi32, #tpu.memory_space<vmem>>) semaphore(%arg18 : memref<!tpu.dma_semaphore, #tpu.memory_space<semaphore_mem>>)
      %dma_start3A_72 = arith.constant 4 : i32
      %dma_start3A_73 = arith.constant 1 : i32
      %dma_start3A_74 = arith.constant 0 : i32
      %dma_start3A_75 = tpu.memref_slice %arg6[%dma_start3A_72, %dma_start3A_73, %dma_start3A_74] : memref<25x2x128xi32, #tpu.memory_space<vmem>> -> memref<1x1x128xi32, #tpu.memory_space<vmem>>
      %dma_start3A_76 = tpu.memref_squeeze %dma_start3A_75 : memref<1x1x128xi32, #tpu.memory_space<vmem>> -> memref<128xi32, #tpu.memory_space<vmem>>
      %dma_start3A_77 = arith.constant 0 : i32
      %dma_start3A_78 = arith.constant 0 : i32
      %dma_start3A_79 = tpu.memref_slice %arg2[%dma_start3A_77, %dma_start3A_78] : memref<200192x32xf32, #tpu.memory_space<hbm>> -> memref<200192x32xf32, #tpu.memory_space<hbm>>
      tpu.enqueue_indirect_dma source(%dma_start3A_79 : memref<200192x32xf32, #tpu.memory_space<hbm>>) target(%arg12 : memref<128x32xf32, #tpu.memory_space<vmem>>) offsets(%dma_start3A_76 : memref<128xi32, #tpu.memory_space<vmem>>) semaphore(%arg19 : memref<!tpu.dma_semaphore, #tpu.memory_space<semaphore_mem>>)
      %scan3A_80 = arith.constant 0 : i32
      %scan3A_81 = arith.constant 0 : i32
      %scan3A_82 = arith.constant 5 : i32
      %scan3A_83 = arith.addi %scan3A_81, %scan3A_82 : i32
      %scan3A_84 = arith.constant 1 : i32
      scf.for %scan3A_86 = %scan3A_81 to %scan3A_83 step %scan3A_84  : i32 {
        %mul3A_87 = arith.constant 5 : i32
        %mul3A_88 = arith.muli %mul3A_87, %scan3A_86 : i32
        %add3A_89 = arith.constant 0 : i32
        %add3A_90 = arith.addi %mul3A_88, %add3A_89 : i32
        %dma_wait3A = arith.constant 1 : i32
        %dma_wait3A_91 = arith.constant 0 : i32
        %dma_wait3A_92 = tpu.memref_slice %arg6[%add3A_90, %dma_wait3A, %dma_wait3A_91] : memref<25x2x128xi32, #tpu.memory_space<vmem>> -> memref<1x1x128xi32, #tpu.memory_space<vmem>>
        %dma_wait3A_93 = tpu.memref_squeeze %dma_wait3A_92 : memref<1x1x128xi32, #tpu.memory_space<vmem>> -> memref<128xi32, #tpu.memory_space<vmem>>
        %dma_wait3A_94 = arith.constant 0 : i32
        %dma_wait3A_95 = arith.constant 0 : i32
        %dma_wait3A_96 = tpu.memref_slice %arg2[%dma_wait3A_94, %dma_wait3A_95] : memref<200192x32xf32, #tpu.memory_space<hbm>> -> memref<200192x32xf32, #tpu.memory_space<hbm>>
        tpu.wait_indirect_dma semaphore(%arg15 : memref<!tpu.dma_semaphore, #tpu.memory_space<semaphore_mem>>) src(%dma_wait3A_96 : memref<200192x32xf32, #tpu.memory_space<hbm>>) dst(%arg8 : memref<128x32xf32, #tpu.memory_space<vmem>>)
        %run_scoped3A = arith.constant 0 : i32
        "tpu.region"() ({
          %run_scoped3A_178 = tpu.sem_alloc : memref<!tpu.dma_semaphore, #tpu.memory_space<semaphore_mem>>
          %dma_start3A_179 = arith.constant 0 : i32
          %dma_start3A_180 = tpu.memref_slice %arg6[%add3A_90, %run_scoped3A, %dma_start3A_179] : memref<25x2x128xi32, #tpu.memory_space<vmem>> -> memref<1x1x128xi32, #tpu.memory_space<vmem>>
          %dma_start3A_181 = tpu.memref_squeeze %dma_start3A_180 : memref<1x1x128xi32, #tpu.memory_space<vmem>> -> memref<128xi32, #tpu.memory_space<vmem>>
          %dma_start3A_182 = arith.constant 0 : i32
          %dma_start3A_183 = arith.constant 0 : i32
          %dma_start3A_184 = tpu.memref_slice %arg14[%dma_start3A_182, %dma_start3A_183] : memref<50000x32xf32, #tpu.memory_space<vmem_shared>> -> memref<50000x32xf32, #tpu.memory_space<vmem_shared>>
          tpu.enqueue_indirect_dma source(%arg8 : memref<128x32xf32, #tpu.memory_space<vmem>>) target(%dma_start3A_184 : memref<50000x32xf32, #tpu.memory_space<vmem_shared>>) offsets(%dma_start3A_181 : memref<128xi32, #tpu.memory_space<vmem>>) semaphore(%run_scoped3A_178 : memref<!tpu.dma_semaphore, #tpu.memory_space<semaphore_mem>>) {add = true}
          %dma_wait3A_185 = arith.constant 0 : i32
          %dma_wait3A_186 = tpu.memref_slice %arg6[%add3A_90, %run_scoped3A, %dma_wait3A_185] : memref<25x2x128xi32, #tpu.memory_space<vmem>> -> memref<1x1x128xi32, #tpu.memory_space<vmem>>
          %dma_wait3A_187 = tpu.memref_squeeze %dma_wait3A_186 : memref<1x1x128xi32, #tpu.memory_space<vmem>> -> memref<128xi32, #tpu.memory_space<vmem>>
          %dma_wait3A_188 = arith.constant 0 : i32
          %dma_wait3A_189 = arith.constant 0 : i32
          %dma_wait3A_190 = tpu.memref_slice %arg14[%dma_wait3A_188, %dma_wait3A_189] : memref<50000x32xf32, #tpu.memory_space<vmem_shared>> -> memref<50000x32xf32, #tpu.memory_space<vmem_shared>>
          tpu.wait_indirect_dma semaphore(%run_scoped3A_178 : memref<!tpu.dma_semaphore, #tpu.memory_space<semaphore_mem>>) src(%arg8 : memref<128x32xf32, #tpu.memory_space<vmem>>) dst(%dma_wait3A_190 : memref<50000x32xf32, #tpu.memory_space<vmem_shared>>)
          tpu.yield
        }) : () -> ()
        %add3A_97 = arith.constant 5 : i32
        %add3A_98 = arith.addi %add3A_90, %add3A_97 : i32
        %lt3A_99 = arith.constant 25 : i32
        %lt3A_100 = arith.cmpi slt, %add3A_98, %lt3A_99 : i32
        %convert_element_type3A = arith.extui %lt3A_100 : i1 to i32
        %cond3A = arith.constant 0 : i32
        %cond3A_101 = arith.cmpi ne, %convert_element_type3A, %cond3A : i32
        scf.if %cond3A_101 {
          %add3A_178 = arith.constant 5 : i32
          %add3A_179 = arith.addi %add3A_90, %add3A_178 : i32
          %dma_start3A_180 = arith.constant 1 : i32
          %dma_start3A_181 = arith.constant 0 : i32
          %dma_start3A_182 = tpu.memref_slice %arg6[%add3A_179, %dma_start3A_180, %dma_start3A_181] : memref<25x2x128xi32, #tpu.memory_space<vmem>> -> memref<1x1x128xi32, #tpu.memory_space<vmem>>
          %dma_start3A_183 = tpu.memref_squeeze %dma_start3A_182 : memref<1x1x128xi32, #tpu.memory_space<vmem>> -> memref<128xi32, #tpu.memory_space<vmem>>
          %dma_start3A_184 = arith.constant 0 : i32
          %dma_start3A_185 = arith.constant 0 : i32
          %dma_start3A_186 = tpu.memref_slice %arg2[%dma_start3A_184, %dma_start3A_185] : memref<200192x32xf32, #tpu.memory_space<hbm>> -> memref<200192x32xf32, #tpu.memory_space<hbm>>
          tpu.enqueue_indirect_dma source(%dma_start3A_186 : memref<200192x32xf32, #tpu.memory_space<hbm>>) target(%arg8 : memref<128x32xf32, #tpu.memory_space<vmem>>) offsets(%dma_start3A_183 : memref<128xi32, #tpu.memory_space<vmem>>) semaphore(%arg15 : memref<!tpu.dma_semaphore, #tpu.memory_space<semaphore_mem>>)
        } else {
        }
        %mul3A_102 = arith.constant 5 : i32
        %mul3A_103 = arith.muli %mul3A_102, %scan3A_86 : i32
        %add3A_104 = arith.constant 1 : i32
        %add3A_105 = arith.addi %mul3A_103, %add3A_104 : i32
        %dma_wait3A_106 = arith.constant 1 : i32
        %dma_wait3A_107 = arith.constant 0 : i32
        %dma_wait3A_108 = tpu.memref_slice %arg6[%add3A_105, %dma_wait3A_106, %dma_wait3A_107] : memref<25x2x128xi32, #tpu.memory_space<vmem>> -> memref<1x1x128xi32, #tpu.memory_space<vmem>>
        %dma_wait3A_109 = tpu.memref_squeeze %dma_wait3A_108 : memref<1x1x128xi32, #tpu.memory_space<vmem>> -> memref<128xi32, #tpu.memory_space<vmem>>
        %dma_wait3A_110 = arith.constant 0 : i32
        %dma_wait3A_111 = arith.constant 0 : i32
        %dma_wait3A_112 = tpu.memref_slice %arg2[%dma_wait3A_110, %dma_wait3A_111] : memref<200192x32xf32, #tpu.memory_space<hbm>> -> memref<200192x32xf32, #tpu.memory_space<hbm>>
        tpu.wait_indirect_dma semaphore(%arg16 : memref<!tpu.dma_semaphore, #tpu.memory_space<semaphore_mem>>) src(%dma_wait3A_112 : memref<200192x32xf32, #tpu.memory_space<hbm>>) dst(%arg9 : memref<128x32xf32, #tpu.memory_space<vmem>>)
        %run_scoped3A_113 = arith.constant 0 : i32
        "tpu.region"() ({
          %run_scoped3A_178 = tpu.sem_alloc : memref<!tpu.dma_semaphore, #tpu.memory_space<semaphore_mem>>
          %dma_start3A_179 = arith.constant 0 : i32
          %dma_start3A_180 = tpu.memref_slice %arg6[%add3A_105, %run_scoped3A_113, %dma_start3A_179] : memref<25x2x128xi32, #tpu.memory_space<vmem>> -> memref<1x1x128xi32, #tpu.memory_space<vmem>>
          %dma_start3A_181 = tpu.memref_squeeze %dma_start3A_180 : memref<1x1x128xi32, #tpu.memory_space<vmem>> -> memref<128xi32, #tpu.memory_space<vmem>>
          %dma_start3A_182 = arith.constant 0 : i32
          %dma_start3A_183 = arith.constant 0 : i32
          %dma_start3A_184 = tpu.memref_slice %arg14[%dma_start3A_182, %dma_start3A_183] : memref<50000x32xf32, #tpu.memory_space<vmem_shared>> -> memref<50000x32xf32, #tpu.memory_space<vmem_shared>>
          tpu.enqueue_indirect_dma source(%arg9 : memref<128x32xf32, #tpu.memory_space<vmem>>) target(%dma_start3A_184 : memref<50000x32xf32, #tpu.memory_space<vmem_shared>>) offsets(%dma_start3A_181 : memref<128xi32, #tpu.memory_space<vmem>>) semaphore(%run_scoped3A_178 : memref<!tpu.dma_semaphore, #tpu.memory_space<semaphore_mem>>) {add = true}
          %dma_wait3A_185 = arith.constant 0 : i32
          %dma_wait3A_186 = tpu.memref_slice %arg6[%add3A_105, %run_scoped3A_113, %dma_wait3A_185] : memref<25x2x128xi32, #tpu.memory_space<vmem>> -> memref<1x1x128xi32, #tpu.memory_space<vmem>>
          %dma_wait3A_187 = tpu.memref_squeeze %dma_wait3A_186 : memref<1x1x128xi32, #tpu.memory_space<vmem>> -> memref<128xi32, #tpu.memory_space<vmem>>
          %dma_wait3A_188 = arith.constant 0 : i32
          %dma_wait3A_189 = arith.constant 0 : i32
          %dma_wait3A_190 = tpu.memref_slice %arg14[%dma_wait3A_188, %dma_wait3A_189] : memref<50000x32xf32, #tpu.memory_space<vmem_shared>> -> memref<50000x32xf32, #tpu.memory_space<vmem_shared>>
          tpu.wait_indirect_dma semaphore(%run_scoped3A_178 : memref<!tpu.dma_semaphore, #tpu.memory_space<semaphore_mem>>) src(%arg9 : memref<128x32xf32, #tpu.memory_space<vmem>>) dst(%dma_wait3A_190 : memref<50000x32xf32, #tpu.memory_space<vmem_shared>>)
          tpu.yield
        }) : () -> ()
        %add3A_114 = arith.constant 5 : i32
        %add3A_115 = arith.addi %add3A_105, %add3A_114 : i32
        %lt3A_116 = arith.constant 25 : i32
        %lt3A_117 = arith.cmpi slt, %add3A_115, %lt3A_116 : i32
        %convert_element_type3A_118 = arith.extui %lt3A_117 : i1 to i32
        %cond3A_119 = arith.constant 0 : i32
        %cond3A_120 = arith.cmpi ne, %convert_element_type3A_118, %cond3A_119 : i32
        scf.if %cond3A_120 {
          %add3A_178 = arith.constant 5 : i32
          %add3A_179 = arith.addi %add3A_105, %add3A_178 : i32
          %dma_start3A_180 = arith.constant 1 : i32
          %dma_start3A_181 = arith.constant 0 : i32
          %dma_start3A_182 = tpu.memref_slice %arg6[%add3A_179, %dma_start3A_180, %dma_start3A_181] : memref<25x2x128xi32, #tpu.memory_space<vmem>> -> memref<1x1x128xi32, #tpu.memory_space<vmem>>
          %dma_start3A_183 = tpu.memref_squeeze %dma_start3A_182 : memref<1x1x128xi32, #tpu.memory_space<vmem>> -> memref<128xi32, #tpu.memory_space<vmem>>
          %dma_start3A_184 = arith.constant 0 : i32
          %dma_start3A_185 = arith.constant 0 : i32
          %dma_start3A_186 = tpu.memref_slice %arg2[%dma_start3A_184, %dma_start3A_185] : memref<200192x32xf32, #tpu.memory_space<hbm>> -> memref<200192x32xf32, #tpu.memory_space<hbm>>
          tpu.enqueue_indirect_dma source(%dma_start3A_186 : memref<200192x32xf32, #tpu.memory_space<hbm>>) target(%arg9 : memref<128x32xf32, #tpu.memory_space<vmem>>) offsets(%dma_start3A_183 : memref<128xi32, #tpu.memory_space<vmem>>) semaphore(%arg16 : memref<!tpu.dma_semaphore, #tpu.memory_space<semaphore_mem>>)
        } else {
        }
        %mul3A_121 = arith.constant 5 : i32
        %mul3A_122 = arith.muli %mul3A_121, %scan3A_86 : i32
        %add3A_123 = arith.constant 2 : i32
        %add3A_124 = arith.addi %mul3A_122, %add3A_123 : i32
        %dma_wait3A_125 = arith.constant 1 : i32
        %dma_wait3A_126 = arith.constant 0 : i32
        %dma_wait3A_127 = tpu.memref_slice %arg6[%add3A_124, %dma_wait3A_125, %dma_wait3A_126] : memref<25x2x128xi32, #tpu.memory_space<vmem>> -> memref<1x1x128xi32, #tpu.memory_space<vmem>>
        %dma_wait3A_128 = tpu.memref_squeeze %dma_wait3A_127 : memref<1x1x128xi32, #tpu.memory_space<vmem>> -> memref<128xi32, #tpu.memory_space<vmem>>
        %dma_wait3A_129 = arith.constant 0 : i32
        %dma_wait3A_130 = arith.constant 0 : i32
        %dma_wait3A_131 = tpu.memref_slice %arg2[%dma_wait3A_129, %dma_wait3A_130] : memref<200192x32xf32, #tpu.memory_space<hbm>> -> memref<200192x32xf32, #tpu.memory_space<hbm>>
        tpu.wait_indirect_dma semaphore(%arg17 : memref<!tpu.dma_semaphore, #tpu.memory_space<semaphore_mem>>) src(%dma_wait3A_131 : memref<200192x32xf32, #tpu.memory_space<hbm>>) dst(%arg10 : memref<128x32xf32, #tpu.memory_space<vmem>>)
        %run_scoped3A_132 = arith.constant 0 : i32
        "tpu.region"() ({
          %run_scoped3A_178 = tpu.sem_alloc : memref<!tpu.dma_semaphore, #tpu.memory_space<semaphore_mem>>
          %dma_start3A_179 = arith.constant 0 : i32
          %dma_start3A_180 = tpu.memref_slice %arg6[%add3A_124, %run_scoped3A_132, %dma_start3A_179] : memref<25x2x128xi32, #tpu.memory_space<vmem>> -> memref<1x1x128xi32, #tpu.memory_space<vmem>>
          %dma_start3A_181 = tpu.memref_squeeze %dma_start3A_180 : memref<1x1x128xi32, #tpu.memory_space<vmem>> -> memref<128xi32, #tpu.memory_space<vmem>>
          %dma_start3A_182 = arith.constant 0 : i32
          %dma_start3A_183 = arith.constant 0 : i32
          %dma_start3A_184 = tpu.memref_slice %arg14[%dma_start3A_182, %dma_start3A_183] : memref<50000x32xf32, #tpu.memory_space<vmem_shared>> -> memref<50000x32xf32, #tpu.memory_space<vmem_shared>>
          tpu.enqueue_indirect_dma source(%arg10 : memref<128x32xf32, #tpu.memory_space<vmem>>) target(%dma_start3A_184 : memref<50000x32xf32, #tpu.memory_space<vmem_shared>>) offsets(%dma_start3A_181 : memref<128xi32, #tpu.memory_space<vmem>>) semaphore(%run_scoped3A_178 : memref<!tpu.dma_semaphore, #tpu.memory_space<semaphore_mem>>) {add = true}
          %dma_wait3A_185 = arith.constant 0 : i32
          %dma_wait3A_186 = tpu.memref_slice %arg6[%add3A_124, %run_scoped3A_132, %dma_wait3A_185] : memref<25x2x128xi32, #tpu.memory_space<vmem>> -> memref<1x1x128xi32, #tpu.memory_space<vmem>>
          %dma_wait3A_187 = tpu.memref_squeeze %dma_wait3A_186 : memref<1x1x128xi32, #tpu.memory_space<vmem>> -> memref<128xi32, #tpu.memory_space<vmem>>
          %dma_wait3A_188 = arith.constant 0 : i32
          %dma_wait3A_189 = arith.constant 0 : i32
          %dma_wait3A_190 = tpu.memref_slice %arg14[%dma_wait3A_188, %dma_wait3A_189] : memref<50000x32xf32, #tpu.memory_space<vmem_shared>> -> memref<50000x32xf32, #tpu.memory_space<vmem_shared>>
          tpu.wait_indirect_dma semaphore(%run_scoped3A_178 : memref<!tpu.dma_semaphore, #tpu.memory_space<semaphore_mem>>) src(%arg10 : memref<128x32xf32, #tpu.memory_space<vmem>>) dst(%dma_wait3A_190 : memref<50000x32xf32, #tpu.memory_space<vmem_shared>>)
          tpu.yield
        }) : () -> ()
        %add3A_133 = arith.constant 5 : i32
        %add3A_134 = arith.addi %add3A_124, %add3A_133 : i32
        %lt3A_135 = arith.constant 25 : i32
        %lt3A_136 = arith.cmpi slt, %add3A_134, %lt3A_135 : i32
        %convert_element_type3A_137 = arith.extui %lt3A_136 : i1 to i32
        %cond3A_138 = arith.constant 0 : i32
        %cond3A_139 = arith.cmpi ne, %convert_element_type3A_137, %cond3A_138 : i32
        scf.if %cond3A_139 {
          %add3A_178 = arith.constant 5 : i32
          %add3A_179 = arith.addi %add3A_124, %add3A_178 : i32
          %dma_start3A_180 = arith.constant 1 : i32
          %dma_start3A_181 = arith.constant 0 : i32
          %dma_start3A_182 = tpu.memref_slice %arg6[%add3A_179, %dma_start3A_180, %dma_start3A_181] : memref<25x2x128xi32, #tpu.memory_space<vmem>> -> memref<1x1x128xi32, #tpu.memory_space<vmem>>
          %dma_start3A_183 = tpu.memref_squeeze %dma_start3A_182 : memref<1x1x128xi32, #tpu.memory_space<vmem>> -> memref<128xi32, #tpu.memory_space<vmem>>
          %dma_start3A_184 = arith.constant 0 : i32
          %dma_start3A_185 = arith.constant 0 : i32
          %dma_start3A_186 = tpu.memref_slice %arg2[%dma_start3A_184, %dma_start3A_185] : memref<200192x32xf32, #tpu.memory_space<hbm>> -> memref<200192x32xf32, #tpu.memory_space<hbm>>
          tpu.enqueue_indirect_dma source(%dma_start3A_186 : memref<200192x32xf32, #tpu.memory_space<hbm>>) target(%arg10 : memref<128x32xf32, #tpu.memory_space<vmem>>) offsets(%dma_start3A_183 : memref<128xi32, #tpu.memory_space<vmem>>) semaphore(%arg17 : memref<!tpu.dma_semaphore, #tpu.memory_space<semaphore_mem>>)
        } else {
        }
        %mul3A_140 = arith.constant 5 : i32
        %mul3A_141 = arith.muli %mul3A_140, %scan3A_86 : i32
        %add3A_142 = arith.constant 3 : i32
        %add3A_143 = arith.addi %mul3A_141, %add3A_142 : i32
        %dma_wait3A_144 = arith.constant 1 : i32
        %dma_wait3A_145 = arith.constant 0 : i32
        %dma_wait3A_146 = tpu.memref_slice %arg6[%add3A_143, %dma_wait3A_144, %dma_wait3A_145] : memref<25x2x128xi32, #tpu.memory_space<vmem>> -> memref<1x1x128xi32, #tpu.memory_space<vmem>>
        %dma_wait3A_147 = tpu.memref_squeeze %dma_wait3A_146 : memref<1x1x128xi32, #tpu.memory_space<vmem>> -> memref<128xi32, #tpu.memory_space<vmem>>
        %dma_wait3A_148 = arith.constant 0 : i32
        %dma_wait3A_149 = arith.constant 0 : i32
        %dma_wait3A_150 = tpu.memref_slice %arg2[%dma_wait3A_148, %dma_wait3A_149] : memref<200192x32xf32, #tpu.memory_space<hbm>> -> memref<200192x32xf32, #tpu.memory_space<hbm>>
        tpu.wait_indirect_dma semaphore(%arg18 : memref<!tpu.dma_semaphore, #tpu.memory_space<semaphore_mem>>) src(%dma_wait3A_150 : memref<200192x32xf32, #tpu.memory_space<hbm>>) dst(%arg11 : memref<128x32xf32, #tpu.memory_space<vmem>>)
        %run_scoped3A_151 = arith.constant 0 : i32
        "tpu.region"() ({
          %run_scoped3A_178 = tpu.sem_alloc : memref<!tpu.dma_semaphore, #tpu.memory_space<semaphore_mem>>
          %dma_start3A_179 = arith.constant 0 : i32
          %dma_start3A_180 = tpu.memref_slice %arg6[%add3A_143, %run_scoped3A_151, %dma_start3A_179] : memref<25x2x128xi32, #tpu.memory_space<vmem>> -> memref<1x1x128xi32, #tpu.memory_space<vmem>>
          %dma_start3A_181 = tpu.memref_squeeze %dma_start3A_180 : memref<1x1x128xi32, #tpu.memory_space<vmem>> -> memref<128xi32, #tpu.memory_space<vmem>>
          %dma_start3A_182 = arith.constant 0 : i32
          %dma_start3A_183 = arith.constant 0 : i32
          %dma_start3A_184 = tpu.memref_slice %arg14[%dma_start3A_182, %dma_start3A_183] : memref<50000x32xf32, #tpu.memory_space<vmem_shared>> -> memref<50000x32xf32, #tpu.memory_space<vmem_shared>>
          tpu.enqueue_indirect_dma source(%arg11 : memref<128x32xf32, #tpu.memory_space<vmem>>) target(%dma_start3A_184 : memref<50000x32xf32, #tpu.memory_space<vmem_shared>>) offsets(%dma_start3A_181 : memref<128xi32, #tpu.memory_space<vmem>>) semaphore(%run_scoped3A_178 : memref<!tpu.dma_semaphore, #tpu.memory_space<semaphore_mem>>) {add = true}
          %dma_wait3A_185 = arith.constant 0 : i32
          %dma_wait3A_186 = tpu.memref_slice %arg6[%add3A_143, %run_scoped3A_151, %dma_wait3A_185] : memref<25x2x128xi32, #tpu.memory_space<vmem>> -> memref<1x1x128xi32, #tpu.memory_space<vmem>>
          %dma_wait3A_187 = tpu.memref_squeeze %dma_wait3A_186 : memref<1x1x128xi32, #tpu.memory_space<vmem>> -> memref<128xi32, #tpu.memory_space<vmem>>
          %dma_wait3A_188 = arith.constant 0 : i32
          %dma_wait3A_189 = arith.constant 0 : i32
          %dma_wait3A_190 = tpu.memref_slice %arg14[%dma_wait3A_188, %dma_wait3A_189] : memref<50000x32xf32, #tpu.memory_space<vmem_shared>> -> memref<50000x32xf32, #tpu.memory_space<vmem_shared>>
          tpu.wait_indirect_dma semaphore(%run_scoped3A_178 : memref<!tpu.dma_semaphore, #tpu.memory_space<semaphore_mem>>) src(%arg11 : memref<128x32xf32, #tpu.memory_space<vmem>>) dst(%dma_wait3A_190 : memref<50000x32xf32, #tpu.memory_space<vmem_shared>>)
          tpu.yield
        }) : () -> ()
        %add3A_152 = arith.constant 5 : i32
        %add3A_153 = arith.addi %add3A_143, %add3A_152 : i32
        %lt3A_154 = arith.constant 25 : i32
        %lt3A_155 = arith.cmpi slt, %add3A_153, %lt3A_154 : i32
        %convert_element_type3A_156 = arith.extui %lt3A_155 : i1 to i32
        %cond3A_157 = arith.constant 0 : i32
        %cond3A_158 = arith.cmpi ne, %convert_element_type3A_156, %cond3A_157 : i32
        scf.if %cond3A_158 {
          %add3A_178 = arith.constant 5 : i32
          %add3A_179 = arith.addi %add3A_143, %add3A_178 : i32
          %dma_start3A_180 = arith.constant 1 : i32
          %dma_start3A_181 = arith.constant 0 : i32
          %dma_start3A_182 = tpu.memref_slice %arg6[%add3A_179, %dma_start3A_180, %dma_start3A_181] : memref<25x2x128xi32, #tpu.memory_space<vmem>> -> memref<1x1x128xi32, #tpu.memory_space<vmem>>
          %dma_start3A_183 = tpu.memref_squeeze %dma_start3A_182 : memref<1x1x128xi32, #tpu.memory_space<vmem>> -> memref<128xi32, #tpu.memory_space<vmem>>
          %dma_start3A_184 = arith.constant 0 : i32
          %dma_start3A_185 = arith.constant 0 : i32
          %dma_start3A_186 = tpu.memref_slice %arg2[%dma_start3A_184, %dma_start3A_185] : memref<200192x32xf32, #tpu.memory_space<hbm>> -> memref<200192x32xf32, #tpu.memory_space<hbm>>
          tpu.enqueue_indirect_dma source(%dma_start3A_186 : memref<200192x32xf32, #tpu.memory_space<hbm>>) target(%arg11 : memref<128x32xf32, #tpu.memory_space<vmem>>) offsets(%dma_start3A_183 : memref<128xi32, #tpu.memory_space<vmem>>) semaphore(%arg18 : memref<!tpu.dma_semaphore, #tpu.memory_space<semaphore_mem>>)
        } else {
        }
        %mul3A_159 = arith.constant 5 : i32
        %mul3A_160 = arith.muli %mul3A_159, %scan3A_86 : i32
        %add3A_161 = arith.constant 4 : i32
        %add3A_162 = arith.addi %mul3A_160, %add3A_161 : i32
        %dma_wait3A_163 = arith.constant 1 : i32
        %dma_wait3A_164 = arith.constant 0 : i32
        %dma_wait3A_165 = tpu.memref_slice %arg6[%add3A_162, %dma_wait3A_163, %dma_wait3A_164] : memref<25x2x128xi32, #tpu.memory_space<vmem>> -> memref<1x1x128xi32, #tpu.memory_space<vmem>>
        %dma_wait3A_166 = tpu.memref_squeeze %dma_wait3A_165 : memref<1x1x128xi32, #tpu.memory_space<vmem>> -> memref<128xi32, #tpu.memory_space<vmem>>
        %dma_wait3A_167 = arith.constant 0 : i32
        %dma_wait3A_168 = arith.constant 0 : i32
        %dma_wait3A_169 = tpu.memref_slice %arg2[%dma_wait3A_167, %dma_wait3A_168] : memref<200192x32xf32, #tpu.memory_space<hbm>> -> memref<200192x32xf32, #tpu.memory_space<hbm>>
        tpu.wait_indirect_dma semaphore(%arg19 : memref<!tpu.dma_semaphore, #tpu.memory_space<semaphore_mem>>) src(%dma_wait3A_169 : memref<200192x32xf32, #tpu.memory_space<hbm>>) dst(%arg12 : memref<128x32xf32, #tpu.memory_space<vmem>>)
        %run_scoped3A_170 = arith.constant 0 : i32
        "tpu.region"() ({
          %run_scoped3A_178 = tpu.sem_alloc : memref<!tpu.dma_semaphore, #tpu.memory_space<semaphore_mem>>
          %dma_start3A_179 = arith.constant 0 : i32
          %dma_start3A_180 = tpu.memref_slice %arg6[%add3A_162, %run_scoped3A_170, %dma_start3A_179] : memref<25x2x128xi32, #tpu.memory_space<vmem>> -> memref<1x1x128xi32, #tpu.memory_space<vmem>>
          %dma_start3A_181 = tpu.memref_squeeze %dma_start3A_180 : memref<1x1x128xi32, #tpu.memory_space<vmem>> -> memref<128xi32, #tpu.memory_space<vmem>>
          %dma_start3A_182 = arith.constant 0 : i32
          %dma_start3A_183 = arith.constant 0 : i32
          %dma_start3A_184 = tpu.memref_slice %arg14[%dma_start3A_182, %dma_start3A_183] : memref<50000x32xf32, #tpu.memory_space<vmem_shared>> -> memref<50000x32xf32, #tpu.memory_space<vmem_shared>>
          tpu.enqueue_indirect_dma source(%arg12 : memref<128x32xf32, #tpu.memory_space<vmem>>) target(%dma_start3A_184 : memref<50000x32xf32, #tpu.memory_space<vmem_shared>>) offsets(%dma_start3A_181 : memref<128xi32, #tpu.memory_space<vmem>>) semaphore(%run_scoped3A_178 : memref<!tpu.dma_semaphore, #tpu.memory_space<semaphore_mem>>) {add = true}
          %dma_wait3A_185 = arith.constant 0 : i32
          %dma_wait3A_186 = tpu.memref_slice %arg6[%add3A_162, %run_scoped3A_170, %dma_wait3A_185] : memref<25x2x128xi32, #tpu.memory_space<vmem>> -> memref<1x1x128xi32, #tpu.memory_space<vmem>>
          %dma_wait3A_187 = tpu.memref_squeeze %dma_wait3A_186 : memref<1x1x128xi32, #tpu.memory_space<vmem>> -> memref<128xi32, #tpu.memory_space<vmem>>
          %dma_wait3A_188 = arith.constant 0 : i32
          %dma_wait3A_189 = arith.constant 0 : i32
          %dma_wait3A_190 = tpu.memref_slice %arg14[%dma_wait3A_188, %dma_wait3A_189] : memref<50000x32xf32, #tpu.memory_space<vmem_shared>> -> memref<50000x32xf32, #tpu.memory_space<vmem_shared>>
          tpu.wait_indirect_dma semaphore(%run_scoped3A_178 : memref<!tpu.dma_semaphore, #tpu.memory_space<semaphore_mem>>) src(%arg12 : memref<128x32xf32, #tpu.memory_space<vmem>>) dst(%dma_wait3A_190 : memref<50000x32xf32, #tpu.memory_space<vmem_shared>>)
          tpu.yield
        }) : () -> ()
        %add3A_171 = arith.constant 5 : i32
        %add3A_172 = arith.addi %add3A_162, %add3A_171 : i32
        %lt3A_173 = arith.constant 25 : i32
        %lt3A_174 = arith.cmpi slt, %add3A_172, %lt3A_173 : i32
        %convert_element_type3A_175 = arith.extui %lt3A_174 : i1 to i32
        %cond3A_176 = arith.constant 0 : i32
        %cond3A_177 = arith.cmpi ne, %convert_element_type3A_175, %cond3A_176 : i32
        scf.if %cond3A_177 {
          %add3A_178 = arith.constant 5 : i32
          %add3A_179 = arith.addi %add3A_162, %add3A_178 : i32
          %dma_start3A_180 = arith.constant 1 : i32
          %dma_start3A_181 = arith.constant 0 : i32
          %dma_start3A_182 = tpu.memref_slice %arg6[%add3A_179, %dma_start3A_180, %dma_start3A_181] : memref<25x2x128xi32, #tpu.memory_space<vmem>> -> memref<1x1x128xi32, #tpu.memory_space<vmem>>
          %dma_start3A_183 = tpu.memref_squeeze %dma_start3A_182 : memref<1x1x128xi32, #tpu.memory_space<vmem>> -> memref<128xi32, #tpu.memory_space<vmem>>
          %dma_start3A_184 = arith.constant 0 : i32
          %dma_start3A_185 = arith.constant 0 : i32
          %dma_start3A_186 = tpu.memref_slice %arg2[%dma_start3A_184, %dma_start3A_185] : memref<200192x32xf32, #tpu.memory_space<hbm>> -> memref<200192x32xf32, #tpu.memory_space<hbm>>
          tpu.enqueue_indirect_dma source(%dma_start3A_186 : memref<200192x32xf32, #tpu.memory_space<hbm>>) target(%arg12 : memref<128x32xf32, #tpu.memory_space<vmem>>) offsets(%dma_start3A_183 : memref<128xi32, #tpu.memory_space<vmem>>) semaphore(%arg19 : memref<!tpu.dma_semaphore, #tpu.memory_space<semaphore_mem>>)
        } else {
        }
      }
      %scan3A_85 = arith.constant 5 : i32
    }
    %barrier3A_30 = arith.constant 0 : index
    tpu.barrier barrier_id(%barrier3A_30)
    "tpu.region"() ({
      %run_scoped3A = tpu.sem_alloc : memref<!tpu.dma_semaphore, #tpu.memory_space<semaphore_mem>>
      %dma_start3A = arith.constant 0 : i32
      %dma_start3A_31 = tpu.memref_slice %arg5[%arg0, %mul3A_8, %dma_start3A] : memref<2x50000x32xf32, #tpu.memory_space<hbm>> -> memref<1x3125x32xf32, #tpu.memory_space<hbm>>
      %dma_start3A_32 = tpu.memref_squeeze %dma_start3A_31 : memref<1x3125x32xf32, #tpu.memory_space<hbm>> -> memref<3125x32xf32, #tpu.memory_space<hbm>>
      %dma_start3A_33 = arith.constant 0 : i32
      %dma_start3A_34 = tpu.memref_slice %arg14[%mul3A_8, %dma_start3A_33] : memref<50000x32xf32, #tpu.memory_space<vmem_shared>> -> memref<3125x32xf32, #tpu.memory_space<vmem_shared>>
      tpu.enqueue_dma source(%dma_start3A_34 : memref<3125x32xf32, #tpu.memory_space<vmem_shared>>) target(%dma_start3A_32 : memref<3125x32xf32, #tpu.memory_space<hbm>>) target_semaphore(%run_scoped3A : memref<!tpu.dma_semaphore, #tpu.memory_space<semaphore_mem>>)
      %dma_wait3A = arith.constant 0 : i32
      %dma_wait3A_35 = tpu.memref_slice %arg5[%arg0, %mul3A_8, %dma_wait3A] : memref<2x50000x32xf32, #tpu.memory_space<hbm>> -> memref<1x3125x32xf32, #tpu.memory_space<hbm>>
      %dma_wait3A_36 = tpu.memref_squeeze %dma_wait3A_35 : memref<1x3125x32xf32, #tpu.memory_space<hbm>> -> memref<3125x32xf32, #tpu.memory_space<hbm>>
      %dma_wait3A_37 = arith.constant 0 : i32
      %dma_wait3A_38 = tpu.memref_slice %arg14[%mul3A_8, %dma_wait3A_37] : memref<50000x32xf32, #tpu.memory_space<vmem_shared>> -> memref<3125x32xf32, #tpu.memory_space<vmem_shared>>
      tpu.wait_dma2 semaphore(%run_scoped3A : memref<!tpu.dma_semaphore, #tpu.memory_space<semaphore_mem>>) src(%dma_wait3A_38 : memref<3125x32xf32, #tpu.memory_space<vmem_shared>>) dst(%dma_wait3A_36 : memref<3125x32xf32, #tpu.memory_space<hbm>>)
      tpu.yield
    }) : () -> ()
    return
  }
}

module attributes {stable_mosaic.version = 14 : i64} {
  func.func @_xw_body(%arg0: i32, %arg1: memref<32x2176xf32, #tpu.memory_space<vmem>>, %arg2: memref<32x128xf32, #tpu.memory_space<vmem>>, %arg3: memref<1x128xf32, #tpu.memory_space<vmem>>, %arg4: memref<2176x128xf32, #tpu.memory_space<vmem>>) attributes {dimension_semantics = [#tpu.dimension_semantics<arbitrary>], iteration_bounds = array<i64: 23>, scalar_prefetch = 0 : i64, scratch_operands = 0 : i64, tpu.core_type = #tpu.core_type<tc>, window_params = [{transform_indices = @transform_0, window_bounds = array<i64: 32, 2176>}, {pipeline_mode = #tpu.pipeline_mode<synchronous>, transform_indices = @transform_1, window_bounds = array<i64: 32, 128>}, {pipeline_mode = #tpu.pipeline_mode<synchronous>, transform_indices = @transform_2, window_bounds = array<i64: 1, 128>}, {transform_indices = @transform_3, window_bounds = array<i64: 2176, 128>}]} {
    %get3A = arith.constant 0 : index
    %get3A_0 = arith.constant 0 : index
    %get3A_1 = vector.load %arg1[%get3A, %get3A_0] : memref<32x2176xf32, #tpu.memory_space<vmem>>, vector<32x2176xf32>
    %get3A_2 = arith.constant 0 : index
    %get3A_3 = arith.constant 0 : index
    %get3A_4 = vector.load %arg2[%get3A_2, %get3A_3] : memref<32x128xf32, #tpu.memory_space<vmem>>, vector<32x128xf32>
    %dot_general3A = arith.constant dense<0.000000e+00> : vector<2176x128xf32>
    %dot_general3A_5 = tpu.matmul %get3A_1, %get3A_4, %dot_general3A {dimension_numbers = #tpu.dot_dimension_numbers<[0], [0], [1], [1], [0, 1, 1, 1], [], []>, transpose_lhs_hint = false} : vector<32x2176xf32>, vector<32x128xf32>, vector<2176x128xf32> -> vector<2176x128xf32>
    %get3A_6 = arith.constant 0 : index
    %get3A_7 = arith.constant 0 : index
    %get3A_8 = vector.load %arg3[%get3A_6, %get3A_7] : memref<1x128xf32, #tpu.memory_space<vmem>>, vector<1x128xf32>
    %add3A = vector.broadcast %get3A_8 : vector<1x128xf32> to vector<2176x128xf32>
    %add3A_9 = arith.addf %dot_general3A_5, %add3A : vector<2176x128xf32>
    %swap3A = arith.constant 0 : index
    %swap3A_10 = arith.constant 0 : index
    %swap3A_11 = vector.load %arg4[%swap3A, %swap3A_10] : memref<2176x128xf32, #tpu.memory_space<vmem>>, vector<2176x128xf32>
    tpu.vector_store %arg4[%swap3A, %swap3A_10], %add3A_9 {strides = array<i32>} : memref<2176x128xf32, #tpu.memory_space<vmem>>, vector<2176x128xf32>,
    return
  }
  func.func @transform_0(%arg0: i32) -> (i32, i32) {
    %c0_i32 = arith.constant 0 : i32
    %c0_i32_0 = arith.constant 0 : i32
    return %c0_i32, %arg0 : i32, i32
  }
  func.func @transform_1(%arg0: i32) -> (i32, i32) {
    %c0_i32 = arith.constant 0 : i32
    %c0_i32_0 = arith.constant 0 : i32
    %c0_i32_1 = arith.constant 0 : i32
    return %c0_i32, %c0_i32_0 : i32, i32
  }
  func.func @transform_2(%arg0: i32) -> (i32, i32) {
    %c0_i32 = arith.constant 0 : i32
    %c0_i32_0 = arith.constant 0 : i32
    %c0_i32_1 = arith.constant 0 : i32
    return %c0_i32, %c0_i32_0 : i32, i32
  }
  func.func @transform_3(%arg0: i32) -> (i32, i32) {
    %c0_i32 = arith.constant 0 : i32
    %c0_i32_0 = arith.constant 0 : i32
    return %arg0, %c0_i32 : i32, i32
  }
}

</mosaic_0001>

<sc_bundles>
// kernel: kernel.5.cloned.1.call-start
scs
__scs_entry_jumppad:
0x0: {  	(pc) =	sbr.rel $0x88, $3  }
0x1: {  	(tag) =	ssettag $0x0;
	lr =	simm.s32 $0x1  }
0x2: {  	[smem:$0x3F9C] =	sst lr;
	_ =	strace $0xD0000000  }
0x3: {  	_ = 	snop  }
0x4: {  	_ = 	snop  }
0x5: {  	_ = 	snop  }
0x6: {  	_ = 	snop  }
0x7: {  	_ = 	snop  }
__scs_overlays_trampoline_lowered:
0x8: {  	[smem:$0x3FAB] =	sst s0  }
0x9: {  	[smem:$0x3FAC] =	sst s1  }
0xa: {  	[smem:$0x3FAD] =	sst s2  }
0xb: {  	[smem:$0x3FAE] =	sst s3  }
0xc: {  	[smem:$0x3FAF] =	sst s4  }
0xd: {  	[smem:$0x3FB0] =	sst s5  }
0xe: {  	[smem:$0x3FB1] =	sst s6  }
0xf: {  	[smem:$0x3FB2] =	sst s7  }
0x10: {  	[smem:$0x3FB3] =	sst s8  }
0x11: {  	[smem:$0x3FB4] =	sst s9;
	s0 =	simm.s32 @!p0 $0x0  }
0x12: {  	s1 =	sld [smem:$0x3F9A];
	s0 =	simm.s32 @p0 $0x1  }
0x13: {  	[smem:$0x3FB5] =	sst s0;
	s0 =	simm.s32 @!p1 $0x0  }
0x14: {  	s2 =	sld [smem:$0x3F99];
	s0 =	simm.s32 @p1 $0x1  }
0x15: {  	[smem:$0x3FB6] =	sst s0;
	s0 =	simm.s32 @!p2 $0x0  }
0x16: {  	s3 =	sld [smem:$0x3FDB];
	s0 =	simm.s32 @p2 $0x1  }
0x17: {  	s4 =	simm.s32 $0x1BF5;
	[smem:$0x3FB8] =	sst s0  }
0x18: {  	s0 =	sld [smem:$0x3F9B];
	_ =	swait.ge [sflag:s4], $0x0  }
0x19: {  	s7 =	sld [smem:$0x3F9C]  }
0x1a: {  	s8 =	sadd.s32 $0xFFFFE003, lr  }
0x1b: {  	s9 =	sadd.s32 $0xFFFFFEF7, lr;
	s5 =	simm.s32 $0xFFFFFFFF;
	p2 =	slt.u32 s8, $0xFFFFF086  }
0x1c: {  	p1 =	slt.u32 s9, $0xF7A;
	s5 =	simm.s32 @!p2 $0x0  }
0x1d: {  	s5 =	simm.s32 @p1 $0x1;
	p0 =	seq.s32 s7, s2  }
0x1e: {  	s7 =	smul.u32 @!p0 $0xF7A, s2;
	p2 =	seq.s32 @!p0 s5, $0x0  }
0x1f: {  	s9 =	smul.u32 $0xF7A, s1;
	s8 =	simm.s32 @!p0 $0x1BF5;
	p2 =	por !p2, p0  }
0x20: {  	[sflag:s8] =	ssyncset.s32 @!p0 $0xFFFFF086;
	s6 =	sadd.s32 @!p0 s3, s7;
	s7 =	simm.s32 @!p0 $0x108  }
0x21: {  	s3 =	sadd.s32 s3, s9;
	s6 =	sadd.s32 @!p0 $0x88, s6;
	s7 =	simm.s32 @p2 $0x1082  }
0x22: {  	[simem:s7], [sflag:s8] =	dma.local @!p0 [hbm:s6], $0xF7A  }
0x23: {  	s9 =	sor.u32 $0xD0000000, s2;
	s6 =	simm.s32 $0x108;
	_ =	swait.ge @!p0 [sflag:s8], $0x0  }
0x24: {  	s3 =	sadd.s32 $0x88, s3;
	s6 =	simm.s32 @!p1 $0x1082;
	[sflag:s4] =	ssyncset.s32 $0xFFFFF086  }
0x25: {  	[simem:s6], [sflag:s4] =	dma.local [hbm:s3], $0xF7A  }
0x26: {  	[smem:$0x3F9C] =	sst s1;
	(tag) =	ssettag s2;
	_ =	strace s9  }
0x27: {  	s1 =	sld [smem:$0x3FAC]  }
0x28: {  	s2 =	sld [smem:$0x3FAD]  }
0x29: {  	s4 =	sld [smem:$0x3FAF]  }
0x2a: {  	p0 =	seq.s32 s5, $0x0;
	s5 =	sld [smem:$0x3FB0]  }
0x2b: {  	s6 =	sld [smem:$0x3FB1]  }
0x2c: {  	s7 =	sld [smem:$0x3FB2]  }
0x2d: {  	s3 =	simm.s32 $0x108;
	s8 =	sld [smem:$0x3FB3]  }
0x2e: {  	s3 =	simm.s32 @!p0 $0x1082;
	s9 =	sld [smem:$0x3FB4]  }
0x2f: {  	lr =	sadd.s32 s0, s3;
	s0 =	sld [smem:$0x3FAB]  }
0x30: {  	s3 =	sld [smem:$0x3FAE]  }
0x31: {  	[smem:$0x3FB7] =	sst s10  }
0x32: {  	s10 =	sld [smem:$0x3FB5];
	_ =	sdelay $0x3  }
0x33: {  	p0 =	seq.s32 s10, $0x1;
	s10 =	sld [smem:$0x3FB7];
	_ =	sdelay $0x3  }
0x34: {  	[smem:$0x3FB7] =	sst s10  }
0x35: {  	s10 =	sld [smem:$0x3FB6];
	_ =	sdelay $0x3  }
0x36: {  	p1 =	seq.s32 s10, $0x1;
	s10 =	sld [smem:$0x3FB7];
	_ =	sdelay $0x3  }
0x37: {  	[smem:$0x3FB7] =	sst s10  }
0x38: {  	s10 =	sld [smem:$0x3FB8]  }
0x39: {  	_ = 	snop;
	(pc) =	sbr.ind lr, $3  }
0x3a: {  	_ = 	snop  }
0x3b: {  	_ = 	snop  }
0x3c: {  	p2 =	seq.s32 s10, $0x1;
	s10 =	sld [smem:$0x3FB7]  }
0x3d: {  	_ =	shalt  }
0x3e: {  	_ =	shalt  }
0x3f: {  	_ =	shalt  }
0x40: {  	_ =	shalt  }
0x41: {  	_ =	shalt  }
0x42: {  	_ =	shalt  }
0x43: {  	_ =	shalt  }
0x44: {  	_ =	shalt  }
0x45: {  	_ =	shalt  }
0x46: {  	_ =	shalt  }
0x47: {  	_ =	shalt  }
0x48: {  	_ =	shalt  }
0x49: {  	_ =	shalt  }
0x4a: {  	_ =	shalt  }
0x4b: {  	_ =	shalt  }
0x4c: {  	_ =	shalt  }
0x4d: {  	_ =	shalt  }
0x4e: {  	_ =	shalt  }
0x4f: {  	_ =	shalt  }
0x50: {  	_ =	shalt  }
0x51: {  	_ =	shalt  }
0x52: {  	_ =	shalt  }
0x53: {  	_ =	shalt  }
0x54: {  	_ =	shalt  }
0x55: {  	_ =	shalt  }
0x56: {  	_ =	shalt  }
0x57: {  	_ =	shalt  }
0x58: {  	_ =	shalt  }
0x59: {  	_ =	shalt  }
0x5a: {  	_ =	shalt  }
0x5b: {  	_ =	shalt  }
0x5c: {  	_ =	shalt  }
0x5d: {  	_ =	shalt  }
0x5e: {  	_ =	shalt  }
0x5f: {  	_ =	shalt  }
0x60: {  	_ =	shalt  }
0x61: {  	_ =	shalt  }
0x62: {  	_ =	shalt  }
0x63: {  	_ =	shalt  }
0x64: {  	_ =	shalt  }
0x65: {  	_ =	shalt  }
0x66: {  	_ =	shalt  }
0x67: {  	_ =	shalt  }
0x68: {  	_ =	shalt  }
0x69: {  	_ =	shalt  }
0x6a: {  	_ =	shalt  }
0x6b: {  	_ =	shalt  }
0x6c: {  	_ =	shalt  }
0x6d: {  	_ =	shalt  }
0x6e: {  	_ =	shalt  }
0x6f: {  	_ =	shalt  }
0x70: {  	_ =	shalt  }
0x71: {  	_ =	shalt  }
0x72: {  	_ =	shalt  }
0x73: {  	_ =	shalt  }
0x74: {  	_ =	shalt  }
0x75: {  	_ =	shalt  }
0x76: {  	_ =	shalt  }
0x77: {  	_ =	shalt  }
0x78: {  	_ =	shalt  }
0x79: {  	_ =	shalt  }
0x7a: {  	_ =	shalt  }
0x7b: {  	_ =	shalt  }
0x7c: {  	_ =	shalt  }
0x7d: {  	_ =	shalt  }
0x7e: {  	_ =	shalt  }
0x7f: {  	_ =	shalt  }
0x80: {  	_ =	shalt  }
0x81: {  	_ =	shalt  }
0x82: {  	_ =	shalt  }
0x83: {  	_ =	shalt  }
0x84: {  	_ =	shalt  }
0x85: {  	_ =	shalt  }
0x86: {  	_ =	shalt  }
0x87: {  	_ =	shalt  }
.Lfunc_end0:
.L_simem_size_0:
called_computation_lowered:
.L_overlay_start_0:
0x88: {  	s2 =	sld [smem:$0x3FD9]  }
0x89: {  	s3 =	sld [smem:$0x3FFE];
	_ =	sdelay $0x1  }
0x8a: {  	s1 =	srdreg.scid  }
0x8b: {  	s0 =	sand.u32 $0x1, s1  }
0x8c: {  	s17 =	sshll.u32 s0, $0xA;
	s2 =	sadd.s32 s3, s2  }
0x8d: {  	s2 =	sadd.s32 s2, s17  }
0x8e: {  	[smem:$0x3FC3] =	sst s2  }
0x8f: {  	_ = 	snop  }
0x90: {  	s2 =	sld [smem:$0x3FC7]  }
0x91: {  	s18 =	sld [smem:$0x3FD0];
	(tm) =	ssettm $0x1  }
0x92: {  	s4 =	sld [smem:$0x3FFB];
	_ =	sdelay $0x3  }
0x93: {  	_ =	strace s4  }
0x94: {  	s4 =	sld [smem:$0x3FFC];
	_ =	sdelay $0x3  }
0x95: {  	_ =	strace s4  }
0x96: {  	s4 =	sld [smem:$0x3FFD];
	_ =	sdelay $0x3  }
0x97: {  	_ =	strace s4  }
0x98: {  	_ =	strace $0x8FFFFFFF  }
0x99: {  	s19 =	sld [smem:$0x3FDB];
	_ =	sdelay $0x1  }
0x9a: {  	s5 =	simm.s32 $_scs_section_size  }
0x9b: {  	s6 =	simm.s32 $_size__tile_overlayer_lowered;
	s7 =	simm.s32 $_tile_overlayer_lowered  }
0x9c: {  	s22 =	simm.s32 $0x1BFF;
	s21 =	sshll.u32 s7, $0x1;
	s4 =	sadd.s32 s5, s19  }
0x9d: {  	s8 =	simm.s32 $0x0;
	s20 =	sshll.u32 s6, $0x1;
	s6 =	sadd.s32 s21, s4  }
0x9e: {  	[timem:s8], [sflag:s22] =	dma.local [hbm:s6], s20  }
0x9f: {  	_ =	swait.ge [sflag:s22], s20  }
0xa0: {  	s5 =	ssub.s32 $0x0, s20;
	[sflag:s22] =	ssyncset.done $0x0  }
0xa1: {  	[sflag:s22] =	ssyncadd.s32 s5;
	_ =	sdelay $0x1  }
0xa2: {  	s23 =	simm.s32 $0x1B8B  }
0xa3: {  	_ =	swait.ge [sflag:s23], $0x1  }
0xa4: {  	[sflag:s23] =	ssyncset.done $0x0  }
0xa5: {  	s25 =	simm.s32 $0x1B8E;
	s24 =	sld [smem:$0x3FFE];
	[sflag:s23] =	ssyncadd.s32 $0xFFFFFFFF  }
0xa6: {  	s26 =	simm.s32 $execute0_lowered;
	[smem:$0x3FD2] =	sst s25  }
0xa7: {  	s6 =	sshll.u32 s26, $0x1;
	_ =	strace $0x80000046;
	[dreg:$0x1] =	wrdreg $0xFFFFFFFF  }
0xa8: {  	s28 =	simm.s32 $_size_execute0_lowered;
	s4 =	sadd.s32 s4, s6;
	[dreg:$0x0] =	wrdreg $0x0  }
0xa9: {  	s6 =	sshll.u32 s28, $0x1;
	[dreg:$0x2] =	wrdreg s4  }
0xaa: {  	[dreg:$0x3] =	wrdreg s6  }
0xab: {  	[dreg:$0x4] =	wrdreg $0xC0  }
0xac: {  	_ =	task [dreg:s8], $0x5FFFF  }
0xad: {  	[dreg:$0x1] =	wrdreg $0xFFFFFFFF  }
0xae: {  	[dreg:$0x0] =	wrdreg $0x60  }
0xaf: {  	[dreg:$0x2] =	wrdreg s24  }
0xb0: {  	[dreg:$0x3] =	wrdreg s18  }
0xb1: {  	[dreg:$0x4] =	wrdreg s2  }
0xb2: {  	[dreg:$0x5] =	wrdreg $0x78A00  }
0xb3: {  	[dreg:$0x6] =	wrdreg $0x9  }
0xb4: {  	_ =	task.clear_ibuf [dreg:s8], $0x7FFFF;
	_ =	strace $0x90000046  }
0xb5: {  	s29 =	simm.s32 $0x9;
	_ =	strace $0x80000048  }
0xb6: {  	_ =	swait.ge [sflag:s29], $0x1  }
0xb7: {  	[sflag:s29] =	ssyncadd.s32 $0xFFFFFFFF  }
0xb8: {  	_ =	strace $0x90000048  }
0xb9: {  	_ =	sfence  }
0xba: {  	s30 =	sld [smem:$0x0];
	_ =	sdelay $0x2  }
0xbb: {  	s31 =	sshll.u32 s1, $0xD;
	s1 =	sshrl.u32 s1, $0x2  }
0xbc: {  	s3 =	sand.u32 $0x4000, s31;
	s1 =	sadd.s32 s1, s30  }
0xbd: {  	s0 =	sor.u32 s3, s0;
	s1 =	sshll.u32 s1, $0x11  }
0xbe: {  	s0 =	sor.u32 s1, s0  }
0xbf: {  	s0 =	sadd.s32 $0x8F2B, s0  }
0xc0: {  	[sflag:s0] =	ssyncadd.remote.s32 $0x1  }
0xc1: {  	_ =	sfence.sel $0xFFFF  }
0xc2: {  	[dreg:$0x0] =	wrdreg $0xFFFFFFFF;
	(pc) =	sbr.abs _section_cstart, $3  }
0xc3: {  	[dreg:$0x1] =	wrdreg $0xFFFFFFFF  }
0xc4: {  	_ =	task.clear_ibuf [dreg:s8], $0x2FFFF;
	_ =	strace $0x9FFFFFFF  }
0xc5: {  	(tm) =	ssettm $0x7FFFFFFF  }
tec
execute0_lowered:
.L_overlay_start_1:
0x0: {  	(tag) =	ssettag $0x1  }
0x1: {  	s0 =	rddreg [dreg:$0x0]  }
0x2: {  	s1 =	srdreg.scid;
	s4 =	rddreg [dreg:$0x3]  }
0x3: {  	s10 =	stileid.u32;
	s5 =	simm.s32 $0x0;
	s7 =	simm.s32 $0x8  }
0x4: {  	s12 =	simm.s32 $0x7580;
	s13 =	simm.s32 $0x6;
	s15 =	simm.s32 $0x80  }
0x5: {  	s16 =	simm.s32 $0x2580;
	s18 =	simm.s32 $0x3580;
	s20 =	simm.s32 $0x4580  }
0x6: {  	s29 =	simm.s32 $0x2;
	s21 =	simm.s32 $0x1300;
	s28 =	simm.s32 $0x1400  }
0x7: {  	s30 =	simm.s32 $0x1500;
	s31 =	simm.s32 $0x1600;
	s3 =	smul.u32 $0x186A0, s10  }
0x8: {  	s1 =	sand.u32 $0x1, s1;
	[smem:$0x7FF] =	sst s5;
	s25 =	smul.u32 $0x61A80, s10  }
0x9: {  	s6 =	sadd.s32 $0x1000, s0;
	s5 =	simm.s32 $0x0;
	s2 =	smul.u32 $0x186A00, s1  }
0xa: {  	_ =	strace $0x80000047;
	s22 =	sshll.u32 s1, $0x4;
	s1 =	ssub.s32 $0x2, s1  }
0xb: {  	s23 =	sor.u32 s10, s22;
	s24 =	sshrl.u32 s1, $0x1;
	s26 =	sadd.s32 s3, s4  }
0xc: {  	s22 =	simm.s32 $0x5580;
	s10 =	simm.s32 $0x4;
	s2 =	sadd.s32 s3, s2  }
0xd: {  	s8 =	smul.u32 $0x7, s23;
	s9 =	smin.u32 s23, $0x1A;
	p0 =	slt.u32 s23, $0x1A  }
0xe: {  	s1 =	ssub.s32 s1, s24;
	s24 =	simm.s32 $0x6580;
	s3 =	simm.s32 $0x5  }
0xf: {  	s23 =	simm.s32 $0x1880;
	s2 =	sshrl.u32 s2, $0x3;
	s7 =	simm.s32 @!p0 $0x7  }
0x10: {  	s1 =	smax.u32 s1, $0x1;
	s0 =	sadd.s32 s2, s0;
	s8 =	sadd.s32 s9, s8  }
0x11: {  	s2 =	sshrl.u32 s25, $0x2;
	[dreg:$0x6] =	wrdreg s1;
	s1 =	simm.s32 $0x3  }
0x12: {  	s9 =	simm.s32 $0x1800;
	s25 =	simm.s32 $0x0;
	s0 =	sadd.s32 $0xC4800, s0  }
0x13: {  	s11 =	sadd.s32 s2, s4;
	[dreg:$0x5] =	wrdreg s0;
	s0 =	sshrl.u32 s26, $0x3  }
0x14: {  	v0 =	vimm.f32 $0.0e+00;
	s2 =	simm.s32 $0x1700;
	s26 =	simm.s32 $0x1;
	[dreg:$0x7] =	wrdreg s0  }
.LBB2_1:
0x15: {  	[tilespmem:$0x7580] =	vst v0  }
0x16: {  	[tilespmem:$0x7590] =	vst v0  }
0x17: {  	[tilespmem:$0x75A0] =	vst v0  }
0x18: {  	[tilespmem:$0x75B0] =	vst v0  }
0x19: {  	[tilespmem:$0x75C0] =	vst v0  }
0x1a: {  	[tilespmem:$0x75D0] =	vst v0  }
0x1b: {  	[tilespmem:$0x75E0] =	vst v0  }
0x1c: {  	[tilespmem:$0x75F0] =	vst v0  }
0x1d: {  	[tilespmem:$0x7600] =	vst v0  }
0x1e: {  	[tilespmem:$0x7610] =	vst v0  }
0x1f: {  	[tilespmem:$0x7620] =	vst v0  }
0x20: {  	[tilespmem:$0x7630] =	vst v0  }
0x21: {  	[tilespmem:$0x7640] =	vst v0  }
0x22: {  	[tilespmem:$0x7650] =	vst v0  }
0x23: {  	[tilespmem:$0x7660] =	vst v0  }
0x24: {  	[tilespmem:$0x7670] =	vst v0  }
0x25: {  	[tilespmem:$0x7680] =	vst v0  }
0x26: {  	[tilespmem:$0x7690] =	vst v0  }
0x27: {  	[tilespmem:$0x76A0] =	vst v0  }
0x28: {  	[tilespmem:$0x76B0] =	vst v0  }
0x29: {  	[tilespmem:$0x76C0] =	vst v0  }
0x2a: {  	[tilespmem:$0x76D0] =	vst v0  }
0x2b: {  	[tilespmem:$0x76E0] =	vst v0  }
0x2c: {  	[tilespmem:$0x76F0] =	vst v0  }
0x2d: {  	[tilespmem:$0x7700] =	vst v0  }
0x2e: {  	[tilespmem:$0x7710] =	vst v0  }
0x2f: {  	[tilespmem:$0x7720] =	vst v0  }
0x30: {  	[tilespmem:$0x7730] =	vst v0  }
0x31: {  	[tilespmem:$0x7740] =	vst v0  }
0x32: {  	[tilespmem:$0x7750] =	vst v0  }
0x33: {  	[tilespmem:$0x7760] =	vst v0  }
0x34: {  	[tilespmem:$0x7770] =	vst v0  }
0x35: {  	[tilespmem:$0x7780] =	vst v0  }
0x36: {  	[tilespmem:$0x7790] =	vst v0  }
0x37: {  	[tilespmem:$0x77A0] =	vst v0  }
0x38: {  	[tilespmem:$0x77B0] =	vst v0  }
0x39: {  	[tilespmem:$0x77C0] =	vst v0  }
0x3a: {  	[tilespmem:$0x77D0] =	vst v0  }
0x3b: {  	[tilespmem:$0x77E0] =	vst v0  }
0x3c: {  	[tilespmem:$0x77F0] =	vst v0  }
0x3d: {  	[tilespmem:$0x7800] =	vst v0  }
0x3e: {  	[tilespmem:$0x7810] =	vst v0  }
0x3f: {  	[tilespmem:$0x7820] =	vst v0  }
0x40: {  	[tilespmem:$0x7830] =	vst v0  }
0x41: {  	[tilespmem:$0x7840] =	vst v0  }
0x42: {  	[tilespmem:$0x7850] =	vst v0  }
0x43: {  	[tilespmem:$0x7860] =	vst v0  }
0x44: {  	[tilespmem:$0x7870] =	vst v0  }
0x45: {  	[tilespmem:$0x7880] =	vst v0  }
0x46: {  	[dreg:$0x8] =	wrdreg s5;
	[tilespmem:$0x7890] =	vst v0;
	s0 =	sadd.s32 $0x0, s11  }
0x47: {  	[spmem:s0] =	stream.linear.scatter [tilespmem:s12], [sflag:$0x6], $0x320, $0x38;
	[tilespmem:$0x1FF40] =	vst v63  }
0x48: {  	s0 =	simm.s32 $0xC80;
	_ =	swait.ge [sflag:s13], $0x320  }
.LBB2_2:
0x49: {  	s5 =	sshra.s32 s0, $0x2;
	[sflag:s13] =	ssyncset.done $0x0;
	p0 =	sne.s32 s0, $0x60E00  }
.Ltmp0:
0x4a: {  	s5 =	sadd.s32 s5, s11;
	[sflag:s13] =	ssyncadd.s32 $0xFFFFFCE0;
	(pc) =	sbr.rel @p0 .LBB2_2-.Ltmp0, $3  }
0x4b: {  	[spmem:s5] =	stream.linear.scatter [tilespmem:s12], [sflag:$0x6], $0x320, $0x38;
	[tilespmem:$0x1FF40] =	vst v63  }
0x4c: {  	s0 =	sadd.s32 $0xC80, s0;
	_ =	sdelay $0x1  }
0x4d: {  	_ =	swait.ge [sflag:s13], $0x320  }
0x4e: {  	[sflag:s13] =	ssyncset.done $0x0  }
0x4f: {  	[sflag:s13] =	ssyncadd.s32 $0xFFFFFCE0  }
0x50: {  	s0 =	simm.s32 $0x0;
	[bflag:$0x0] =	sbarrier.arrive $0xFFFF  }
.LBB2_4:
0x51: {  	s5 =	sadd.s32 s0, s8  }
0x52: {  	s14 =	smul.u32 $0x320, s5  }
0x53: {  	s17 =	rddreg [dreg:$0x1]  }
0x54: {  	s14 =	sadd.s32 s17, s14  }
0x55: {  	[tilespmem:s25], [sflag:$0x6] =	stream.linear.gather [hbm4b:s14+s25], $0x1900, $0x38;
	[tilespmem:$0x1FF40] =	vst v63  }
0x56: {  	_ =	swait.ge [sflag:s13], $0x1900  }
0x57: {  	[sflag:s13] =	ssyncset.done $0x0  }
0x58: {  	s5 =	smul.u32 $0x190, s5;
	[sflag:s13] =	ssyncadd.s32 $0xFFFFE700  }
0x59: {  	s17 =	rddreg [dreg:$0x2]  }
0x5a: {  	s19 =	simm.s32 $0x1900;
	s5 =	sadd.s32 s17, s5  }
0x5b: {  	[tilespmem:s19], [sflag:$0x6] =	stream.linear.gather [hbm4b:s5+s25], $0xC80, $0x38;
	[tilespmem:$0x1FF40] =	vst v63  }
0x5c: {  	_ =	swait.ge [sflag:s13], $0xC80  }
0x5d: {  	[sflag:s13] =	ssyncset.done $0x0  }
0x5e: {  	s5 =	simm.s32 $0xF0;
	[sflag:s13] =	ssyncadd.s32 $0xFFFFF380  }
0x5f: {  	s14 =	simm.s32 $0xF0;
	s17 =	simm.s32 $0x0;
	s19 =	simm.s32 $0x200;
	v1 =	vld [tilespmem:s5+$0xFFFFFF90]  }
.LBB2_5:
0x60: {  	p0 =	sne.s32 s19, $0x3000;
	v2 =	vld [tilespmem:s17+$0x1900];
	_ =	sdelay $0x3  }
0x61: {  	v1 =	vshll.u32 v1, $0x2  }
0x62: {  	v1 =	vadd.s32 v2, v1  }
0x63: {  	[tilespmem:s5+$0xFFFFFF90] =	vst v1;
	v1 =	vld [tilespmem:s5+$0xFFFFFFA0]  }
0x64: {  	v2 =	vld [tilespmem:s17+$0x1910];
	_ =	sdelay $0x3  }
0x65: {  	v1 =	vshll.u32 v1, $0x2  }
0x66: {  	v1 =	vadd.s32 v2, v1  }
0x67: {  	[tilespmem:s5+$0xFFFFFFA0] =	vst v1;
	v1 =	vld [tilespmem:s5+$0xFFFFFFB0]  }
0x68: {  	v2 =	vld [tilespmem:s17+$0x1920];
	_ =	sdelay $0x3  }
0x69: {  	v1 =	vshll.u32 v1, $0x2  }
0x6a: {  	v1 =	vadd.s32 v2, v1  }
0x6b: {  	[tilespmem:s5+$0xFFFFFFB0] =	vst v1;
	v1 =	vld [tilespmem:s5+$0xFFFFFFC0]  }
0x6c: {  	v2 =	vld [tilespmem:s17+$0x1930];
	_ =	sdelay $0x3  }
0x6d: {  	v1 =	vshll.u32 v1, $0x2  }
0x6e: {  	v1 =	vadd.s32 v2, v1  }
0x6f: {  	[tilespmem:s5+$0xFFFFFFC0] =	vst v1;
	v1 =	vld [tilespmem:s5+$0xFFFFFFD0]  }
0x70: {  	v2 =	vld [tilespmem:s17+$0x1940];
	_ =	sdelay $0x3  }
0x71: {  	v1 =	vshll.u32 v1, $0x2  }
0x72: {  	v1 =	vadd.s32 v2, v1  }
0x73: {  	[tilespmem:s5+$0xFFFFFFD0] =	vst v1;
	v1 =	vld [tilespmem:s5+$0xFFFFFFE0]  }
0x74: {  	v2 =	vld [tilespmem:s17+$0x1950];
	_ =	sdelay $0x3  }
0x75: {  	v1 =	vshll.u32 v1, $0x2  }
0x76: {  	v1 =	vadd.s32 v2, v1  }
0x77: {  	[tilespmem:s5+$0xFFFFFFE0] =	vst v1;
	v1 =	vld [tilespmem:s5+$0xFFFFFFF0]  }
0x78: {  	v2 =	vld [tilespmem:s17+$0x1960];
	_ =	sdelay $0x3  }
0x79: {  	v1 =	vshll.u32 v1, $0x2  }
0x7a: {  	v1 =	vadd.s32 v2, v1  }
0x7b: {  	[tilespmem:s5+$0xFFFFFFF0] =	vst v1;
	v1 =	vld [tilespmem:s5+$0x0]  }
0x7c: {  	v2 =	vld [tilespmem:s17+$0x1970];
	_ =	sdelay $0x1  }
.Ltmp1:
0x7d: {  	(pc) =	sbr.rel @p0 .LBB2_5-.Ltmp1, $4  }
0x7e: {  	_ = 	snop  }
0x7f: {  	v1 =	vshll.u32 v1, $0x2  }
0x80: {  	s5 =	sadd.s32 $0x100, s5;
	v2 =	vadd.s32 v2, v1  }
0x81: {  	s17 =	sshra.s32 s19, $0x2;
	s19 =	sadd.s32 $0x200, s19;
	v1 =	vld [tilespmem:s5+$0xFFFFFF90];
	[tilespmem:s14+$0x0] =	vst v2;
	s14 =	smov.u32 s5  }
0x82: {  	v2 =	vld [tilespmem:s17+$0x1900];
	_ =	sdelay $0x3  }
0x83: {  	v1 =	vshll.u32 v1, $0x2  }
0x84: {  	v1 =	vadd.s32 v2, v1  }
0x85: {  	[tilespmem:s5+$0xFFFFFF90] =	vst v1;
	v1 =	vld [tilespmem:s5+$0xFFFFFFA0]  }
0x86: {  	v2 =	vld [tilespmem:s17+$0x1910];
	_ =	sdelay $0x3  }
0x87: {  	v1 =	vshll.u32 v1, $0x2  }
0x88: {  	v1 =	vadd.s32 v2, v1  }
0x89: {  	[tilespmem:s5+$0xFFFFFFA0] =	vst v1;
	v1 =	vld [tilespmem:s5+$0xFFFFFFB0]  }
0x8a: {  	v2 =	vld [tilespmem:s17+$0x1920];
	_ =	sdelay $0x3  }
0x8b: {  	v1 =	vshll.u32 v1, $0x2  }
0x8c: {  	v1 =	vadd.s32 v2, v1  }
0x8d: {  	[tilespmem:s5+$0xFFFFFFB0] =	vst v1;
	v1 =	vld [tilespmem:s5+$0xFFFFFFC0]  }
0x8e: {  	v2 =	vld [tilespmem:s17+$0x1930];
	_ =	sdelay $0x3  }
0x8f: {  	v1 =	vshll.u32 v1, $0x2  }
0x90: {  	v1 =	vadd.s32 v2, v1  }
0x91: {  	[tilespmem:s5+$0xFFFFFFC0] =	vst v1;
	v1 =	vld [tilespmem:s5+$0xFFFFFFD0]  }
0x92: {  	v2 =	vld [tilespmem:s17+$0x1940];
	_ =	sdelay $0x3  }
0x93: {  	v1 =	vshll.u32 v1, $0x2  }
0x94: {  	v1 =	vadd.s32 v2, v1  }
0x95: {  	[tilespmem:s5+$0xFFFFFFD0] =	vst v1;
	v1 =	vld [tilespmem:s5+$0xFFFFFFE0]  }
0x96: {  	v2 =	vld [tilespmem:s17+$0x1950];
	_ =	sdelay $0x3  }
0x97: {  	v1 =	vshll.u32 v1, $0x2  }
0x98: {  	v1 =	vadd.s32 v2, v1  }
0x99: {  	[tilespmem:s5+$0xFFFFFFE0] =	vst v1;
	v1 =	vld [tilespmem:s5+$0xFFFFFFF0]  }
0x9a: {  	v2 =	vld [tilespmem:s17+$0x1960];
	_ =	sdelay $0x3  }
0x9b: {  	v1 =	vshll.u32 v1, $0x2  }
0x9c: {  	v1 =	vadd.s32 v2, v1  }
0x9d: {  	[tilespmem:s5+$0xFFFFFFF0] =	vst v1;
	v1 =	vld [tilespmem:s5+$0x0]  }
0x9e: {  	v2 =	vld [tilespmem:s17+$0x1970];
	_ =	sdelay $0x3  }
0x9f: {  	v1 =	vshll.u32 v1, $0x2  }
0xa0: {  	v1 =	vadd.s32 v2, v1  }
0xa1: {  	[tilespmem:s14+$0x0] =	vst v1  }
0xa2: {  	[tilespmem:s16], [sflag:$0x1] =	stream.indirect.gather [hbm4b:s6+s15], $0x20, s15, s15, $0xb8;
	[tilespmem:$0x1FF40] =	vst v63  }
0xa3: {  	s14 =	simm.s32 $0x180  }
0xa4: {  	[tilespmem:s18], [sflag:$0x2] =	stream.indirect.gather [hbm4b:s6+s15], $0x20, s14, s15, $0xb8;
	[tilespmem:$0x1FF40] =	vst v63  }
0xa5: {  	s17 =	simm.s32 $0x280  }
0xa6: {  	[tilespmem:s20], [sflag:$0x3] =	stream.indirect.gather [hbm4b:s6+s15], $0x20, s17, s15, $0xb8;
	[tilespmem:$0x1FF40] =	vst v63  }
0xa7: {  	s19 =	simm.s32 $0x380  }
0xa8: {  	[tilespmem:s22], [sflag:$0x4] =	stream.indirect.gather [hbm4b:s6+s15], $0x20, s19, s15, $0xb8;
	[tilespmem:$0x1FF40] =	vst v63  }
0xa9: {  	s14 =	simm.s32 $0x480  }
0xaa: {  	[tilespmem:s24], [sflag:$0x5] =	stream.indirect.gather [hbm4b:s6+s15], $0x20, s14, s15, $0xb8;
	[tilespmem:$0x1FF40] =	vst v63  }
0xab: {  	_ =	swait.ge [sflag:s26], $0x1000  }
0xac: {  	[sflag:s26] =	ssyncset.done $0x0  }
0xad: {  	s17 =	simm.s32 $0x0;
	[sflag:s26] =	ssyncadd.s32 $0xFFFFF000  }
0xae: {  	[spmem:s4] =	stream.indirect.scatter.add.f32 [tilespmem:s16], [sflag:$0x6], $0x20, s17, s15, $0xb8;
	[tilespmem:$0x1FF40] =	vst v63  }
0xaf: {  	_ =	swait.ge [sflag:s13], $0x1000  }
0xb0: {  	[sflag:s13] =	ssyncset.done $0x0  }
0xb1: {  	s19 =	simm.s32 $0x580;
	[sflag:s13] =	ssyncadd.s32 $0xFFFFF000  }
0xb2: {  	[tilespmem:s16], [sflag:$0x1] =	stream.indirect.gather [hbm4b:s6+s15], $0x20, s19, s15, $0xb8;
	[tilespmem:$0x1FF40] =	vst v63  }
0xb3: {  	_ =	swait.ge [sflag:s29], $0x1000  }
0xb4: {  	[sflag:s29] =	ssyncset.done $0x0  }
0xb5: {  	s14 =	simm.s32 $0x100;
	[sflag:s29] =	ssyncadd.s32 $0xFFFFF000  }
0xb6: {  	[spmem:s4] =	stream.indirect.scatter.add.f32 [tilespmem:s18], [sflag:$0x6], $0x20, s14, s15, $0xb8;
	[tilespmem:$0x1FF40] =	vst v63  }
0xb7: {  	_ =	swait.ge [sflag:s13], $0x1000  }
0xb8: {  	[sflag:s13] =	ssyncset.done $0x0  }
0xb9: {  	s17 =	simm.s32 $0x680;
	[sflag:s13] =	ssyncadd.s32 $0xFFFFF000  }
0xba: {  	[tilespmem:s18], [sflag:$0x2] =	stream.indirect.gather [hbm4b:s6+s15], $0x20, s17, s15, $0xb8;
	[tilespmem:$0x1FF40] =	vst v63  }
0xbb: {  	_ =	swait.ge [sflag:s1], $0x1000  }
0xbc: {  	[sflag:s1] =	ssyncset.done $0x0  }
0xbd: {  	s19 =	simm.s32 $0x200;
	[sflag:s1] =	ssyncadd.s32 $0xFFFFF000  }
0xbe: {  	[spmem:s4] =	stream.indirect.scatter.add.f32 [tilespmem:s20], [sflag:$0x6], $0x20, s19, s15, $0xb8;
	[tilespmem:$0x1FF40] =	vst v63  }
0xbf: {  	_ =	swait.ge [sflag:s13], $0x1000  }
0xc0: {  	[sflag:s13] =	ssyncset.done $0x0  }
0xc1: {  	s14 =	simm.s32 $0x780;
	[sflag:s13] =	ssyncadd.s32 $0xFFFFF000  }
0xc2: {  	[tilespmem:s20], [sflag:$0x3] =	stream.indirect.gather [hbm4b:s6+s15], $0x20, s14, s15, $0xb8;
	[tilespmem:$0x1FF40] =	vst v63  }
0xc3: {  	_ =	swait.ge [sflag:s10], $0x1000  }
0xc4: {  	[sflag:s10] =	ssyncset.done $0x0  }
0xc5: {  	s17 =	simm.s32 $0x300;
	[sflag:s10] =	ssyncadd.s32 $0xFFFFF000  }
0xc6: {  	[spmem:s4] =	stream.indirect.scatter.add.f32 [tilespmem:s22], [sflag:$0x6], $0x20, s17, s15, $0xb8;
	[tilespmem:$0x1FF40] =	vst v63  }
0xc7: {  	_ =	swait.ge [sflag:s13], $0x1000  }
0xc8: {  	[sflag:s13] =	ssyncset.done $0x0  }
0xc9: {  	s19 =	simm.s32 $0x880;
	[sflag:s13] =	ssyncadd.s32 $0xFFFFF000  }
0xca: {  	[tilespmem:s22], [sflag:$0x4] =	stream.indirect.gather [hbm4b:s6+s15], $0x20, s19, s15, $0xb8;
	[tilespmem:$0x1FF40] =	vst v63  }
0xcb: {  	_ =	swait.ge [sflag:s3], $0x1000  }
0xcc: {  	[sflag:s3] =	ssyncset.done $0x0  }
0xcd: {  	s14 =	simm.s32 $0x400;
	[sflag:s3] =	ssyncadd.s32 $0xFFFFF000  }
0xce: {  	[spmem:s4] =	stream.indirect.scatter.add.f32 [tilespmem:s24], [sflag:$0x6], $0x20, s14, s15, $0xb8;
	[tilespmem:$0x1FF40] =	vst v63  }
0xcf: {  	_ =	swait.ge [sflag:s13], $0x1000  }
0xd0: {  	[sflag:s13] =	ssyncset.done $0x0  }
0xd1: {  	s17 =	simm.s32 $0x980;
	[sflag:s13] =	ssyncadd.s32 $0xFFFFF000  }
0xd2: {  	[tilespmem:s24], [sflag:$0x5] =	stream.indirect.gather [hbm4b:s6+s15], $0x20, s17, s15, $0xb8;
	[tilespmem:$0x1FF40] =	vst v63  }
0xd3: {  	_ =	swait.ge [sflag:s26], $0x1000  }
0xd4: {  	[sflag:s26] =	ssyncset.done $0x0  }
0xd5: {  	s19 =	simm.s32 $0x500;
	[sflag:s26] =	ssyncadd.s32 $0xFFFFF000  }
0xd6: {  	[spmem:s4] =	stream.indirect.scatter.add.f32 [tilespmem:s16], [sflag:$0x6], $0x20, s19, s15, $0xb8;
	[tilespmem:$0x1FF40] =	vst v63  }
0xd7: {  	_ =	swait.ge [sflag:s13], $0x1000  }
0xd8: {  	[sflag:s13] =	ssyncset.done $0x0  }
0xd9: {  	s14 =	simm.s32 $0xA80;
	[sflag:s13] =	ssyncadd.s32 $0xFFFFF000  }
0xda: {  	[tilespmem:s16], [sflag:$0x1] =	stream.indirect.gather [hbm4b:s6+s15], $0x20, s14, s15, $0xb8;
	[tilespmem:$0x1FF40] =	vst v63  }
0xdb: {  	_ =	swait.ge [sflag:s29], $0x1000  }
0xdc: {  	[sflag:s29] =	ssyncset.done $0x0  }
0xdd: {  	s17 =	simm.s32 $0x600;
	[sflag:s29] =	ssyncadd.s32 $0xFFFFF000  }
0xde: {  	[spmem:s4] =	stream.indirect.scatter.add.f32 [tilespmem:s18], [sflag:$0x6], $0x20, s17, s15, $0xb8;
	[tilespmem:$0x1FF40] =	vst v63  }
0xdf: {  	_ =	swait.ge [sflag:s13], $0x1000  }
0xe0: {  	[sflag:s13] =	ssyncset.done $0x0  }
0xe1: {  	s19 =	simm.s32 $0xB80;
	[sflag:s13] =	ssyncadd.s32 $0xFFFFF000  }
0xe2: {  	[tilespmem:s18], [sflag:$0x2] =	stream.indirect.gather [hbm4b:s6+s15], $0x20, s19, s15, $0xb8;
	[tilespmem:$0x1FF40] =	vst v63  }
0xe3: {  	_ =	swait.ge [sflag:s1], $0x1000  }
0xe4: {  	[sflag:s1] =	ssyncset.done $0x0  }
0xe5: {  	s14 =	simm.s32 $0x700;
	[sflag:s1] =	ssyncadd.s32 $0xFFFFF000  }
0xe6: {  	[spmem:s4] =	stream.indirect.scatter.add.f32 [tilespmem:s20], [sflag:$0x6], $0x20, s14, s15, $0xb8;
	[tilespmem:$0x1FF40] =	vst v63  }
0xe7: {  	_ =	swait.ge [sflag:s13], $0x1000  }
0xe8: {  	[sflag:s13] =	ssyncset.done $0x0  }
0xe9: {  	s17 =	simm.s32 $0xC80;
	[sflag:s13] =	ssyncadd.s32 $0xFFFFF000  }
0xea: {  	[tilespmem:s20], [sflag:$0x3] =	stream.indirect.gather [hbm4b:s6+s15], $0x20, s17, s15, $0xb8;
	[tilespmem:$0x1FF40] =	vst v63  }
0xeb: {  	_ =	swait.ge [sflag:s10], $0x1000  }
0xec: {  	[sflag:s10] =	ssyncset.done $0x0  }
0xed: {  	s19 =	simm.s32 $0x800;
	[sflag:s10] =	ssyncadd.s32 $0xFFFFF000  }
0xee: {  	[spmem:s4] =	stream.indirect.scatter.add.f32 [tilespmem:s22], [sflag:$0x6], $0x20, s19, s15, $0xb8;
	[tilespmem:$0x1FF40] =	vst v63  }
0xef: {  	_ =	swait.ge [sflag:s13], $0x1000  }
0xf0: {  	[sflag:s13] =	ssyncset.done $0x0  }
0xf1: {  	s14 =	simm.s32 $0xD80;
	[sflag:s13] =	ssyncadd.s32 $0xFFFFF000  }
0xf2: {  	[tilespmem:s22], [sflag:$0x4] =	stream.indirect.gather [hbm4b:s6+s15], $0x20, s14, s15, $0xb8;
	[tilespmem:$0x1FF40] =	vst v63  }
0xf3: {  	_ =	swait.ge [sflag:s3], $0x1000  }
0xf4: {  	[sflag:s3] =	ssyncset.done $0x0  }
0xf5: {  	s17 =	simm.s32 $0x900;
	[sflag:s3] =	ssyncadd.s32 $0xFFFFF000  }
0xf6: {  	[spmem:s4] =	stream.indirect.scatter.add.f32 [tilespmem:s24], [sflag:$0x6], $0x20, s17, s15, $0xb8;
	[tilespmem:$0x1FF40] =	vst v63  }
0xf7: {  	_ =	swait.ge [sflag:s13], $0x1000  }
0xf8: {  	[sflag:s13] =	ssyncset.done $0x0  }
0xf9: {  	s19 =	simm.s32 $0xE80;
	[sflag:s13] =	ssyncadd.s32 $0xFFFFF000  }
0xfa: {  	[tilespmem:s24], [sflag:$0x5] =	stream.indirect.gather [hbm4b:s6+s15], $0x20, s19, s15, $0xb8;
	[tilespmem:$0x1FF40] =	vst v63  }
0xfb: {  	_ =	swait.ge [sflag:s26], $0x1000  }
0xfc: {  	[sflag:s26] =	ssyncset.done $0x0  }
0xfd: {  	s14 =	simm.s32 $0xA00;
	[sflag:s26] =	ssyncadd.s32 $0xFFFFF000  }
0xfe: {  	[spmem:s4] =	stream.indirect.scatter.add.f32 [tilespmem:s16], [sflag:$0x6], $0x20, s14, s15, $0xb8;
	[tilespmem:$0x1FF40] =	vst v63  }
0xff: {  	_ =	swait.ge [sflag:s13], $0x1000  }
0x100: {  	[sflag:s13] =	ssyncset.done $0x0  }
0x101: {  	s17 =	simm.s32 $0xF80;
	[sflag:s13] =	ssyncadd.s32 $0xFFFFF000  }
0x102: {  	[tilespmem:s16], [sflag:$0x1] =	stream.indirect.gather [hbm4b:s6+s15], $0x20, s17, s15, $0xb8;
	[tilespmem:$0x1FF40] =	vst v63  }
0x103: {  	_ =	swait.ge [sflag:s29], $0x1000  }
0x104: {  	[sflag:s29] =	ssyncset.done $0x0  }
0x105: {  	s19 =	simm.s32 $0xB00;
	[sflag:s29] =	ssyncadd.s32 $0xFFFFF000  }
0x106: {  	[spmem:s4] =	stream.indirect.scatter.add.f32 [tilespmem:s18], [sflag:$0x6], $0x20, s19, s15, $0xb8;
	[tilespmem:$0x1FF40] =	vst v63  }
0x107: {  	_ =	swait.ge [sflag:s13], $0x1000  }
0x108: {  	[sflag:s13] =	ssyncset.done $0x0  }
0x109: {  	s14 =	simm.s32 $0x1080;
	[sflag:s13] =	ssyncadd.s32 $0xFFFFF000  }
0x10a: {  	[tilespmem:s18], [sflag:$0x2] =	stream.indirect.gather [hbm4b:s6+s15], $0x20, s14, s15, $0xb8;
	[tilespmem:$0x1FF40] =	vst v63  }
0x10b: {  	_ =	swait.ge [sflag:s1], $0x1000  }
0x10c: {  	[sflag:s1] =	ssyncset.done $0x0  }
0x10d: {  	s17 =	simm.s32 $0xC00;
	[sflag:s1] =	ssyncadd.s32 $0xFFFFF000  }
0x10e: {  	[spmem:s4] =	stream.indirect.scatter.add.f32 [tilespmem:s20], [sflag:$0x6], $0x20, s17, s15, $0xb8;
	[tilespmem:$0x1FF40] =	vst v63  }
0x10f: {  	_ =	swait.ge [sflag:s13], $0x1000  }
0x110: {  	[sflag:s13] =	ssyncset.done $0x0  }
0x111: {  	s19 =	simm.s32 $0x1180;
	[sflag:s13] =	ssyncadd.s32 $0xFFFFF000  }
0x112: {  	[tilespmem:s20], [sflag:$0x3] =	stream.indirect.gather [hbm4b:s6+s15], $0x20, s19, s15, $0xb8;
	[tilespmem:$0x1FF40] =	vst v63  }
0x113: {  	_ =	swait.ge [sflag:s10], $0x1000  }
0x114: {  	[sflag:s10] =	ssyncset.done $0x0  }
0x115: {  	s14 =	simm.s32 $0xD00;
	[sflag:s10] =	ssyncadd.s32 $0xFFFFF000  }
0x116: {  	[spmem:s4] =	stream.indirect.scatter.add.f32 [tilespmem:s22], [sflag:$0x6], $0x20, s14, s15, $0xb8;
	[tilespmem:$0x1FF40] =	vst v63  }
0x117: {  	_ =	swait.ge [sflag:s13], $0x1000  }
0x118: {  	[sflag:s13] =	ssyncset.done $0x0  }
0x119: {  	s17 =	simm.s32 $0x1280;
	[sflag:s13] =	ssyncadd.s32 $0xFFFFF000  }
0x11a: {  	[tilespmem:s22], [sflag:$0x4] =	stream.indirect.gather [hbm4b:s6+s15], $0x20, s17, s15, $0xb8;
	[tilespmem:$0x1FF40] =	vst v63  }
0x11b: {  	_ =	swait.ge [sflag:s3], $0x1000  }
0x11c: {  	[sflag:s3] =	ssyncset.done $0x0  }
0x11d: {  	s19 =	simm.s32 $0xE00;
	[sflag:s3] =	ssyncadd.s32 $0xFFFFF000  }
0x11e: {  	[spmem:s4] =	stream.indirect.scatter.add.f32 [tilespmem:s24], [sflag:$0x6], $0x20, s19, s15, $0xb8;
	[tilespmem:$0x1FF40] =	vst v63  }
0x11f: {  	_ =	swait.ge [sflag:s13], $0x1000  }
0x120: {  	[sflag:s13] =	ssyncset.done $0x0  }
0x121: {  	s14 =	simm.s32 $0x1380;
	[sflag:s13] =	ssyncadd.s32 $0xFFFFF000  }
0x122: {  	[tilespmem:s24], [sflag:$0x5] =	stream.indirect.gather [hbm4b:s6+s15], $0x20, s14, s15, $0xb8;
	[tilespmem:$0x1FF40] =	vst v63  }
0x123: {  	_ =	swait.ge [sflag:s26], $0x1000  }
0x124: {  	[sflag:s26] =	ssyncset.done $0x0  }
0x125: {  	s17 =	simm.s32 $0xF00;
	[sflag:s26] =	ssyncadd.s32 $0xFFFFF000  }
0x126: {  	[spmem:s4] =	stream.indirect.scatter.add.f32 [tilespmem:s16], [sflag:$0x6], $0x20, s17, s15, $0xb8;
	[tilespmem:$0x1FF40] =	vst v63  }
0x127: {  	_ =	swait.ge [sflag:s13], $0x1000  }
0x128: {  	[sflag:s13] =	ssyncset.done $0x0  }
0x129: {  	s19 =	simm.s32 $0x1480;
	[sflag:s13] =	ssyncadd.s32 $0xFFFFF000  }
0x12a: {  	[tilespmem:s16], [sflag:$0x1] =	stream.indirect.gather [hbm4b:s6+s15], $0x20, s19, s15, $0xb8;
	[tilespmem:$0x1FF40] =	vst v63  }
0x12b: {  	_ =	swait.ge [sflag:s29], $0x1000  }
0x12c: {  	[sflag:s29] =	ssyncset.done $0x0  }
0x12d: {  	s14 =	simm.s32 $0x1000;
	[sflag:s29] =	ssyncadd.s32 $0xFFFFF000  }
0x12e: {  	[spmem:s4] =	stream.indirect.scatter.add.f32 [tilespmem:s18], [sflag:$0x6], $0x20, s14, s15, $0xb8;
	[tilespmem:$0x1FF40] =	vst v63  }
0x12f: {  	_ =	swait.ge [sflag:s13], $0x1000  }
0x130: {  	[sflag:s13] =	ssyncset.done $0x0  }
0x131: {  	s17 =	simm.s32 $0x1580;
	[sflag:s13] =	ssyncadd.s32 $0xFFFFF000  }
0x132: {  	[tilespmem:s18], [sflag:$0x2] =	stream.indirect.gather [hbm4b:s6+s15], $0x20, s17, s15, $0xb8;
	[tilespmem:$0x1FF40] =	vst v63  }
0x133: {  	_ =	swait.ge [sflag:s1], $0x1000  }
0x134: {  	[sflag:s1] =	ssyncset.done $0x0  }
0x135: {  	s19 =	simm.s32 $0x1100;
	[sflag:s1] =	ssyncadd.s32 $0xFFFFF000  }
0x136: {  	[spmem:s4] =	stream.indirect.scatter.add.f32 [tilespmem:s20], [sflag:$0x6], $0x20, s19, s15, $0xb8;
	[tilespmem:$0x1FF40] =	vst v63  }
0x137: {  	_ =	swait.ge [sflag:s13], $0x1000  }
0x138: {  	[sflag:s13] =	ssyncset.done $0x0  }
0x139: {  	s14 =	simm.s32 $0x1680;
	[sflag:s13] =	ssyncadd.s32 $0xFFFFF000  }
0x13a: {  	[tilespmem:s20], [sflag:$0x3] =	stream.indirect.gather [hbm4b:s6+s15], $0x20, s14, s15, $0xb8;
	[tilespmem:$0x1FF40] =	vst v63  }
0x13b: {  	_ =	swait.ge [sflag:s10], $0x1000  }
0x13c: {  	[sflag:s10] =	ssyncset.done $0x0  }
0x13d: {  	s17 =	simm.s32 $0x1200;
	[sflag:s10] =	ssyncadd.s32 $0xFFFFF000  }
0x13e: {  	[spmem:s4] =	stream.indirect.scatter.add.f32 [tilespmem:s22], [sflag:$0x6], $0x20, s17, s15, $0xb8;
	[tilespmem:$0x1FF40] =	vst v63  }
0x13f: {  	_ =	swait.ge [sflag:s13], $0x1000  }
0x140: {  	[sflag:s13] =	ssyncset.done $0x0  }
0x141: {  	s19 =	simm.s32 $0x1780;
	[sflag:s13] =	ssyncadd.s32 $0xFFFFF000  }
0x142: {  	[tilespmem:s22], [sflag:$0x4] =	stream.indirect.gather [hbm4b:s6+s15], $0x20, s19, s15, $0xb8;
	[tilespmem:$0x1FF40] =	vst v63  }
0x143: {  	_ =	swait.ge [sflag:s3], $0x1000  }
0x144: {  	[sflag:s3] =	ssyncset.done $0x0  }
0x145: {  	[sflag:s3] =	ssyncadd.s32 $0xFFFFF000  }
0x146: {  	[spmem:s4] =	stream.indirect.scatter.add.f32 [tilespmem:s24], [sflag:$0x6], $0x20, s21, s15, $0xb8;
	[tilespmem:$0x1FF40] =	vst v63  }
0x147: {  	_ =	swait.ge [sflag:s13], $0x1000  }
0x148: {  	[sflag:s13] =	ssyncset.done $0x0  }
0x149: {  	[sflag:s13] =	ssyncadd.s32 $0xFFFFF000  }
0x14a: {  	[tilespmem:s24], [sflag:$0x5] =	stream.indirect.gather [hbm4b:s6+s15], $0x20, s23, s15, $0xb8;
	[tilespmem:$0x1FF40] =	vst v63  }
0x14b: {  	_ =	swait.ge [sflag:s26], $0x1000  }
0x14c: {  	[sflag:s26] =	ssyncset.done $0x0  }
0x14d: {  	[sflag:s26] =	ssyncadd.s32 $0xFFFFF000  }
0x14e: {  	[spmem:s4] =	stream.indirect.scatter.add.f32 [tilespmem:s16], [sflag:$0x6], $0x20, s28, s15, $0xb8;
	[tilespmem:$0x1FF40] =	vst v63  }
0x14f: {  	_ =	swait.ge [sflag:s13], $0x1000  }
0x150: {  	[sflag:s13] =	ssyncset.done $0x0  }
0x151: {  	[sflag:s13] =	ssyncadd.s32 $0xFFFFF000  }
0x152: {  	_ =	swait.ge [sflag:s29], $0x1000  }
0x153: {  	[sflag:s29] =	ssyncset.done $0x0  }
0x154: {  	[sflag:s29] =	ssyncadd.s32 $0xFFFFF000  }
0x155: {  	[spmem:s4] =	stream.indirect.scatter.add.f32 [tilespmem:s18], [sflag:$0x6], $0x20, s30, s15, $0xb8;
	[tilespmem:$0x1FF40] =	vst v63  }
0x156: {  	_ =	swait.ge [sflag:s13], $0x1000  }
0x157: {  	[sflag:s13] =	ssyncset.done $0x0  }
0x158: {  	[sflag:s13] =	ssyncadd.s32 $0xFFFFF000  }
0x159: {  	_ =	swait.ge [sflag:s1], $0x1000  }
0x15a: {  	[sflag:s1] =	ssyncset.done $0x0  }
0x15b: {  	[sflag:s1] =	ssyncadd.s32 $0xFFFFF000  }
0x15c: {  	[spmem:s4] =	stream.indirect.scatter.add.f32 [tilespmem:s20], [sflag:$0x6], $0x20, s31, s15, $0xb8;
	[tilespmem:$0x1FF40] =	vst v63  }
0x15d: {  	_ =	swait.ge [sflag:s13], $0x1000  }
0x15e: {  	[sflag:s13] =	ssyncset.done $0x0  }
0x15f: {  	[sflag:s13] =	ssyncadd.s32 $0xFFFFF000  }
0x160: {  	_ =	swait.ge [sflag:s10], $0x1000  }
0x161: {  	[sflag:s10] =	ssyncset.done $0x0  }
0x162: {  	[sflag:s10] =	ssyncadd.s32 $0xFFFFF000  }
0x163: {  	[spmem:s4] =	stream.indirect.scatter.add.f32 [tilespmem:s22], [sflag:$0x6], $0x20, s2, s15, $0xb8;
	[tilespmem:$0x1FF40] =	vst v63  }
0x164: {  	_ =	swait.ge [sflag:s13], $0x1000  }
0x165: {  	[sflag:s13] =	ssyncset.done $0x0  }
0x166: {  	[sflag:s13] =	ssyncadd.s32 $0xFFFFF000  }
0x167: {  	s0 =	sadd.s32 $0x1, s0;
	_ =	swait.ge [sflag:s3], $0x1000  }
0x168: {  	p0 =	sne.s32 s0, s7;
	[sflag:s3] =	ssyncset.done $0x0  }
.Ltmp2:
0x169: {  	[sflag:s3] =	ssyncadd.s32 $0xFFFFF000;
	(pc) =	sbr.rel @p0 .LBB2_4-.Ltmp2, $4  }
0x16a: {  	[spmem:s4] =	stream.indirect.scatter.add.f32 [tilespmem:s24], [sflag:$0x6], $0x20, s9, s15, $0xb8;
	[tilespmem:$0x1FF40] =	vst v63  }
0x16b: {  	_ =	swait.ge [sflag:s13], $0x1000  }
0x16c: {  	[sflag:s13] =	ssyncset.done $0x0  }
0x16d: {  	[sflag:s13] =	ssyncadd.s32 $0xFFFFF000  }
0x16e: {  	s0 =	stileid.u32;
	[bflag:$0x0] =	sbarrier.arrive $0xFFFF  }
0x16f: {  	s0 =	sshll.u32 s0, $0x6;
	s5 =	rddreg [dreg:$0x5]  }
0x170: {  	s14 =	rddreg [dreg:$0x7];
	s0 =	sor.u32 $0x1C06, s0  }
0x171: {  	[hbm:s5], [sflag:s0] =	dma.local [spmem:s14], $0x30D4  }
0x172: {  	_ =	swait.ge [sflag:s13], $0x30D4  }
0x173: {  	s17 =	rddreg [dreg:$0x8]  }
0x174: {  	s19 =	rddreg [dreg:$0x6];
	s5 =	sadd.s32 $0x1, s17  }
0x175: {  	p0 =	sne.s32 s5, s19  }
.Ltmp3:
0x176: {  	_ = 	snop;
	(pc) =	sbr.rel @p0 .LBB2_1-.Ltmp3, $3  }
0x177: {  	_ =	sdelay $0x1  }
0x178: {  	[sflag:s13] =	ssyncset.done $0x0  }
0x179: {  	[sflag:s13] =	ssyncadd.s32 $0xFFFFCF2C  }
0x17a: {  	_ =	sfence.sel $0x180000  }
0x17b: {  	[bflag:$0x0] =	sbarrier.arrive $0xFFFF  }
0x17c: {  	_ =	strace $0x90000047  }
0x17d: {  	s0 =	stileid.u32;
	[bflag:$0x2] =	sbarrier.arrive $0xFFFF  }
0x17e: {  	p0 =	sne.s32 s0, $0x0;
	s0 =	rddreg [dreg:$0x4]  }
0x17f: {  	s0 =	sadd.s32 @!p0 $0x100000, s0  }
0x180: {  	[sflag:s0] =	ssyncadd.tile.s32 @!p0 $0x1;
	_ =	shalt  }
.Lfunc_end2:
_tile_overlayer_lowered:
.L_overlay_start_2:
0x181: {  	(tag) =	ssettag $0x2  }
0x182: {  	s0 =	rddreg [dreg:$0x0];
	s2 =	stileid.u32  }
0x183: {  	s1 =	rddreg [dreg:$0x1];
	p0 =	sne.s32 s2, $0x0  }
0x184: {  	s3 =	rddreg [dreg:$0x2];
	[bflag:$0x3] =	sbarrier.arrive $0xFFFF;
	s2 =	simm.s32 @!p0 $0x1C06  }
0x185: {  	[timem:s3], [sflag:s2] =	dma.local @!p0 [hbm:s0], s1  }
0x186: {  	s0 =	simm.s32 @!p0 $0x6  }
0x187: {  	_ =	swait.ge @!p0 [sflag:s0], s1  }
0x188: {  	s1 =	ssub.s32 @!p0 $0x0, s1;
	[sflag:s0] =	ssyncset.done @!p0 $0x0  }
0x189: {  	[sflag:s0] =	ssyncadd.s32 @!p0 s1  }
0x18a: {  	[bflag:$0x3] =	sbarrier.arrive $0xFFFF  }
0x18b: {  	_ =	shalt  }

// kernel: kernel.8.cloned.1.call-start
scs
__scs_entry_jumppad:
0x0: {  	(pc) =	sbr.rel $0x88, $3  }
0x1: {  	(tag) =	ssettag $0x0;
	lr =	simm.s32 $0x1  }
0x2: {  	[smem:$0x3F9C] =	sst lr;
	_ =	strace $0xD0000000  }
0x3: {  	_ = 	snop  }
0x4: {  	_ = 	snop  }
0x5: {  	_ = 	snop  }
0x6: {  	_ = 	snop  }
0x7: {  	_ = 	snop  }
__scs_overlays_trampoline_lowered:
0x8: {  	[smem:$0x3FAB] =	sst s0  }
0x9: {  	[smem:$0x3FAC] =	sst s1  }
0xa: {  	[smem:$0x3FAD] =	sst s2  }
0xb: {  	[smem:$0x3FAE] =	sst s3  }
0xc: {  	[smem:$0x3FAF] =	sst s4  }
0xd: {  	[smem:$0x3FB0] =	sst s5  }
0xe: {  	[smem:$0x3FB1] =	sst s6  }
0xf: {  	[smem:$0x3FB2] =	sst s7  }
0x10: {  	[smem:$0x3FB3] =	sst s8  }
0x11: {  	[smem:$0x3FB4] =	sst s9;
	s0 =	simm.s32 @!p0 $0x0  }
0x12: {  	s1 =	sld [smem:$0x3F9A];
	s0 =	simm.s32 @p0 $0x1  }
0x13: {  	[smem:$0x3FB5] =	sst s0;
	s0 =	simm.s32 @!p1 $0x0  }
0x14: {  	s2 =	sld [smem:$0x3F99];
	s0 =	simm.s32 @p1 $0x1  }
0x15: {  	[smem:$0x3FB6] =	sst s0;
	s0 =	simm.s32 @!p2 $0x0  }
0x16: {  	s3 =	sld [smem:$0x3FDB];
	s0 =	simm.s32 @p2 $0x1  }
0x17: {  	s4 =	simm.s32 $0x1BF5;
	[smem:$0x3FB8] =	sst s0  }
0x18: {  	s0 =	sld [smem:$0x3F9B];
	_ =	swait.ge [sflag:s4], $0x0  }
0x19: {  	s7 =	sld [smem:$0x3F9C]  }
0x1a: {  	s8 =	sadd.s32 $0xFFFFE003, lr  }
0x1b: {  	s9 =	sadd.s32 $0xFFFFFEF7, lr;
	s5 =	simm.s32 $0xFFFFFFFF;
	p2 =	slt.u32 s8, $0xFFFFF086  }
0x1c: {  	p1 =	slt.u32 s9, $0xF7A;
	s5 =	simm.s32 @!p2 $0x0  }
0x1d: {  	s5 =	simm.s32 @p1 $0x1;
	p0 =	seq.s32 s7, s2  }
0x1e: {  	s7 =	smul.u32 @!p0 $0xF7A, s2;
	p2 =	seq.s32 @!p0 s5, $0x0  }
0x1f: {  	s9 =	smul.u32 $0xF7A, s1;
	s8 =	simm.s32 @!p0 $0x1BF5;
	p2 =	por !p2, p0  }
0x20: {  	[sflag:s8] =	ssyncset.s32 @!p0 $0xFFFFF086;
	s6 =	sadd.s32 @!p0 s3, s7;
	s7 =	simm.s32 @!p0 $0x108  }
0x21: {  	s3 =	sadd.s32 s3, s9;
	s6 =	sadd.s32 @!p0 $0x88, s6;
	s7 =	simm.s32 @p2 $0x1082  }
0x22: {  	[simem:s7], [sflag:s8] =	dma.local @!p0 [hbm:s6], $0xF7A  }
0x23: {  	s9 =	sor.u32 $0xD0000000, s2;
	s6 =	simm.s32 $0x108;
	_ =	swait.ge @!p0 [sflag:s8], $0x0  }
0x24: {  	s3 =	sadd.s32 $0x88, s3;
	s6 =	simm.s32 @!p1 $0x1082;
	[sflag:s4] =	ssyncset.s32 $0xFFFFF086  }
0x25: {  	[simem:s6], [sflag:s4] =	dma.local [hbm:s3], $0xF7A  }
0x26: {  	[smem:$0x3F9C] =	sst s1;
	(tag) =	ssettag s2;
	_ =	strace s9  }
0x27: {  	s1 =	sld [smem:$0x3FAC]  }
0x28: {  	s2 =	sld [smem:$0x3FAD]  }
0x29: {  	s4 =	sld [smem:$0x3FAF]  }
0x2a: {  	p0 =	seq.s32 s5, $0x0;
	s5 =	sld [smem:$0x3FB0]  }
0x2b: {  	s6 =	sld [smem:$0x3FB1]  }
0x2c: {  	s7 =	sld [smem:$0x3FB2]  }
0x2d: {  	s3 =	simm.s32 $0x108;
	s8 =	sld [smem:$0x3FB3]  }
0x2e: {  	s3 =	simm.s32 @!p0 $0x1082;
	s9 =	sld [smem:$0x3FB4]  }
0x2f: {  	lr =	sadd.s32 s0, s3;
	s0 =	sld [smem:$0x3FAB]  }
0x30: {  	s3 =	sld [smem:$0x3FAE]  }
0x31: {  	[smem:$0x3FB7] =	sst s10  }
0x32: {  	s10 =	sld [smem:$0x3FB5];
	_ =	sdelay $0x3  }
0x33: {  	p0 =	seq.s32 s10, $0x1;
	s10 =	sld [smem:$0x3FB7];
	_ =	sdelay $0x3  }
0x34: {  	[smem:$0x3FB7] =	sst s10  }
0x35: {  	s10 =	sld [smem:$0x3FB6];
	_ =	sdelay $0x3  }
0x36: {  	p1 =	seq.s32 s10, $0x1;
	s10 =	sld [smem:$0x3FB7];
	_ =	sdelay $0x3  }
0x37: {  	[smem:$0x3FB7] =	sst s10  }
0x38: {  	s10 =	sld [smem:$0x3FB8]  }
0x39: {  	_ = 	snop;
	(pc) =	sbr.ind lr, $3  }
0x3a: {  	_ = 	snop  }
0x3b: {  	_ = 	snop  }
0x3c: {  	p2 =	seq.s32 s10, $0x1;
	s10 =	sld [smem:$0x3FB7]  }
0x3d: {  	_ =	shalt  }
0x3e: {  	_ =	shalt  }
0x3f: {  	_ =	shalt  }
0x40: {  	_ =	shalt  }
0x41: {  	_ =	shalt  }
0x42: {  	_ =	shalt  }
0x43: {  	_ =	shalt  }
0x44: {  	_ =	shalt  }
0x45: {  	_ =	shalt  }
0x46: {  	_ =	shalt  }
0x47: {  	_ =	shalt  }
0x48: {  	_ =	shalt  }
0x49: {  	_ =	shalt  }
0x4a: {  	_ =	shalt  }
0x4b: {  	_ =	shalt  }
0x4c: {  	_ =	shalt  }
0x4d: {  	_ =	shalt  }
0x4e: {  	_ =	shalt  }
0x4f: {  	_ =	shalt  }
0x50: {  	_ =	shalt  }
0x51: {  	_ =	shalt  }
0x52: {  	_ =	shalt  }
0x53: {  	_ =	shalt  }
0x54: {  	_ =	shalt  }
0x55: {  	_ =	shalt  }
0x56: {  	_ =	shalt  }
0x57: {  	_ =	shalt  }
0x58: {  	_ =	shalt  }
0x59: {  	_ =	shalt  }
0x5a: {  	_ =	shalt  }
0x5b: {  	_ =	shalt  }
0x5c: {  	_ =	shalt  }
0x5d: {  	_ =	shalt  }
0x5e: {  	_ =	shalt  }
0x5f: {  	_ =	shalt  }
0x60: {  	_ =	shalt  }
0x61: {  	_ =	shalt  }
0x62: {  	_ =	shalt  }
0x63: {  	_ =	shalt  }
0x64: {  	_ =	shalt  }
0x65: {  	_ =	shalt  }
0x66: {  	_ =	shalt  }
0x67: {  	_ =	shalt  }
0x68: {  	_ =	shalt  }
0x69: {  	_ =	shalt  }
0x6a: {  	_ =	shalt  }
0x6b: {  	_ =	shalt  }
0x6c: {  	_ =	shalt  }
0x6d: {  	_ =	shalt  }
0x6e: {  	_ =	shalt  }
0x6f: {  	_ =	shalt  }
0x70: {  	_ =	shalt  }
0x71: {  	_ =	shalt  }
0x72: {  	_ =	shalt  }
0x73: {  	_ =	shalt  }
0x74: {  	_ =	shalt  }
0x75: {  	_ =	shalt  }
0x76: {  	_ =	shalt  }
0x77: {  	_ =	shalt  }
0x78: {  	_ =	shalt  }
0x79: {  	_ =	shalt  }
0x7a: {  	_ =	shalt  }
0x7b: {  	_ =	shalt  }
0x7c: {  	_ =	shalt  }
0x7d: {  	_ =	shalt  }
0x7e: {  	_ =	shalt  }
0x7f: {  	_ =	shalt  }
0x80: {  	_ =	shalt  }
0x81: {  	_ =	shalt  }
0x82: {  	_ =	shalt  }
0x83: {  	_ =	shalt  }
0x84: {  	_ =	shalt  }
0x85: {  	_ =	shalt  }
0x86: {  	_ =	shalt  }
0x87: {  	_ =	shalt  }
.Lfunc_end0:
.L_simem_size_0:
called_computation.1_lowered:
.L_overlay_start_0:
0x88: {  	s2 =	sld [smem:$0x3FD9]  }
0x89: {  	s3 =	sld [smem:$0x3FFE];
	_ =	sdelay $0x1  }
0x8a: {  	s1 =	srdreg.scid  }
0x8b: {  	s0 =	sand.u32 $0x1, s1  }
0x8c: {  	s16 =	sshll.u32 s0, $0xA;
	s2 =	sadd.s32 s3, s2  }
0x8d: {  	s2 =	sadd.s32 s2, s16  }
0x8e: {  	[smem:$0x3FC3] =	sst s2  }
0x8f: {  	_ = 	snop  }
0x90: {  	(tm) =	ssettm $0x1  }
0x91: {  	s17 =	sld [smem:$0x3FFB];
	_ =	sdelay $0x3  }
0x92: {  	_ =	strace s17  }
0x93: {  	s2 =	sld [smem:$0x3FFC];
	_ =	sdelay $0x3  }
0x94: {  	_ =	strace s2  }
0x95: {  	s2 =	sld [smem:$0x3FFD];
	_ =	sdelay $0x3  }
0x96: {  	_ =	strace s2  }
0x97: {  	_ =	strace $0x8FFFFFFF  }
0x98: {  	s18 =	sld [smem:$0x3FDB];
	_ =	sdelay $0x1  }
0x99: {  	s19 =	simm.s32 $_scs_section_size  }
0x9a: {  	s4 =	simm.s32 $_size__tile_overlayer_lowered;
	s5 =	simm.s32 $_tile_overlayer_lowered  }
0x9b: {  	s22 =	simm.s32 $0x1BFF;
	s21 =	sshll.u32 s5, $0x1;
	s2 =	sadd.s32 s19, s18  }
0x9c: {  	s6 =	simm.s32 $0x0;
	s20 =	sshll.u32 s4, $0x1;
	s4 =	sadd.s32 s21, s2  }
0x9d: {  	[timem:s6], [sflag:s22] =	dma.local [hbm:s4], s20  }
0x9e: {  	_ =	swait.ge [sflag:s22], s20  }
0x9f: {  	s3 =	ssub.s32 $0x0, s20;
	[sflag:s22] =	ssyncset.done $0x0  }
0xa0: {  	[sflag:s22] =	ssyncadd.s32 s3;
	_ =	sdelay $0x1  }
0xa1: {  	s23 =	simm.s32 $0x1B8B  }
0xa2: {  	_ =	swait.ge [sflag:s23], $0x1  }
0xa3: {  	[sflag:s23] =	ssyncset.done $0x0  }
0xa4: {  	s25 =	simm.s32 $0x1B8E;
	s24 =	sld [smem:$0x3FFE];
	[sflag:s23] =	ssyncadd.s32 $0xFFFFFFFF  }
0xa5: {  	s26 =	simm.s32 $execute0_lowered;
	[smem:$0x3FD2] =	sst s25  }
0xa6: {  	s4 =	sshll.u32 s26, $0x1;
	_ =	strace $0x80000049;
	[dreg:$0x1] =	wrdreg $0xFFFFFFFF  }
0xa7: {  	s28 =	simm.s32 $_size_execute0_lowered;
	s2 =	sadd.s32 s2, s4;
	[dreg:$0x0] =	wrdreg $0x0  }
0xa8: {  	s4 =	sshll.u32 s28, $0x1;
	[dreg:$0x2] =	wrdreg s2  }
0xa9: {  	[dreg:$0x3] =	wrdreg s4  }
0xaa: {  	[dreg:$0x4] =	wrdreg $0xC0  }
0xab: {  	_ =	task [dreg:s6], $0x5FFFF  }
0xac: {  	[dreg:$0x1] =	wrdreg $0xFFFFFFFF  }
0xad: {  	[dreg:$0x0] =	wrdreg $0x60  }
0xae: {  	[dreg:$0x2] =	wrdreg s24  }
0xaf: {  	[dreg:$0x3] =	wrdreg $0x9  }
0xb0: {  	_ =	task.clear_ibuf [dreg:s6], $0x4FFFF;
	_ =	strace $0x90000049  }
0xb1: {  	s29 =	simm.s32 $0x9;
	_ =	strace $0x8000004B  }
0xb2: {  	_ =	swait.ge [sflag:s29], $0x1  }
0xb3: {  	[sflag:s29] =	ssyncadd.s32 $0xFFFFFFFF  }
0xb4: {  	_ =	strace $0x9000004B  }
0xb5: {  	_ =	sfence  }
0xb6: {  	s30 =	sld [smem:$0x0];
	_ =	sdelay $0x2  }
0xb7: {  	s31 =	sshll.u32 s1, $0xD;
	s1 =	sshrl.u32 s1, $0x2  }
0xb8: {  	s3 =	sand.u32 $0x4000, s31;
	s1 =	sadd.s32 s1, s30  }
0xb9: {  	s0 =	sor.u32 s3, s0;
	s1 =	sshll.u32 s1, $0x11  }
0xba: {  	s0 =	sor.u32 s1, s0  }
0xbb: {  	s0 =	sadd.s32 $0x8F2B, s0  }
0xbc: {  	[sflag:s0] =	ssyncadd.remote.s32 $0x1  }
0xbd: {  	_ =	sfence.sel $0xFFFF  }
0xbe: {  	[dreg:$0x0] =	wrdreg $0xFFFFFFFF;
	(pc) =	sbr.abs _section_cstart, $3  }
0xbf: {  	[dreg:$0x1] =	wrdreg $0xFFFFFFFF  }
0xc0: {  	_ =	task.clear_ibuf [dreg:s6], $0x2FFFF;
	_ =	strace $0x9FFFFFFF  }
0xc1: {  	(tm) =	ssettm $0x7FFFFFFF  }
tec
execute0_lowered:
.L_overlay_start_1:
0x0: {  	(tag) =	ssettag $0x1  }
0x1: {  	s0 =	srdreg.scid;
	s1 =	rddreg [dreg:$0x0]  }
0x2: {  	s4 =	stileid.u32;
	s2 =	simm.s32 $0x0;
	s29 =	simm.s32 $0x1  }
0x3: {  	s30 =	simm.s32 $0x6200;
	s31 =	simm.s32 $0xC400;
	s0 =	sand.u32 $0x1, s0  }
0x4: {  	[smem:$0x7FF] =	sst s2;
	s5 =	sadd.s32 $0xC4800, s1;
	s3 =	sshll.u32 s0, $0x4  }
0x5: {  	s7 =	sadd.s32 $0x1000, s1;
	s0 =	ssub.s32 $0x2, s0;
	s3 =	sor.u32 s4, s3  }
0x6: {  	s1 =	sadd.s32 $0xF5540, s1;
	s8 =	sshrl.u32 s0, $0x1;
	s4 =	smul.u32 $0x618, s3  }
0x7: {  	_ =	strace $0x8000004A;
	s0 =	ssub.s32 s0, s8;
	s20 =	smul.u32 $0x620, s3  }
0x8: {  	s21 =	smul.u32 $0xC400, s3;
	p0 =	sgt.u32 s3, $0x9;
	s3 =	simm.s32 $0xDC80  }
0x9: {  	s6 =	sadd.s32 $0x50, s4;
	s14 =	sshrl.u32 s4, $0x3;
	s4 =	sadd.s32 $0x360, s4  }
0xa: {  	s22 =	sshrl.u32 s21, $0x3;
	s23 =	sshrl.u32 s20, $0x3;
	s24 =	sadd.s32 $0x310, s20  }
0xb: {  	s9 =	sshll.u32 s6, $0x2;
	s6 =	sshrl.u32 s6, $0x3;
	s15 =	sadd.s32 s7, s14  }
0xc: {  	s17 =	sshll.u32 s4, $0x2;
	s4 =	sshrl.u32 s4, $0x3;
	s12 =	sadd.s32 s5, s9  }
0xd: {  	s25 =	sshll.u32 s24, $0x2;
	s13 =	sadd.s32 s9, s1;
	[dreg:$0x2] =	wrdreg s12  }
0xe: {  	s26 =	sshrl.u32 s24, $0x3;
	s6 =	sadd.s32 s7, s6;
	[dreg:$0x3] =	wrdreg s13  }
0xf: {  	s8 =	sadd.s32 $0xC35A, s15;
	s16 =	sadd.s32 $0x186AA, s15;
	[dreg:$0x4] =	wrdreg s6  }
0x10: {  	s18 =	sadd.s32 $0x249FA, s15;
	s19 =	sadd.s32 s5, s17;
	[dreg:$0x5] =	wrdreg s8  }
0x11: {  	s10 =	sadd.s32 s17, s1;
	s11 =	sadd.s32 s7, s4;
	[dreg:$0x6] =	wrdreg s16  }
0x12: {  	s14 =	sadd.s32 $0x24A5C, s15;
	s20 =	sadd.s32 s25, s1;
	[dreg:$0x7] =	wrdreg s18  }
0x13: {  	s1 =	simm.s32 $0xC350;
	s4 =	simm.s32 $0xF500;
	[dreg:$0x8] =	wrdreg s19  }
0x14: {  	s12 =	sadd.s32 $0xC3BC, s15;
	s13 =	sadd.s32 $0x1870C, s15;
	s15 =	sadd.s32 s5, s22  }
.Ltmp0:
0x15: {  	s16 =	sadd.s32 s7, s23;
	s19 =	sadd.s32 s5, s25;
	(pc) =	sbr.rel .LBB2_1-.Ltmp0, $4  }
0x16: {  	v0 =	vlaneseq.u32;
	s22 =	sadd.s32 s7, s26;
	s25 =	smax.u32 s0, $0x1;
	s0 =	simm.s32 $0x310  }
0x17: {  	v0 =	vmul.u32 $0x310, v0;
	s5 =	simm.s32 $0x10D80;
	s6 =	simm.s32 $0x0;
	s17 =	sadd.s32 $0x30D40, s15  }
0x18: {  	s18 =	sadd.s32 $0xC350, s16;
	s21 =	sadd.s32 $0x186A0, s16;
	s23 =	sadd.s32 $0x249F0, s16  }
0x19: {  	v1 =	vadd.s32 $0x3100, v0;
	s24 =	sadd.s32 $0xC3B2, s16;
	s26 =	sadd.s32 $0x18702, s16;
	s28 =	sadd.s32 $0x24A52, s16  }
.LBB2_11:
0x1a: {  	v7 =	vadd.s32 v0, v6  }
0x1b: {  	v63 =	vadd.s32 v1, v6;
	_ =	sdelay $0x1  }
0x1c: {  	v3 =	vadd.f32 v3, v4  }
0x1d: {  	v2 =	vadd.f32 v2, v5  }
0x1e: {  	[tilespmem:v7+s31+$0x0] =	vst.idx.msk $0xffff, v3  }
0x1f: {  	[tilespmem:v63+s31+$0x0] =	vst.idx.msk $0xffff, v2  }
0x20: {  	[hbm4b:s11+s2] =	stream.linear.scatter [tilespmem:s31], [sflag:$0x1], $0x308, $0x38;
	[tilespmem:$0x12600] =	vst v63  }
0x21: {  	s7 =	sadd.s32 $0x186A, s11;
	s8 =	simm.s32 $0xC710  }
0x22: {  	[hbm4b:s7+s2] =	stream.linear.scatter [tilespmem:s8], [sflag:$0x1], $0x308, $0x38;
	[tilespmem:$0x12600] =	vst v63  }
0x23: {  	s9 =	simm.s32 $0xCA20;
	s8 =	sadd.s32 $0x30D4, s11  }
0x24: {  	[hbm4b:s8+s2] =	stream.linear.scatter [tilespmem:s9], [sflag:$0x1], $0x308, $0x38;
	[tilespmem:$0x12600] =	vst v63  }
0x25: {  	s8 =	sadd.s32 $0x493E, s11;
	s9 =	simm.s32 $0xCD30  }
0x26: {  	[hbm4b:s8+s2] =	stream.linear.scatter [tilespmem:s9], [sflag:$0x1], $0x308, $0x38;
	[tilespmem:$0x12600] =	vst v63  }
0x27: {  	s8 =	sadd.s32 $0x61A8, s11;
	s9 =	simm.s32 $0xD040  }
0x28: {  	[hbm4b:s8+s2] =	stream.linear.scatter [tilespmem:s9], [sflag:$0x1], $0x308, $0x38;
	[tilespmem:$0x12600] =	vst v63  }
0x29: {  	s8 =	sadd.s32 $0x7A12, s11;
	s9 =	simm.s32 $0xD350  }
0x2a: {  	[hbm4b:s8+s2] =	stream.linear.scatter [tilespmem:s9], [sflag:$0x1], $0x308, $0x38;
	[tilespmem:$0x12600] =	vst v63  }
0x2b: {  	s8 =	sadd.s32 $0x927C, s11;
	s9 =	simm.s32 $0xD660  }
0x2c: {  	[hbm4b:s8+s2] =	stream.linear.scatter [tilespmem:s9], [sflag:$0x1], $0x308, $0x38;
	[tilespmem:$0x12600] =	vst v63  }
0x2d: {  	s8 =	sadd.s32 $0xAAE6, s11;
	s9 =	simm.s32 $0xD970  }
0x2e: {  	[hbm4b:s8+s2] =	stream.linear.scatter [tilespmem:s9], [sflag:$0x1], $0x308, $0x38;
	[tilespmem:$0x12600] =	vst v63  }
0x2f: {  	_ =	swait.ge [sflag:s29], $0x1840  }
0x30: {  	[sflag:s29] =	ssyncset.done $0x0  }
0x31: {  	[sflag:s29] =	ssyncadd.s32 $0xFFFFE7C0  }
0x32: {  	[hbm4b:s12+s2] =	stream.linear.scatter [tilespmem:s3], [sflag:$0x1], $0x308, $0x38;
	[tilespmem:$0x12600] =	vst v63  }
0x33: {  	s8 =	sadd.s32 $0x186A, s12;
	s9 =	simm.s32 $0xDF90  }
0x34: {  	[hbm4b:s8+s2] =	stream.linear.scatter [tilespmem:s9], [sflag:$0x1], $0x308, $0x38;
	[tilespmem:$0x12600] =	vst v63  }
0x35: {  	s8 =	sadd.s32 $0x30D4, s12;
	s9 =	simm.s32 $0xE2A0  }
0x36: {  	[hbm4b:s8+s2] =	stream.linear.scatter [tilespmem:s9], [sflag:$0x1], $0x308, $0x38;
	[tilespmem:$0x12600] =	vst v63  }
0x37: {  	s8 =	sadd.s32 $0x493E, s12;
	s9 =	simm.s32 $0xE5B0  }
0x38: {  	[hbm4b:s8+s2] =	stream.linear.scatter [tilespmem:s9], [sflag:$0x1], $0x308, $0x38;
	[tilespmem:$0x12600] =	vst v63  }
0x39: {  	s8 =	sadd.s32 $0x61A8, s12;
	s9 =	simm.s32 $0xE8C0  }
0x3a: {  	[hbm4b:s8+s2] =	stream.linear.scatter [tilespmem:s9], [sflag:$0x1], $0x308, $0x38;
	[tilespmem:$0x12600] =	vst v63  }
0x3b: {  	s8 =	sadd.s32 $0x7A12, s12;
	s9 =	simm.s32 $0xEBD0  }
0x3c: {  	[hbm4b:s8+s2] =	stream.linear.scatter [tilespmem:s9], [sflag:$0x1], $0x308, $0x38;
	[tilespmem:$0x12600] =	vst v63  }
0x3d: {  	s8 =	sadd.s32 $0x927C, s12;
	s9 =	simm.s32 $0xEEE0  }
0x3e: {  	[hbm4b:s8+s2] =	stream.linear.scatter [tilespmem:s9], [sflag:$0x1], $0x308, $0x38;
	[tilespmem:$0x12600] =	vst v63  }
0x3f: {  	s8 =	sadd.s32 $0xAAE6, s12;
	s9 =	simm.s32 $0xF1F0  }
0x40: {  	[hbm4b:s8+s2] =	stream.linear.scatter [tilespmem:s9], [sflag:$0x1], $0x308, $0x38;
	[tilespmem:$0x12600] =	vst v63  }
0x41: {  	_ =	swait.ge [sflag:s29], $0x1840  }
0x42: {  	[sflag:s29] =	ssyncset.done $0x0  }
0x43: {  	[sflag:s29] =	ssyncadd.s32 $0xFFFFE7C0  }
0x44: {  	[hbm4b:s13+s2] =	stream.linear.scatter [tilespmem:s4], [sflag:$0x1], $0x308, $0x38;
	[tilespmem:$0x12600] =	vst v63  }
0x45: {  	s8 =	sadd.s32 $0x186A, s13;
	s9 =	simm.s32 $0xF810  }
0x46: {  	[hbm4b:s8+s2] =	stream.linear.scatter [tilespmem:s9], [sflag:$0x1], $0x308, $0x38;
	[tilespmem:$0x12600] =	vst v63  }
0x47: {  	s8 =	sadd.s32 $0x30D4, s13;
	s9 =	simm.s32 $0xFB20  }
0x48: {  	[hbm4b:s8+s2] =	stream.linear.scatter [tilespmem:s9], [sflag:$0x1], $0x308, $0x38;
	[tilespmem:$0x12600] =	vst v63  }
0x49: {  	s8 =	sadd.s32 $0x493E, s13;
	s9 =	simm.s32 $0xFE30  }
0x4a: {  	[hbm4b:s8+s2] =	stream.linear.scatter [tilespmem:s9], [sflag:$0x1], $0x308, $0x38;
	[tilespmem:$0x12600] =	vst v63  }
0x4b: {  	s8 =	sadd.s32 $0x61A8, s13;
	s9 =	simm.s32 $0x10140  }
0x4c: {  	[hbm4b:s8+s2] =	stream.linear.scatter [tilespmem:s9], [sflag:$0x1], $0x308, $0x38;
	[tilespmem:$0x12600] =	vst v63  }
0x4d: {  	s8 =	sadd.s32 $0x7A12, s13;
	s9 =	simm.s32 $0x10450  }
0x4e: {  	[hbm4b:s8+s2] =	stream.linear.scatter [tilespmem:s9], [sflag:$0x1], $0x308, $0x38;
	[tilespmem:$0x12600] =	vst v63  }
0x4f: {  	s8 =	sadd.s32 $0x927C, s13;
	s9 =	simm.s32 $0x10760  }
0x50: {  	[hbm4b:s8+s2] =	stream.linear.scatter [tilespmem:s9], [sflag:$0x1], $0x308, $0x38;
	[tilespmem:$0x12600] =	vst v63  }
0x51: {  	s8 =	sadd.s32 $0xAAE6, s13;
	s9 =	simm.s32 $0x10A70  }
0x52: {  	[hbm4b:s8+s2] =	stream.linear.scatter [tilespmem:s9], [sflag:$0x1], $0x308, $0x38;
	[tilespmem:$0x12600] =	vst v63  }
0x53: {  	_ =	swait.ge [sflag:s29], $0x1840  }
0x54: {  	[sflag:s29] =	ssyncset.done $0x0  }
0x55: {  	[sflag:s29] =	ssyncadd.s32 $0xFFFFE7C0  }
0x56: {  	[hbm4b:s14+s2] =	stream.linear.scatter [tilespmem:s5], [sflag:$0x1], $0x308, $0x38;
	[tilespmem:$0x12600] =	vst v63  }
0x57: {  	s8 =	sadd.s32 $0x186A, s14;
	s9 =	simm.s32 $0x11090  }
0x58: {  	[hbm4b:s8+s2] =	stream.linear.scatter [tilespmem:s9], [sflag:$0x1], $0x308, $0x38;
	[tilespmem:$0x12600] =	vst v63  }
0x59: {  	s8 =	sadd.s32 $0x30D4, s14;
	s9 =	simm.s32 $0x113A0  }
0x5a: {  	[hbm4b:s8+s2] =	stream.linear.scatter [tilespmem:s9], [sflag:$0x1], $0x308, $0x38;
	[tilespmem:$0x12600] =	vst v63  }
0x5b: {  	s8 =	sadd.s32 $0x493E, s14;
	s9 =	simm.s32 $0x116B0  }
0x5c: {  	[hbm4b:s8+s2] =	stream.linear.scatter [tilespmem:s9], [sflag:$0x1], $0x308, $0x38;
	[tilespmem:$0x12600] =	vst v63  }
0x5d: {  	s8 =	sadd.s32 $0x61A8, s14;
	s9 =	simm.s32 $0x119C0  }
0x5e: {  	[hbm4b:s8+s2] =	stream.linear.scatter [tilespmem:s9], [sflag:$0x1], $0x308, $0x38;
	[tilespmem:$0x12600] =	vst v63  }
0x5f: {  	s8 =	sadd.s32 $0x7A12, s14;
	s9 =	simm.s32 $0x11CD0  }
0x60: {  	[hbm4b:s8+s2] =	stream.linear.scatter [tilespmem:s9], [sflag:$0x1], $0x308, $0x38;
	[tilespmem:$0x12600] =	vst v63  }
0x61: {  	s8 =	sadd.s32 $0x927C, s14;
	s9 =	simm.s32 $0x11FE0  }
0x62: {  	[hbm4b:s8+s2] =	stream.linear.scatter [tilespmem:s9], [sflag:$0x1], $0x308, $0x38;
	[tilespmem:$0x12600] =	vst v63  }
0x63: {  	s8 =	sadd.s32 $0xAAE6, s14;
	s9 =	simm.s32 $0x122F0  }
0x64: {  	[hbm4b:s8+s2] =	stream.linear.scatter [tilespmem:s9], [sflag:$0x1], $0x308, $0x38;
	[tilespmem:$0x12600] =	vst v63  }
0x65: {  	_ =	swait.ge [sflag:s29], $0x1840  }
0x66: {  	[sflag:s29] =	ssyncset.done $0x0  }
0x67: {  	[sflag:s29] =	ssyncadd.s32 $0xFFFFE7C0  }
.LBB2_12:
0x68: {  	s6 =	sadd.s32 $0x1, s6  }
0x69: {  	p1 =	sne.s32 s6, s25  }
.Ltmp1:
0x6a: {  	_ = 	snop;
	(pc) =	sbr.rel @!p1 .LBB2_13-.Ltmp1, $1  }
0x6b: {  	_ =	sdelay $0x3  }
.LBB2_1:
.Ltmp2:
0x6c: {  	(pc) =	sbr.rel @p0 .LBB2_7-.Ltmp2, $2  }
0x6d: {  	_ =	sdelay $0x2  }
0x6e: {  	s9 =	simm.s32 $0x0  }
0x6f: {  	[tilespmem:s9], [sflag:$0x1] =	stream.linear.gather [hbm4b:s15+s9], $0x6200, $0x38;
	[tilespmem:$0x12600] =	vst v63  }
0x70: {  	_ =	swait.ge [sflag:s29], $0x6200  }
0x71: {  	[sflag:s29] =	ssyncset.done $0x0  }
0x72: {  	[sflag:s29] =	ssyncadd.s32 $0xFFFF9E00  }
0x73: {  	[tilespmem:s30], [sflag:$0x1] =	stream.linear.gather [hbm4b:s17+s9], $0x6200, $0x38;
	[tilespmem:$0x12600] =	vst v63  }
0x74: {  	_ =	swait.ge [sflag:s29], $0x6200  }
0x75: {  	[sflag:s29] =	ssyncset.done $0x0  }
0x76: {  	s7 =	simm.s32 $0x6210;
	[sflag:s29] =	ssyncadd.s32 $0xFFFF9E00  }
0x77: {  	v2 =	vld [tilespmem:s7+$0x0]  }
0x78: {  	s8 =	simm.s32 $0x10;
	v3 =	vld [tilespmem:s7+$0xFFFFFFF0]  }
0x79: {  	v6 =	vmov s9;
	v4 =	vld [tilespmem:s8+$0xFFFFFFF0]  }
0x7a: {  	v6 =	vand.u32 $0x3FF, v6;
	s9 =	simm.s32 $0x1;
	v5 =	vld [tilespmem:s8+$0x0]  }
.LBB2_3:
0x7b: {  	p1 =	sne.s32 s9, $0x30F;
	v7 =	vadd.s32 v0, v6  }
0x7c: {  	v6 =	vadd.s32 v1, v6;
	_ =	sdelay $0x1  }
0x7d: {  	v3 =	vadd.f32 v3, v4  }
0x7e: {  	v2 =	vadd.f32 v2, v5  }
0x7f: {  	[tilespmem:v7+s31+$0x0] =	vst.idx.msk $0xffff, v3  }
.Ltmp3:
0x80: {  	s7 =	sadd.s32 $0x20, s7;
	[tilespmem:v6+s31+$0x0] =	vst.idx.msk $0xffff, v2;
	(pc) =	sbr.rel @p1 .LBB2_3-.Ltmp3, $4  }
0x81: {  	v2 =	vld [tilespmem:s7+$0x0]  }
0x82: {  	s8 =	sadd.s32 $0x20, s8;
	v3 =	vld [tilespmem:s7+$0xFFFFFFF0]  }
0x83: {  	v6 =	vmov s9;
	v4 =	vld [tilespmem:s8+$0xFFFFFFF0]  }
0x84: {  	s9 =	sadd.s32 $0x1, s9;
	v6 =	vand.u32 $0x3FF, v6;
	v5 =	vld [tilespmem:s8+$0x0]  }
0x85: {  	v7 =	vadd.s32 v0, v6  }
0x86: {  	v6 =	vadd.s32 v1, v6;
	_ =	sdelay $0x1  }
0x87: {  	v3 =	vadd.f32 v3, v4  }
0x88: {  	v2 =	vadd.f32 v2, v5  }
0x89: {  	[tilespmem:v7+s31+$0x0] =	vst.idx.msk $0xffff, v3  }
0x8a: {  	[tilespmem:v6+s31+$0x0] =	vst.idx.msk $0xffff, v2  }
0x8b: {  	[hbm4b:s16+s0] =	stream.strided.scatter [tilespmem:s31], [sflag:$0x1], $0x1880, s1, s0, $0x38;
	[tilespmem:$0x12600] =	vst v63  }
0x8c: {  	_ =	swait.ge [sflag:s29], $0x1880  }
0x8d: {  	[sflag:s29] =	ssyncset.done $0x0  }
0x8e: {  	[sflag:s29] =	ssyncadd.s32 $0xFFFFE780  }
0x8f: {  	[hbm4b:s18+s0] =	stream.strided.scatter [tilespmem:s3], [sflag:$0x1], $0x1880, s1, s0, $0x38;
	[tilespmem:$0x12600] =	vst v63  }
0x90: {  	_ =	swait.ge [sflag:s29], $0x1880  }
0x91: {  	[sflag:s29] =	ssyncset.done $0x0  }
0x92: {  	[sflag:s29] =	ssyncadd.s32 $0xFFFFE780  }
0x93: {  	[hbm4b:s21+s0] =	stream.strided.scatter [tilespmem:s4], [sflag:$0x1], $0x1880, s1, s0, $0x38;
	[tilespmem:$0x12600] =	vst v63  }
0x94: {  	_ =	swait.ge [sflag:s29], $0x1880  }
0x95: {  	[sflag:s29] =	ssyncset.done $0x0  }
0x96: {  	[sflag:s29] =	ssyncadd.s32 $0xFFFFE780  }
0x97: {  	[hbm4b:s23+s0] =	stream.strided.scatter [tilespmem:s5], [sflag:$0x1], $0x1880, s1, s0, $0x38;
	[tilespmem:$0x12600] =	vst v63  }
0x98: {  	_ =	swait.ge [sflag:s29], $0x1880  }
0x99: {  	[sflag:s29] =	ssyncset.done $0x0  }
0x9a: {  	s9 =	simm.s32 $0x0;
	[sflag:s29] =	ssyncadd.s32 $0xFFFFE780  }
0x9b: {  	[tilespmem:s9], [sflag:$0x1] =	stream.linear.gather [hbm4b:s19+s9], $0x6200, $0x38;
	[tilespmem:$0x12600] =	vst v63  }
0x9c: {  	_ =	swait.ge [sflag:s29], $0x6200  }
0x9d: {  	[sflag:s29] =	ssyncset.done $0x0  }
0x9e: {  	[sflag:s29] =	ssyncadd.s32 $0xFFFF9E00  }
0x9f: {  	[tilespmem:s30], [sflag:$0x1] =	stream.linear.gather [hbm4b:s20+s9], $0x6200, $0x38;
	[tilespmem:$0x12600] =	vst v63  }
0xa0: {  	_ =	swait.ge [sflag:s29], $0x6200  }
0xa1: {  	[sflag:s29] =	ssyncset.done $0x0  }
0xa2: {  	s7 =	simm.s32 $0x6210;
	[sflag:s29] =	ssyncadd.s32 $0xFFFF9E00  }
0xa3: {  	v2 =	vld [tilespmem:s7+$0x0]  }
0xa4: {  	s8 =	simm.s32 $0x10;
	v3 =	vld [tilespmem:s7+$0xFFFFFFF0]  }
0xa5: {  	v6 =	vmov s9;
	v4 =	vld [tilespmem:s8+$0xFFFFFFF0]  }
0xa6: {  	v6 =	vand.u32 $0x3FF, v6;
	s9 =	simm.s32 $0x1;
	v5 =	vld [tilespmem:s8+$0x0]  }
.LBB2_5:
0xa7: {  	p1 =	sne.s32 s9, $0x30F;
	v7 =	vadd.s32 v0, v6  }
0xa8: {  	v6 =	vadd.s32 v1, v6;
	_ =	sdelay $0x1  }
0xa9: {  	v3 =	vadd.f32 v3, v4  }
0xaa: {  	v2 =	vadd.f32 v2, v5  }
0xab: {  	[tilespmem:v7+s31+$0x0] =	vst.idx.msk $0xffff, v3  }
.Ltmp4:
0xac: {  	s7 =	sadd.s32 $0x20, s7;
	[tilespmem:v6+s31+$0x0] =	vst.idx.msk $0xffff, v2;
	(pc) =	sbr.rel @p1 .LBB2_5-.Ltmp4, $4  }
0xad: {  	v2 =	vld [tilespmem:s7+$0x0]  }
0xae: {  	s8 =	sadd.s32 $0x20, s8;
	v3 =	vld [tilespmem:s7+$0xFFFFFFF0]  }
0xaf: {  	v6 =	vmov s9;
	v4 =	vld [tilespmem:s8+$0xFFFFFFF0]  }
0xb0: {  	s9 =	sadd.s32 $0x1, s9;
	v6 =	vand.u32 $0x3FF, v6;
	v5 =	vld [tilespmem:s8+$0x0]  }
0xb1: {  	v7 =	vadd.s32 v0, v6  }
0xb2: {  	v63 =	vadd.s32 v1, v6;
	_ =	sdelay $0x1  }
0xb3: {  	v3 =	vadd.f32 v3, v4  }
0xb4: {  	v2 =	vadd.f32 v2, v5  }
0xb5: {  	[tilespmem:v7+s31+$0x0] =	vst.idx.msk $0xffff, v3  }
0xb6: {  	[tilespmem:v63+s31+$0x0] =	vst.idx.msk $0xffff, v2  }
0xb7: {  	[hbm4b:s22+s0] =	stream.strided.scatter [tilespmem:s31], [sflag:$0x1], $0x1880, s1, s0, $0x38;
	[tilespmem:$0x12600] =	vst v63  }
0xb8: {  	_ =	swait.ge [sflag:s29], $0x1880  }
0xb9: {  	[sflag:s29] =	ssyncset.done $0x0  }
0xba: {  	[sflag:s29] =	ssyncadd.s32 $0xFFFFE780  }
0xbb: {  	[hbm4b:s24+s0] =	stream.strided.scatter [tilespmem:s3], [sflag:$0x1], $0x1880, s1, s0, $0x38;
	[tilespmem:$0x12600] =	vst v63  }
0xbc: {  	_ =	swait.ge [sflag:s29], $0x1880  }
0xbd: {  	[sflag:s29] =	ssyncset.done $0x0  }
0xbe: {  	[sflag:s29] =	ssyncadd.s32 $0xFFFFE780  }
0xbf: {  	[hbm4b:s26+s0] =	stream.strided.scatter [tilespmem:s4], [sflag:$0x1], $0x1880, s1, s0, $0x38;
	[tilespmem:$0x12600] =	vst v63  }
0xc0: {  	_ =	swait.ge [sflag:s29], $0x1880  }
0xc1: {  	[sflag:s29] =	ssyncset.done $0x0  }
.Ltmp5:
0xc2: {  	[sflag:s29] =	ssyncadd.s32 $0xFFFFE780;
	(pc) =	sbr.rel .LBB2_12-.Ltmp5, $4  }
0xc3: {  	[hbm4b:s28+s0] =	stream.strided.scatter [tilespmem:s5], [sflag:$0x1], $0x1880, s1, s0, $0x38;
	[tilespmem:$0x12600] =	vst v63  }
0xc4: {  	_ =	swait.ge [sflag:s29], $0x1880  }
0xc5: {  	[sflag:s29] =	ssyncset.done $0x0  }
0xc6: {  	[sflag:s29] =	ssyncadd.s32 $0xFFFFE780  }
.LBB2_7:
0xc7: {  	s7 =	rddreg [dreg:$0x2]  }
0xc8: {  	[tilespmem:s9], [sflag:$0x1] =	stream.linear.gather [hbm4b:s7+s9], $0x6200, $0x38;
	[tilespmem:$0x12600] =	vst v63  }
0xc9: {  	_ =	swait.ge [sflag:s29], $0x6200  }
0xca: {  	[sflag:s29] =	ssyncset.done $0x0  }
0xcb: {  	s8 =	rddreg [dreg:$0x3];
	[sflag:s29] =	ssyncadd.s32 $0xFFFF9E00  }
0xcc: {  	[tilespmem:s30], [sflag:$0x1] =	stream.linear.gather [hbm4b:s8+s9], $0x6200, $0x38;
	[tilespmem:$0x12600] =	vst v63  }
0xcd: {  	_ =	swait.ge [sflag:s29], $0x6200  }
0xce: {  	[sflag:s29] =	ssyncset.done $0x0  }
0xcf: {  	s7 =	simm.s32 $0x6210;
	[sflag:s29] =	ssyncadd.s32 $0xFFFF9E00  }
0xd0: {  	v2 =	vld [tilespmem:s7+$0x0]  }
0xd1: {  	s8 =	simm.s32 $0x10;
	v3 =	vld [tilespmem:s7+$0xFFFFFFF0]  }
0xd2: {  	v6 =	vmov s9;
	v4 =	vld [tilespmem:s8+$0xFFFFFFF0]  }
0xd3: {  	v6 =	vand.u32 $0x3FF, v6;
	s9 =	simm.s32 $0x1;
	v5 =	vld [tilespmem:s8+$0x0]  }
.LBB2_8:
0xd4: {  	p1 =	sne.s32 s9, $0x30F;
	v7 =	vadd.s32 v0, v6  }
0xd5: {  	v6 =	vadd.s32 v1, v6;
	_ =	sdelay $0x1  }
0xd6: {  	v3 =	vadd.f32 v3, v4  }
0xd7: {  	v2 =	vadd.f32 v2, v5  }
0xd8: {  	[tilespmem:v7+s31+$0x0] =	vst.idx.msk $0xffff, v3  }
.Ltmp6:
0xd9: {  	s7 =	sadd.s32 $0x20, s7;
	[tilespmem:v6+s31+$0x0] =	vst.idx.msk $0xffff, v2;
	(pc) =	sbr.rel @p1 .LBB2_8-.Ltmp6, $4  }
0xda: {  	v2 =	vld [tilespmem:s7+$0x0]  }
0xdb: {  	s8 =	sadd.s32 $0x20, s8;
	v3 =	vld [tilespmem:s7+$0xFFFFFFF0]  }
0xdc: {  	v6 =	vmov s9;
	v4 =	vld [tilespmem:s8+$0xFFFFFFF0]  }
0xdd: {  	s9 =	sadd.s32 $0x1, s9;
	v6 =	vand.u32 $0x3FF, v6;
	v5 =	vld [tilespmem:s8+$0x0]  }
0xde: {  	v7 =	vadd.s32 v0, v6  }
0xdf: {  	v6 =	vadd.s32 v1, v6;
	_ =	sdelay $0x1  }
0xe0: {  	v3 =	vadd.f32 v3, v4  }
0xe1: {  	v2 =	vadd.f32 v2, v5  }
0xe2: {  	[tilespmem:v7+s31+$0x0] =	vst.idx.msk $0xffff, v3  }
0xe3: {  	s7 =	rddreg [dreg:$0x4];
	[tilespmem:v6+s31+$0x0] =	vst.idx.msk $0xffff, v2  }
0xe4: {  	[hbm4b:s7+s0] =	stream.strided.scatter [tilespmem:s31], [sflag:$0x1], $0x1880, s1, s0, $0x38;
	[tilespmem:$0x12600] =	vst v63  }
0xe5: {  	_ =	swait.ge [sflag:s29], $0x1880  }
0xe6: {  	[sflag:s29] =	ssyncset.done $0x0  }
0xe7: {  	s9 =	rddreg [dreg:$0x5];
	[sflag:s29] =	ssyncadd.s32 $0xFFFFE780  }
0xe8: {  	[hbm4b:s9+s0] =	stream.strided.scatter [tilespmem:s3], [sflag:$0x1], $0x1880, s1, s0, $0x38;
	[tilespmem:$0x12600] =	vst v63  }
0xe9: {  	_ =	swait.ge [sflag:s29], $0x1880  }
0xea: {  	[sflag:s29] =	ssyncset.done $0x0  }
0xeb: {  	s8 =	rddreg [dreg:$0x6];
	[sflag:s29] =	ssyncadd.s32 $0xFFFFE780  }
0xec: {  	[hbm4b:s8+s0] =	stream.strided.scatter [tilespmem:s4], [sflag:$0x1], $0x1880, s1, s0, $0x38;
	[tilespmem:$0x12600] =	vst v63  }
0xed: {  	_ =	swait.ge [sflag:s29], $0x1880  }
0xee: {  	[sflag:s29] =	ssyncset.done $0x0  }
0xef: {  	s9 =	rddreg [dreg:$0x7];
	[sflag:s29] =	ssyncadd.s32 $0xFFFFE780  }
0xf0: {  	[hbm4b:s9+s0] =	stream.strided.scatter [tilespmem:s5], [sflag:$0x1], $0x1880, s1, s0, $0x38;
	[tilespmem:$0x12600] =	vst v63  }
0xf1: {  	_ =	swait.ge [sflag:s29], $0x1880  }
0xf2: {  	[sflag:s29] =	ssyncset.done $0x0  }
0xf3: {  	s9 =	simm.s32 $0x0;
	s8 =	rddreg [dreg:$0x8];
	[sflag:s29] =	ssyncadd.s32 $0xFFFFE780  }
0xf4: {  	[tilespmem:s9], [sflag:$0x1] =	stream.linear.gather [hbm4b:s8+s9], $0x6100, $0x38;
	[tilespmem:$0x12600] =	vst v63  }
0xf5: {  	_ =	swait.ge [sflag:s29], $0x6100  }
0xf6: {  	[sflag:s29] =	ssyncset.done $0x0  }
0xf7: {  	[sflag:s29] =	ssyncadd.s32 $0xFFFF9F00  }
0xf8: {  	[tilespmem:s30], [sflag:$0x1] =	stream.linear.gather [hbm4b:s10+s9], $0x6100, $0x38;
	[tilespmem:$0x12600] =	vst v63  }
0xf9: {  	_ =	swait.ge [sflag:s29], $0x6100  }
0xfa: {  	[sflag:s29] =	ssyncset.done $0x0  }
0xfb: {  	s7 =	simm.s32 $0x6210;
	[sflag:s29] =	ssyncadd.s32 $0xFFFF9F00  }
0xfc: {  	v2 =	vld [tilespmem:s7+$0x0]  }
0xfd: {  	s8 =	simm.s32 $0x10;
	v3 =	vld [tilespmem:s7+$0xFFFFFFF0]  }
0xfe: {  	v6 =	vmov s9;
	v4 =	vld [tilespmem:s8+$0xFFFFFFF0]  }
0xff: {  	v6 =	vand.u32 $0x3FF, v6;
	s9 =	simm.s32 $0x1;
	v5 =	vld [tilespmem:s8+$0x0]  }
.LBB2_10:
0x100: {  	p1 =	sne.s32 s9, $0x307;
	v7 =	vadd.s32 v0, v6  }
0x101: {  	v6 =	vadd.s32 v1, v6;
	_ =	sdelay $0x1  }
0x102: {  	v3 =	vadd.f32 v3, v4  }
0x103: {  	v2 =	vadd.f32 v2, v5  }
0x104: {  	[tilespmem:v7+s31+$0x0] =	vst.idx.msk $0xffff, v3  }
.Ltmp7:
0x105: {  	s7 =	sadd.s32 $0x20, s7;
	[tilespmem:v6+s31+$0x0] =	vst.idx.msk $0xffff, v2;
	(pc) =	sbr.rel @p1 .LBB2_10-.Ltmp7, $4  }
0x106: {  	v2 =	vld [tilespmem:s7+$0x0]  }
0x107: {  	s8 =	sadd.s32 $0x20, s8;
	v3 =	vld [tilespmem:s7+$0xFFFFFFF0]  }
0x108: {  	v6 =	vmov s9;
	v4 =	vld [tilespmem:s8+$0xFFFFFFF0]  }
0x109: {  	s9 =	sadd.s32 $0x1, s9;
	v6 =	vand.u32 $0x3FF, v6;
	v5 =	vld [tilespmem:s8+$0x0]  }
.Ltmp8:
0x10a: {  	_ = 	snop;
	(pc) =	sbr.rel .LBB2_11-.Ltmp8, $1  }
0x10b: {  	_ =	sdelay $0x3  }
.LBB2_13:
0x10c: {  	_ =	sfence.sel $0x180000  }
0x10d: {  	[bflag:$0x0] =	sbarrier.arrive $0xFFFF  }
0x10e: {  	_ =	strace $0x9000004A  }
0x10f: {  	s0 =	stileid.u32;
	[bflag:$0x2] =	sbarrier.arrive $0xFFFF  }
0x110: {  	p0 =	sne.s32 s0, $0x0;
	s0 =	rddreg [dreg:$0x1]  }
0x111: {  	s0 =	sadd.s32 @!p0 $0x100000, s0  }
0x112: {  	[sflag:s0] =	ssyncadd.tile.s32 @!p0 $0x1;
	_ =	shalt  }
.Lfunc_end2:
_tile_overlayer_lowered:
.L_overlay_start_2:
0x113: {  	(tag) =	ssettag $0x2  }
0x114: {  	s0 =	rddreg [dreg:$0x0];
	s2 =	stileid.u32  }
0x115: {  	s1 =	rddreg [dreg:$0x1];
	p0 =	sne.s32 s2, $0x0  }
0x116: {  	s3 =	rddreg [dreg:$0x2];
	[bflag:$0x3] =	sbarrier.arrive $0xFFFF;
	s2 =	simm.s32 @!p0 $0x1C01  }
0x117: {  	[timem:s3], [sflag:s2] =	dma.local @!p0 [hbm:s0], s1  }
0x118: {  	s0 =	simm.s32 @!p0 $0x1  }
0x119: {  	_ =	swait.ge @!p0 [sflag:s0], s1  }
0x11a: {  	s1 =	ssub.s32 @!p0 $0x0, s1;
	[sflag:s0] =	ssyncset.done @!p0 $0x0  }
0x11b: {  	[sflag:s0] =	ssyncadd.s32 @!p0 s1  }
0x11c: {  	[bflag:$0x3] =	sbarrier.arrive $0xFFFF  }
0x11d: {  	_ =	shalt  }

</sc_bundles>
